<compile_context>
chip_gen: v7x
topology: tpu7x:2x2x1
jax: 0.10.2.dev20260603
libtpu: 0.0.44.dev20260713+nightly
codegen_flags: <defaults>
</compile_context>

<pallas_src>
import functools

import jax
import jax.numpy as jnp
from jax import lax
from jax.experimental import pallas as pl
from jax.experimental.pallas import tpu as pltpu
from jax.experimental.pallas import tpu_sc as plsc

_NC = 2
_NS = 16
_K = 80
_G = 10
_BN = 2000


def _segsum_sc(x2, src2, dst, n):
    _, _, dh = x2.shape
    e = dst.shape[0]
    epc = e // _NS
    nchunk = epc // _K
    ngroup = nchunk // _G
    fl = 200
    nf = n // fl
    nfps = -(-nf // _NS)
    nvec = dh // 16

    x_flat = x2.reshape(2 * n, dh)
    src5 = src2.reshape(2 * _NS, ngroup, _G, _K)
    dst4 = dst.reshape(_NS, ngroup, _G, _K)
    mesh = plsc.VectorSubcoreMesh(core_axis_name="c", subcore_axis_name="s")

    @functools.partial(
        pl.kernel,
        mesh=mesh,
        out_type=jax.ShapeDtypeStruct((2 * n, dh), jnp.float32),
        scratch_types=[
            pltpu.VMEM((2, _G, _K), jnp.int32),
            pltpu.VMEM((2, _G, _K), jnp.int32),
            pltpu.VMEM((_G, _K, dh), jnp.float32),
            pltpu.VMEM((fl, dh), jnp.float32),
            pltpu.VMEM_SHARED((n, dh), jnp.float32),
            pltpu.SemaphoreType.DMA,
            pltpu.SemaphoreType.DMA,
            pltpu.SemaphoreType.DMA,
        ],
        compiler_params=pltpu.CompilerParams(use_tc_tiling_on_sc=False),
    )
    def k(x_hbm, src_hbm, dst_hbm, out_hbm, src_g, dst_g, rows_v, zbuf,
          acc_sh, gsem, ssem, isem):
        c = lax.axis_index("c")
        s = lax.axis_index("s")
        w = c * _NS + s

        pltpu.async_copy(src_hbm.at[w, 0], src_g.at[0], isem)
        pltpu.async_copy(dst_hbm.at[s, 0], dst_g.at[0], isem)

        def zrow(i, carry):
            def zlane(j, cc):
                zbuf[i, pl.ds(j * 16, 16)] = jnp.zeros((16,), jnp.float32)
                return cc
            return lax.fori_loop(0, nvec, zlane, carry)
        lax.fori_loop(0, fl, zrow, 0)

        def zcp(t, carry):
            cidx = s + t * _NS
            @pl.when(cidx < nf)
            def _():
                pltpu.sync_copy(zbuf, acc_sh.at[pl.ds(cidx * fl, fl)])
            return carry
        lax.fori_loop(0, nfps, zcp, 0)
        plsc.subcore_barrier()

        def grp(t, carry):
            p = lax.rem(t, 2)
            pltpu.make_async_copy(src_hbm.at[w, t], src_g.at[p], isem).wait()
            pltpu.make_async_copy(dst_hbm.at[s, t], dst_g.at[p], isem).wait()
            gds = [pltpu.async_copy(x_hbm.at[src_g.at[p, b]],
                                    rows_v.at[b], gsem)
                   for b in range(_G)]

            @pl.when(t + 1 < ngroup)
            def _():
                pltpu.async_copy(src_hbm.at[w, t + 1], src_g.at[1 - p], isem)
                pltpu.async_copy(dst_hbm.at[s, t + 1], dst_g.at[1 - p], isem)

            sds = []
            for b in range(_G):
                gds[b].wait()
                sds.append(pltpu.async_copy(rows_v.at[b],
                                            acc_sh.at[dst_g.at[p, b]],
                                            ssem, add=True))
            for b in range(_G):
                sds[b].wait()
            return carry
        lax.fori_loop(0, ngroup, grp, 0)
        plsc.subcore_barrier()

        def wcp(t, carry):
            cidx = s + t * _NS
            @pl.when(cidx < nf)
            def _():
                pltpu.sync_copy(acc_sh.at[pl.ds(cidx * fl, fl)],
                                out_hbm.at[pl.ds(c * n + cidx * fl, fl)])
            return carry
        lax.fori_loop(0, nfps, wcp, 0)

    return k(x_flat, src5, dst4).reshape(2, n, dh)


def _mm_split_tc(x, w):
    n, d = x.shape
    h = w.shape[1]
    hh = h // 2

    def body(x_ref, w_ref, o_ref):
        r = jnp.dot(x_ref[...], w_ref[...], preferred_element_type=jnp.float32)
        o_ref[0] = r[:, :hh]
        o_ref[1] = r[:, hh:]

    return pl.pallas_call(
        body,
        grid=(n // _BN,),
        in_specs=[pl.BlockSpec((_BN, d), lambda i: (i, 0)),
                  pl.BlockSpec((d, h), lambda i: (0, 0))],
        out_specs=pl.BlockSpec((2, _BN, hh), lambda i: (0, i, 0)),
        out_shape=jax.ShapeDtypeStruct((2, n, hh), jnp.float32))(x, w)


def _layer2_tc(s1, x1, b1, w2p):
    _, n, hh = x1.shape
    cp = w2p.shape[1]
    ch = cp // 2

    h = 2 * hh

    def body(s_ref, x_ref, b_ref, w_ref, o_ref):
        agg = jnp.concatenate(
            [s_ref[0] + x_ref[0], s_ref[1] + x_ref[1]], axis=1) + b_ref[...]
        hact = jnp.maximum(agg, 0.0)
        r = jnp.dot(hact, w_ref[...], preferred_element_type=jnp.float32)
        o_ref[0] = r[:, :ch]
        o_ref[1] = r[:, ch:]

    return pl.pallas_call(
        body,
        grid=(n // _BN,),
        in_specs=[pl.BlockSpec((2, _BN, hh), lambda i: (0, i, 0)),
                  pl.BlockSpec((2, _BN, hh), lambda i: (0, i, 0)),
                  pl.BlockSpec((1, h), lambda i: (0, 0)),
                  pl.BlockSpec((h, cp), lambda i: (0, 0))],
        out_specs=pl.BlockSpec((2, _BN, ch), lambda i: (0, i, 0)),
        out_shape=jax.ShapeDtypeStruct((2, n, ch), jnp.float32))(
            s1, x1, b1, w2p)


def _head_tc(s2, y, b2p, labels2d, maskf2d, c_real):
    _, n, ch = y.shape
    cp = 2 * ch
    ng = n // _BN

    def body(s_ref, y_ref, b_ref, lab_ref, m_ref, lp_ref, stats_ref):
        logits = jnp.concatenate(
            [s_ref[0] + y_ref[0], s_ref[1] + y_ref[1]], axis=1) + b_ref[...]
        col = lax.broadcasted_iota(jnp.int32, (1, cp), 1)
        valid = col < c_real
        mx = jnp.max(jnp.where(valid, logits, -1e30), axis=1, keepdims=True)
        ex = jnp.where(valid, jnp.exp(logits - mx), 0.0)
        lse = jnp.log(jnp.sum(ex, axis=1, keepdims=True)) + mx
        lp = logits - lse
        lp_ref[...] = lp
        cols = lax.broadcasted_iota(jnp.int32, (_BN, cp), 1)
        onehot = cols == lab_ref[...]
        picked = jnp.sum(jnp.where(onehot, lp, 0.0), axis=1, keepdims=True)
        m = m_ref[...]
        num = -jnp.sum(picked * m)
        den = jnp.sum(m)
        i = pl.program_id(0)
        lane = lax.broadcasted_iota(jnp.int32, (1, 128), 1)

        @pl.when(i == 0)
        def _():
            stats_ref[...] = jnp.zeros((1, 128), jnp.float32)

        stats_ref[...] += (jnp.where(lane == 0, num, 0.0)
                           + jnp.where(lane == 1, den, 0.0))

        @pl.when(i == ng - 1)
        def _():
            st = stats_ref[...]
            tot_num = jnp.sum(jnp.where(lane == 0, st, 0.0))
            tot_den = jnp.sum(jnp.where(lane == 1, st, 0.0))
            loss = tot_num / jnp.maximum(tot_den, 1.0)
            stats_ref[...] = st + jnp.where(lane == 2, loss, 0.0)

    return pl.pallas_call(
        body,
        grid=(ng,),
        in_specs=[pl.BlockSpec((2, _BN, ch), lambda i: (0, i, 0)),
                  pl.BlockSpec((2, _BN, ch), lambda i: (0, i, 0)),
                  pl.BlockSpec((1, cp), lambda i: (0, 0)),
                  pl.BlockSpec((_BN, 1), lambda i: (i, 0)),
                  pl.BlockSpec((_BN, 1), lambda i: (i, 0))],
        out_specs=(pl.BlockSpec((_BN, cp), lambda i: (i, 0)),
                   pl.BlockSpec((1, 128), lambda i: (0, 0))),
        out_shape=(jax.ShapeDtypeStruct((n, cp), jnp.float32),
                   jax.ShapeDtypeStruct((1, 128), jnp.float32)),
    )(s2, y, b2p, labels2d, maskf2d)


def kernel(features, edge_index, labels, mask, W1, b1, W2, b2):
    n, d = features.shape
    h = W1.shape[1]
    c = W2.shape[1]
    cp = 64

    src = edge_index[0]
    dst = edge_index[1]
    w2p = jnp.pad(W2, ((0, 0), (0, cp - c)))
    b2p = jnp.pad(b2, (0, cp - c)).reshape(1, cp)
    b1r = b1.reshape(1, h)
    labels2d = labels.reshape(n, 1).astype(jnp.int32)
    maskf2d = mask.reshape(n, 1).astype(jnp.float32)

    src2 = jnp.stack([src, src + n])

    x1 = _mm_split_tc(features, W1)
    s1 = _segsum_sc(x1, src2, dst, n)
    y = _layer2_tc(s1, x1, b1r, w2p)
    s2 = _segsum_sc(y, src2, dst, n)
    lp, stats = _head_tc(s2, y, b2p, labels2d, maskf2d, c)
    return lp[:, :c], stats[0, 2]

# --- scband reference (transcript-rebuilt; emitter-appended) ---
"""Pipeline reference for scband-gcn-35450660062089 (READ-ONLY COPY).

The authoritative reference and input builder live on the scoring server;
editing this copy changes nothing except your own understanding.
"""

import jax, jax.numpy as jnp
import numpy as np

N = 10000
E = 320000
D = 128
H = 128
C = 40


def setup_inputs(seed: int = 0) -> dict:
    key = jax.random.key(seed)
    ks = jax.random.split(key, 8)
    features = jax.random.normal(ks[0], (N, D), dtype=jnp.float32)
    edge_index = jax.random.randint(ks[1], (2, E), 0, N, dtype=jnp.int32)
    labels = jax.random.randint(ks[2], (N,), 0, C, dtype=jnp.int32)
    mask = jnp.ones((N,), dtype=jnp.bool_)
    # Layer parameters (NodeApplyModule linears): layer0 D->H (relu), layer1 H->C (no act)
    W1 = jax.random.normal(ks[3], (D, H), dtype=jnp.float32) * (1.0 / np.sqrt(D))
    b1 = jnp.zeros((H,), dtype=jnp.float32)
    W2 = jax.random.normal(ks[4], (H, C), dtype=jnp.float32) * (1.0 / np.sqrt(H))
    b2 = jnp.zeros((C,), dtype=jnp.float32)
    return {"features": features, "edge_index": edge_index, "labels": labels,
            "mask": mask, "W1": W1, "b1": b1, "W2": W2, "b2": b2}


def reference(features, edge_index, labels, mask, W1, b1, W2, b2):
    # GCN with gcn_msg = identity on src features, gcn_reduce = sum over incoming
    # messages (self-edges added in __init__, modeled as explicit +x self term),
    # followed by NodeApplyModule: linear (+ activation on hidden layers).
    src = edge_index[0]
    dst = edge_index[1]
    # Layer 0: message passing (gather src -> scatter-add by dst) + self edge
    agg0 = jax.ops.segment_sum(features[src], dst, num_segments=N) + features
    h = jax.nn.relu(agg0 @ W1 + b1)
    # Layer 1 (output layer, no activation)
    agg1 = jax.ops.segment_sum(h[src], dst, num_segments=N) + h
    logits = agg1 @ W2 + b2
    log_probs = jax.nn.log_softmax(logits, axis=-1)
    # fn_loss = nll_loss over masked nodes
    nll = -jnp.take_along_axis(log_probs, labels[:, None].astype(jnp.int32), axis=1)[:, 0]
    m = mask.astype(jnp.float32)
    loss = jnp.sum(nll * m) / jnp.maximum(jnp.sum(m), 1.0)
    return (log_probs, loss)

if __name__ == "__main__":
    import jax
    _d = setup_inputs()
    print(jax.jit(kernel)(*tuple(_d.values())))

</pallas_src>

<mosaic_0001>
#map = affine_map<(d0, d1) -> (0, 0)>
#map1 = affine_map<(d0, d1) -> (0, 0, 0, 0)>
module attributes {stable_mosaic.version = 14 : i64} {
  func.func @k(%arg0: i32, %arg1: i32, %arg2: memref<20000x64xf32, #tpu.memory_space<hbm>>, %arg3: memref<32x25x10x80xi32, #tpu.memory_space<hbm>>, %arg4: memref<16x25x10x80xi32, #tpu.memory_space<hbm>>, %arg5: memref<20000x64xf32, #tpu.memory_space<hbm>>, %arg6: memref<2x10x80xi32, #tpu.memory_space<vmem>>, %arg7: memref<2x10x80xi32, #tpu.memory_space<vmem>>, %arg8: memref<10x80x64xf32, #tpu.memory_space<vmem>>, %arg9: memref<200x64xf32, #tpu.memory_space<vmem>>, %arg10: memref<10000x64xf32, #tpu.memory_space<vmem_shared>>, %arg11: memref<!tpu.dma_semaphore, #tpu.memory_space<semaphore_mem>>, %arg12: memref<!tpu.dma_semaphore, #tpu.memory_space<semaphore_mem>>, %arg13: memref<!tpu.dma_semaphore, #tpu.memory_space<semaphore_mem>>) attributes {dimension_semantics = [#tpu.dimension_semantics<core_parallel>, #tpu.dimension_semantics<subcore_parallel>], iteration_bounds = array<i64: 2, 16>, scalar_prefetch = 0 : i64, scratch_operands = 8 : i64, tpu.core_type = #tpu.core_type<sc_vector_subcore>, window_params = [{transform_indices = #map}, {transform_indices = #map1}, {transform_indices = #map1}, {transform_indices = #map}]} {
    %mul3A = arith.constant 16 : i32
    %mul3A_0 = arith.muli %arg0, %mul3A : i32
    %add3A = arith.addi %mul3A_0, %arg1 : i32
    %dma_start3A = arith.constant 0 : i32
    %dma_start3A_1 = arith.constant 0 : i32
    %dma_start3A_2 = arith.constant 0 : i32
    %dma_start3A_3 = arith.constant 0 : i32
    %dma_start3A_4 = tpu.memref_slice %arg6[%dma_start3A_1, %dma_start3A_2, %dma_start3A_3] : memref<2x10x80xi32, #tpu.memory_space<vmem>> -> memref<1x10x80xi32, #tpu.memory_space<vmem>>
    %dma_start3A_5 = tpu.memref_squeeze %dma_start3A_4 : memref<1x10x80xi32, #tpu.memory_space<vmem>> -> memref<10x80xi32, #tpu.memory_space<vmem>>
    %dma_start3A_6 = arith.constant 0 : i32
    %dma_start3A_7 = arith.constant 0 : i32
    %dma_start3A_8 = tpu.memref_slice %arg3[%add3A, %dma_start3A, %dma_start3A_6, %dma_start3A_7] : memref<32x25x10x80xi32, #tpu.memory_space<hbm>> -> memref<1x1x10x80xi32, #tpu.memory_space<hbm>>
    %dma_start3A_9 = tpu.memref_squeeze %dma_start3A_8 : memref<1x1x10x80xi32, #tpu.memory_space<hbm>> -> memref<10x80xi32, #tpu.memory_space<hbm>>
    %dma_start3A_10 = arith.constant 0 : i32
    %dma_start3A_11 = arith.constant 0 : i32
    %dma_start3A_12 = tpu.memref_slice %arg6[%dma_start3A_1, %dma_start3A_10, %dma_start3A_11] : memref<2x10x80xi32, #tpu.memory_space<vmem>> -> memref<1x10x80xi32, #tpu.memory_space<vmem>>
    %dma_start3A_13 = tpu.memref_squeeze %dma_start3A_12 : memref<1x10x80xi32, #tpu.memory_space<vmem>> -> memref<10x80xi32, #tpu.memory_space<vmem>>
    %dma_start3A_14 = arith.constant 0 : i32
    %dma_start3A_15 = arith.constant 0 : i32
    %dma_start3A_16 = tpu.memref_slice %arg3[%add3A, %dma_start3A, %dma_start3A_14, %dma_start3A_15] : memref<32x25x10x80xi32, #tpu.memory_space<hbm>> -> memref<1x1x10x80xi32, #tpu.memory_space<hbm>>
    %dma_start3A_17 = tpu.memref_squeeze %dma_start3A_16 : memref<1x1x10x80xi32, #tpu.memory_space<hbm>> -> memref<10x80xi32, #tpu.memory_space<hbm>>
    tpu.enqueue_dma source(%dma_start3A_17 : memref<10x80xi32, #tpu.memory_space<hbm>>) target(%dma_start3A_13 : memref<10x80xi32, #tpu.memory_space<vmem>>) target_semaphore(%arg13 : memref<!tpu.dma_semaphore, #tpu.memory_space<semaphore_mem>>)
    %dma_start3A_18 = arith.constant 0 : i32
    %dma_start3A_19 = arith.constant 0 : i32
    %dma_start3A_20 = arith.constant 0 : i32
    %dma_start3A_21 = arith.constant 0 : i32
    %dma_start3A_22 = tpu.memref_slice %arg7[%dma_start3A_19, %dma_start3A_20, %dma_start3A_21] : memref<2x10x80xi32, #tpu.memory_space<vmem>> -> memref<1x10x80xi32, #tpu.memory_space<vmem>>
    %dma_start3A_23 = tpu.memref_squeeze %dma_start3A_22 : memref<1x10x80xi32, #tpu.memory_space<vmem>> -> memref<10x80xi32, #tpu.memory_space<vmem>>
    %dma_start3A_24 = arith.constant 0 : i32
    %dma_start3A_25 = arith.constant 0 : i32
    %dma_start3A_26 = tpu.memref_slice %arg4[%arg1, %dma_start3A_18, %dma_start3A_24, %dma_start3A_25] : memref<16x25x10x80xi32, #tpu.memory_space<hbm>> -> memref<1x1x10x80xi32, #tpu.memory_space<hbm>>
    %dma_start3A_27 = tpu.memref_squeeze %dma_start3A_26 : memref<1x1x10x80xi32, #tpu.memory_space<hbm>> -> memref<10x80xi32, #tpu.memory_space<hbm>>
    %dma_start3A_28 = arith.constant 0 : i32
    %dma_start3A_29 = arith.constant 0 : i32
    %dma_start3A_30 = tpu.memref_slice %arg7[%dma_start3A_19, %dma_start3A_28, %dma_start3A_29] : memref<2x10x80xi32, #tpu.memory_space<vmem>> -> memref<1x10x80xi32, #tpu.memory_space<vmem>>
    %dma_start3A_31 = tpu.memref_squeeze %dma_start3A_30 : memref<1x10x80xi32, #tpu.memory_space<vmem>> -> memref<10x80xi32, #tpu.memory_space<vmem>>
    %dma_start3A_32 = arith.constant 0 : i32
    %dma_start3A_33 = arith.constant 0 : i32
    %dma_start3A_34 = tpu.memref_slice %arg4[%arg1, %dma_start3A_18, %dma_start3A_32, %dma_start3A_33] : memref<16x25x10x80xi32, #tpu.memory_space<hbm>> -> memref<1x1x10x80xi32, #tpu.memory_space<hbm>>
    %dma_start3A_35 = tpu.memref_squeeze %dma_start3A_34 : memref<1x1x10x80xi32, #tpu.memory_space<hbm>> -> memref<10x80xi32, #tpu.memory_space<hbm>>
    tpu.enqueue_dma source(%dma_start3A_35 : memref<10x80xi32, #tpu.memory_space<hbm>>) target(%dma_start3A_31 : memref<10x80xi32, #tpu.memory_space<vmem>>) target_semaphore(%arg13 : memref<!tpu.dma_semaphore, #tpu.memory_space<semaphore_mem>>)
    %scan3A = arith.constant 0 : i32
    %scan3A_36 = arith.constant 0 : i32
    %scan3A_37 = arith.constant 200 : i32
    %scan3A_38 = arith.addi %scan3A_36, %scan3A_37 : i32
    %scan3A_39 = arith.constant 1 : i32
    scf.for %scan3A_60 = %scan3A_36 to %scan3A_38 step %scan3A_39  : i32 {
      %scan3A_61 = arith.constant 0 : i32
      %scan3A_62 = arith.constant 4 : i32
      %scan3A_63 = arith.addi %scan3A_61, %scan3A_62 : i32
      %scan3A_64 = arith.constant 1 : i32
      scf.for %scan3A_66 = %scan3A_61 to %scan3A_63 step %scan3A_64  : i32 {
        %broadcast_in_dim3A = arith.constant 0.000000e+00 : f32
        %broadcast_in_dim3A_67 = vector.broadcast %broadcast_in_dim3A : f32 to vector<16xf32>
        %mul3A_68 = arith.constant 16 : i32
        %mul3A_69 = arith.muli %scan3A_66, %mul3A_68 : i32
        %swap3A = arith.index_cast %scan3A_60 : i32 to index
        %swap3A_70 = arith.index_cast %mul3A_69 : i32 to index
        %swap3A_71 = tpu.vector_load %arg9[%swap3A, %swap3A_70] {strides = array<i32>} : memref<200x64xf32, #tpu.memory_space<vmem>>, vector<1x16xf32>,
        %swap3A_72 = vector.shape_cast %swap3A_71 : vector<1x16xf32> to vector<16xf32>
        %swap3A_73 = vector.shape_cast %broadcast_in_dim3A_67 : vector<16xf32> to vector<1x16xf32>
        tpu.vector_store %arg9[%swap3A, %swap3A_70], %swap3A_73 {strides = array<i32>} : memref<200x64xf32, #tpu.memory_space<vmem>>, vector<1x16xf32>,
      }
      %scan3A_65 = arith.constant 4 : i32
    }
    %scan3A_40 = arith.constant 200 : i32
    %scan3A_41 = arith.constant 0 : i32
    %scan3A_42 = arith.constant 0 : i32
    %scan3A_43 = arith.constant 4 : i32
    %scan3A_44 = arith.addi %scan3A_42, %scan3A_43 : i32
    %scan3A_45 = arith.constant 1 : i32
    scf.for %scan3A_60 = %scan3A_42 to %scan3A_44 step %scan3A_45  : i32 {
      %mul3A_61 = arith.constant 16 : i32
      %mul3A_62 = arith.muli %scan3A_60, %mul3A_61 : i32
      %add3A_63 = arith.addi %arg1, %mul3A_62 : i32
      %lt3A = arith.constant 50 : i32
      %lt3A_64 = arith.cmpi slt, %add3A_63, %lt3A : i32
      %convert_element_type3A = arith.extui %lt3A_64 : i1 to i32
      %cond3A = arith.constant 0 : i32
      %cond3A_65 = arith.cmpi ne, %convert_element_type3A, %cond3A : i32
      scf.if %cond3A_65 {
        %mul3A_66 = arith.constant 200 : i32
        %mul3A_67 = arith.muli %add3A_63, %mul3A_66 : i32
        "tpu.region"() ({
          %run_scoped3A = tpu.sem_alloc : memref<!tpu.dma_semaphore, #tpu.memory_space<semaphore_mem>>
          %dma_start3A_68 = arith.constant 0 : i32
          %dma_start3A_69 = tpu.memref_slice %arg10[%mul3A_67, %dma_start3A_68] : memref<10000x64xf32, #tpu.memory_space<vmem_shared>> -> memref<200x64xf32, #tpu.memory_space<vmem_shared>>
          %dma_start3A_70 = arith.constant 0 : i32
          %dma_start3A_71 = tpu.memref_slice %arg10[%mul3A_67, %dma_start3A_70] : memref<10000x64xf32, #tpu.memory_space<vmem_shared>> -> memref<200x64xf32, #tpu.memory_space<vmem_shared>>
          tpu.enqueue_dma source(%arg9 : memref<200x64xf32, #tpu.memory_space<vmem>>) target(%dma_start3A_71 : memref<200x64xf32, #tpu.memory_space<vmem_shared>>) target_semaphore(%run_scoped3A : memref<!tpu.dma_semaphore, #tpu.memory_space<semaphore_mem>>)
          %dma_wait3A = arith.constant 0 : i32
          %dma_wait3A_72 = tpu.memref_slice %arg10[%mul3A_67, %dma_wait3A] : memref<10000x64xf32, #tpu.memory_space<vmem_shared>> -> memref<200x64xf32, #tpu.memory_space<vmem_shared>>
          %dma_wait3A_73 = arith.constant 0 : i32
          %dma_wait3A_74 = tpu.memref_slice %arg10[%mul3A_67, %dma_wait3A_73] : memref<10000x64xf32, #tpu.memory_space<vmem_shared>> -> memref<200x64xf32, #tpu.memory_space<vmem_shared>>
          tpu.wait_dma2 semaphore(%run_scoped3A : memref<!tpu.dma_semaphore, #tpu.memory_space<semaphore_mem>>) src(%arg9 : memref<200x64xf32, #tpu.memory_space<vmem>>) dst(%dma_wait3A_74 : memref<200x64xf32, #tpu.memory_space<vmem_shared>>)
          tpu.yield
        }) : () -> ()
      } else {
      }
    }
    %scan3A_46 = arith.constant 4 : i32
    %barrier3A = arith.constant 0 : index
    tpu.barrier barrier_id(%barrier3A)
    %scan3A_47 = arith.constant 0 : i32
    %scan3A_48 = arith.constant 0 : i32
    %scan3A_49 = arith.constant 25 : i32
    %scan3A_50 = arith.addi %scan3A_48, %scan3A_49 : i32
    %scan3A_51 = arith.constant 1 : i32
    scf.for %scan3A_60 = %scan3A_48 to %scan3A_50 step %scan3A_51  : i32 {
      %rem3A = arith.constant 2 : i32
      %rem3A_61 = arith.remsi %scan3A_60, %rem3A : i32
      %dma_wait3A = arith.constant 0 : i32
      %dma_wait3A_62 = arith.constant 0 : i32
      %dma_wait3A_63 = tpu.memref_slice %arg6[%rem3A_61, %dma_wait3A, %dma_wait3A_62] : memref<2x10x80xi32, #tpu.memory_space<vmem>> -> memref<1x10x80xi32, #tpu.memory_space<vmem>>
      %dma_wait3A_64 = tpu.memref_squeeze %dma_wait3A_63 : memref<1x10x80xi32, #tpu.memory_space<vmem>> -> memref<10x80xi32, #tpu.memory_space<vmem>>
      %dma_wait3A_65 = arith.constant 0 : i32
      %dma_wait3A_66 = arith.constant 0 : i32
      %dma_wait3A_67 = tpu.memref_slice %arg3[%add3A, %scan3A_60, %dma_wait3A_65, %dma_wait3A_66] : memref<32x25x10x80xi32, #tpu.memory_space<hbm>> -> memref<1x1x10x80xi32, #tpu.memory_space<hbm>>
      %dma_wait3A_68 = tpu.memref_squeeze %dma_wait3A_67 : memref<1x1x10x80xi32, #tpu.memory_space<hbm>> -> memref<10x80xi32, #tpu.memory_space<hbm>>
      %dma_wait3A_69 = arith.constant 0 : i32
      %dma_wait3A_70 = arith.constant 0 : i32
      %dma_wait3A_71 = tpu.memref_slice %arg6[%rem3A_61, %dma_wait3A_69, %dma_wait3A_70] : memref<2x10x80xi32, #tpu.memory_space<vmem>> -> memref<1x10x80xi32, #tpu.memory_space<vmem>>
      %dma_wait3A_72 = tpu.memref_squeeze %dma_wait3A_71 : memref<1x10x80xi32, #tpu.memory_space<vmem>> -> memref<10x80xi32, #tpu.memory_space<vmem>>
      %dma_wait3A_73 = arith.constant 0 : i32
      %dma_wait3A_74 = arith.constant 0 : i32
      %dma_wait3A_75 = tpu.memref_slice %arg3[%add3A, %scan3A_60, %dma_wait3A_73, %dma_wait3A_74] : memref<32x25x10x80xi32, #tpu.memory_space<hbm>> -> memref<1x1x10x80xi32, #tpu.memory_space<hbm>>
      %dma_wait3A_76 = tpu.memref_squeeze %dma_wait3A_75 : memref<1x1x10x80xi32, #tpu.memory_space<hbm>> -> memref<10x80xi32, #tpu.memory_space<hbm>>
      tpu.wait_dma2 semaphore(%arg13 : memref<!tpu.dma_semaphore, #tpu.memory_space<semaphore_mem>>) src(%dma_wait3A_76 : memref<10x80xi32, #tpu.memory_space<hbm>>) dst(%dma_wait3A_72 : memref<10x80xi32, #tpu.memory_space<vmem>>)
      %dma_wait3A_77 = arith.constant 0 : i32
      %dma_wait3A_78 = arith.constant 0 : i32
      %dma_wait3A_79 = tpu.memref_slice %arg7[%rem3A_61, %dma_wait3A_77, %dma_wait3A_78] : memref<2x10x80xi32, #tpu.memory_space<vmem>> -> memref<1x10x80xi32, #tpu.memory_space<vmem>>
      %dma_wait3A_80 = tpu.memref_squeeze %dma_wait3A_79 : memref<1x10x80xi32, #tpu.memory_space<vmem>> -> memref<10x80xi32, #tpu.memory_space<vmem>>
      %dma_wait3A_81 = arith.constant 0 : i32
      %dma_wait3A_82 = arith.constant 0 : i32
      %dma_wait3A_83 = tpu.memref_slice %arg4[%arg1, %scan3A_60, %dma_wait3A_81, %dma_wait3A_82] : memref<16x25x10x80xi32, #tpu.memory_space<hbm>> -> memref<1x1x10x80xi32, #tpu.memory_space<hbm>>
      %dma_wait3A_84 = tpu.memref_squeeze %dma_wait3A_83 : memref<1x1x10x80xi32, #tpu.memory_space<hbm>> -> memref<10x80xi32, #tpu.memory_space<hbm>>
      %dma_wait3A_85 = arith.constant 0 : i32
      %dma_wait3A_86 = arith.constant 0 : i32
      %dma_wait3A_87 = tpu.memref_slice %arg7[%rem3A_61, %dma_wait3A_85, %dma_wait3A_86] : memref<2x10x80xi32, #tpu.memory_space<vmem>> -> memref<1x10x80xi32, #tpu.memory_space<vmem>>
      %dma_wait3A_88 = tpu.memref_squeeze %dma_wait3A_87 : memref<1x10x80xi32, #tpu.memory_space<vmem>> -> memref<10x80xi32, #tpu.memory_space<vmem>>
      %dma_wait3A_89 = arith.constant 0 : i32
      %dma_wait3A_90 = arith.constant 0 : i32
      %dma_wait3A_91 = tpu.memref_slice %arg4[%arg1, %scan3A_60, %dma_wait3A_89, %dma_wait3A_90] : memref<16x25x10x80xi32, #tpu.memory_space<hbm>> -> memref<1x1x10x80xi32, #tpu.memory_space<hbm>>
      %dma_wait3A_92 = tpu.memref_squeeze %dma_wait3A_91 : memref<1x1x10x80xi32, #tpu.memory_space<hbm>> -> memref<10x80xi32, #tpu.memory_space<hbm>>
      tpu.wait_dma2 semaphore(%arg13 : memref<!tpu.dma_semaphore, #tpu.memory_space<semaphore_mem>>) src(%dma_wait3A_92 : memref<10x80xi32, #tpu.memory_space<hbm>>) dst(%dma_wait3A_88 : memref<10x80xi32, #tpu.memory_space<vmem>>)
      %dma_start3A_93 = arith.constant 0 : i32
      %dma_start3A_94 = arith.constant 0 : i32
      %dma_start3A_95 = arith.constant 0 : i32
      %dma_start3A_96 = arith.constant 0 : i32
      %dma_start3A_97 = tpu.memref_slice %arg8[%dma_start3A_94, %dma_start3A_95, %dma_start3A_96] : memref<10x80x64xf32, #tpu.memory_space<vmem>> -> memref<1x80x64xf32, #tpu.memory_space<vmem>>
      %dma_start3A_98 = tpu.memref_squeeze %dma_start3A_97 : memref<1x80x64xf32, #tpu.memory_space<vmem>> -> memref<80x64xf32, #tpu.memory_space<vmem>>
      %dma_start3A_99 = arith.constant 0 : i32
      %dma_start3A_100 = tpu.memref_slice %arg6[%rem3A_61, %dma_start3A_93, %dma_start3A_99] : memref<2x10x80xi32, #tpu.memory_space<vmem>> -> memref<1x1x80xi32, #tpu.memory_space<vmem>>
      %dma_start3A_101 = tpu.memref_squeeze %dma_start3A_100 : memref<1x1x80xi32, #tpu.memory_space<vmem>> -> memref<80xi32, #tpu.memory_space<vmem>>
      %dma_start3A_102 = arith.constant 0 : i32
      %dma_start3A_103 = arith.constant 0 : i32
      %dma_start3A_104 = tpu.memref_slice %arg2[%dma_start3A_102, %dma_start3A_103] : memref<20000x64xf32, #tpu.memory_space<hbm>> -> memref<20000x64xf32, #tpu.memory_space<hbm>>
      tpu.enqueue_indirect_dma source(%dma_start3A_104 : memref<20000x64xf32, #tpu.memory_space<hbm>>) target(%dma_start3A_98 : memref<80x64xf32, #tpu.memory_space<vmem>>) offsets(%dma_start3A_101 : memref<80xi32, #tpu.memory_space<vmem>>) semaphore(%arg11 : memref<!tpu.dma_semaphore, #tpu.memory_space<semaphore_mem>>)
      %dma_start3A_105 = arith.constant 1 : i32
      %dma_start3A_106 = arith.constant 1 : i32
      %dma_start3A_107 = arith.constant 0 : i32
      %dma_start3A_108 = arith.constant 0 : i32
      %dma_start3A_109 = tpu.memref_slice %arg8[%dma_start3A_106, %dma_start3A_107, %dma_start3A_108] : memref<10x80x64xf32, #tpu.memory_space<vmem>> -> memref<1x80x64xf32, #tpu.memory_space<vmem>>
      %dma_start3A_110 = tpu.memref_squeeze %dma_start3A_109 : memref<1x80x64xf32, #tpu.memory_space<vmem>> -> memref<80x64xf32, #tpu.memory_space<vmem>>
      %dma_start3A_111 = arith.constant 0 : i32
      %dma_start3A_112 = tpu.memref_slice %arg6[%rem3A_61, %dma_start3A_105, %dma_start3A_111] : memref<2x10x80xi32, #tpu.memory_space<vmem>> -> memref<1x1x80xi32, #tpu.memory_space<vmem>>
      %dma_start3A_113 = tpu.memref_squeeze %dma_start3A_112 : memref<1x1x80xi32, #tpu.memory_space<vmem>> -> memref<80xi32, #tpu.memory_space<vmem>>
      %dma_start3A_114 = arith.constant 0 : i32
      %dma_start3A_115 = arith.constant 0 : i32
      %dma_start3A_116 = tpu.memref_slice %arg2[%dma_start3A_114, %dma_start3A_115] : memref<20000x64xf32, #tpu.memory_space<hbm>> -> memref<20000x64xf32, #tpu.memory_space<hbm>>
      tpu.enqueue_indirect_dma source(%dma_start3A_116 : memref<20000x64xf32, #tpu.memory_space<hbm>>) target(%dma_start3A_110 : memref<80x64xf32, #tpu.memory_space<vmem>>) offsets(%dma_start3A_113 : memref<80xi32, #tpu.memory_space<vmem>>) semaphore(%arg11 : memref<!tpu.dma_semaphore, #tpu.memory_space<semaphore_mem>>)
      %dma_start3A_117 = arith.constant 2 : i32
      %dma_start3A_118 = arith.constant 2 : i32
      %dma_start3A_119 = arith.constant 0 : i32
      %dma_start3A_120 = arith.constant 0 : i32
      %dma_start3A_121 = tpu.memref_slice %arg8[%dma_start3A_118, %dma_start3A_119, %dma_start3A_120] : memref<10x80x64xf32, #tpu.memory_space<vmem>> -> memref<1x80x64xf32, #tpu.memory_space<vmem>>
      %dma_start3A_122 = tpu.memref_squeeze %dma_start3A_121 : memref<1x80x64xf32, #tpu.memory_space<vmem>> -> memref<80x64xf32, #tpu.memory_space<vmem>>
      %dma_start3A_123 = arith.constant 0 : i32
      %dma_start3A_124 = tpu.memref_slice %arg6[%rem3A_61, %dma_start3A_117, %dma_start3A_123] : memref<2x10x80xi32, #tpu.memory_space<vmem>> -> memref<1x1x80xi32, #tpu.memory_space<vmem>>
      %dma_start3A_125 = tpu.memref_squeeze %dma_start3A_124 : memref<1x1x80xi32, #tpu.memory_space<vmem>> -> memref<80xi32, #tpu.memory_space<vmem>>
      %dma_start3A_126 = arith.constant 0 : i32
      %dma_start3A_127 = arith.constant 0 : i32
      %dma_start3A_128 = tpu.memref_slice %arg2[%dma_start3A_126, %dma_start3A_127] : memref<20000x64xf32, #tpu.memory_space<hbm>> -> memref<20000x64xf32, #tpu.memory_space<hbm>>
      tpu.enqueue_indirect_dma source(%dma_start3A_128 : memref<20000x64xf32, #tpu.memory_space<hbm>>) target(%dma_start3A_122 : memref<80x64xf32, #tpu.memory_space<vmem>>) offsets(%dma_start3A_125 : memref<80xi32, #tpu.memory_space<vmem>>) semaphore(%arg11 : memref<!tpu.dma_semaphore, #tpu.memory_space<semaphore_mem>>)
      %dma_start3A_129 = arith.constant 3 : i32
      %dma_start3A_130 = arith.constant 3 : i32
      %dma_start3A_131 = arith.constant 0 : i32
      %dma_start3A_132 = arith.constant 0 : i32
      %dma_start3A_133 = tpu.memref_slice %arg8[%dma_start3A_130, %dma_start3A_131, %dma_start3A_132] : memref<10x80x64xf32, #tpu.memory_space<vmem>> -> memref<1x80x64xf32, #tpu.memory_space<vmem>>
      %dma_start3A_134 = tpu.memref_squeeze %dma_start3A_133 : memref<1x80x64xf32, #tpu.memory_space<vmem>> -> memref<80x64xf32, #tpu.memory_space<vmem>>
      %dma_start3A_135 = arith.constant 0 : i32
      %dma_start3A_136 = tpu.memref_slice %arg6[%rem3A_61, %dma_start3A_129, %dma_start3A_135] : memref<2x10x80xi32, #tpu.memory_space<vmem>> -> memref<1x1x80xi32, #tpu.memory_space<vmem>>
      %dma_start3A_137 = tpu.memref_squeeze %dma_start3A_136 : memref<1x1x80xi32, #tpu.memory_space<vmem>> -> memref<80xi32, #tpu.memory_space<vmem>>
      %dma_start3A_138 = arith.constant 0 : i32
      %dma_start3A_139 = arith.constant 0 : i32
      %dma_start3A_140 = tpu.memref_slice %arg2[%dma_start3A_138, %dma_start3A_139] : memref<20000x64xf32, #tpu.memory_space<hbm>> -> memref<20000x64xf32, #tpu.memory_space<hbm>>
      tpu.enqueue_indirect_dma source(%dma_start3A_140 : memref<20000x64xf32, #tpu.memory_space<hbm>>) target(%dma_start3A_134 : memref<80x64xf32, #tpu.memory_space<vmem>>) offsets(%dma_start3A_137 : memref<80xi32, #tpu.memory_space<vmem>>) semaphore(%arg11 : memref<!tpu.dma_semaphore, #tpu.memory_space<semaphore_mem>>)
      %dma_start3A_141 = arith.constant 4 : i32
      %dma_start3A_142 = arith.constant 4 : i32
      %dma_start3A_143 = arith.constant 0 : i32
      %dma_start3A_144 = arith.constant 0 : i32
      %dma_start3A_145 = tpu.memref_slice %arg8[%dma_start3A_142, %dma_start3A_143, %dma_start3A_144] : memref<10x80x64xf32, #tpu.memory_space<vmem>> -> memref<1x80x64xf32, #tpu.memory_space<vmem>>
      %dma_start3A_146 = tpu.memref_squeeze %dma_start3A_145 : memref<1x80x64xf32, #tpu.memory_space<vmem>> -> memref<80x64xf32, #tpu.memory_space<vmem>>
      %dma_start3A_147 = arith.constant 0 : i32
      %dma_start3A_148 = tpu.memref_slice %arg6[%rem3A_61, %dma_start3A_141, %dma_start3A_147] : memref<2x10x80xi32, #tpu.memory_space<vmem>> -> memref<1x1x80xi32, #tpu.memory_space<vmem>>
      %dma_start3A_149 = tpu.memref_squeeze %dma_start3A_148 : memref<1x1x80xi32, #tpu.memory_space<vmem>> -> memref<80xi32, #tpu.memory_space<vmem>>
      %dma_start3A_150 = arith.constant 0 : i32
      %dma_start3A_151 = arith.constant 0 : i32
      %dma_start3A_152 = tpu.memref_slice %arg2[%dma_start3A_150, %dma_start3A_151] : memref<20000x64xf32, #tpu.memory_space<hbm>> -> memref<20000x64xf32, #tpu.memory_space<hbm>>
      tpu.enqueue_indirect_dma source(%dma_start3A_152 : memref<20000x64xf32, #tpu.memory_space<hbm>>) target(%dma_start3A_146 : memref<80x64xf32, #tpu.memory_space<vmem>>) offsets(%dma_start3A_149 : memref<80xi32, #tpu.memory_space<vmem>>) semaphore(%arg11 : memref<!tpu.dma_semaphore, #tpu.memory_space<semaphore_mem>>)
      %dma_start3A_153 = arith.constant 5 : i32
      %dma_start3A_154 = arith.constant 5 : i32
      %dma_start3A_155 = arith.constant 0 : i32
      %dma_start3A_156 = arith.constant 0 : i32
      %dma_start3A_157 = tpu.memref_slice %arg8[%dma_start3A_154, %dma_start3A_155, %dma_start3A_156] : memref<10x80x64xf32, #tpu.memory_space<vmem>> -> memref<1x80x64xf32, #tpu.memory_space<vmem>>
      %dma_start3A_158 = tpu.memref_squeeze %dma_start3A_157 : memref<1x80x64xf32, #tpu.memory_space<vmem>> -> memref<80x64xf32, #tpu.memory_space<vmem>>
      %dma_start3A_159 = arith.constant 0 : i32
      %dma_start3A_160 = tpu.memref_slice %arg6[%rem3A_61, %dma_start3A_153, %dma_start3A_159] : memref<2x10x80xi32, #tpu.memory_space<vmem>> -> memref<1x1x80xi32, #tpu.memory_space<vmem>>
      %dma_start3A_161 = tpu.memref_squeeze %dma_start3A_160 : memref<1x1x80xi32, #tpu.memory_space<vmem>> -> memref<80xi32, #tpu.memory_space<vmem>>
      %dma_start3A_162 = arith.constant 0 : i32
      %dma_start3A_163 = arith.constant 0 : i32
      %dma_start3A_164 = tpu.memref_slice %arg2[%dma_start3A_162, %dma_start3A_163] : memref<20000x64xf32, #tpu.memory_space<hbm>> -> memref<20000x64xf32, #tpu.memory_space<hbm>>
      tpu.enqueue_indirect_dma source(%dma_start3A_164 : memref<20000x64xf32, #tpu.memory_space<hbm>>) target(%dma_start3A_158 : memref<80x64xf32, #tpu.memory_space<vmem>>) offsets(%dma_start3A_161 : memref<80xi32, #tpu.memory_space<vmem>>) semaphore(%arg11 : memref<!tpu.dma_semaphore, #tpu.memory_space<semaphore_mem>>)
      %dma_start3A_165 = arith.constant 6 : i32
      %dma_start3A_166 = arith.constant 6 : i32
      %dma_start3A_167 = arith.constant 0 : i32
      %dma_start3A_168 = arith.constant 0 : i32
      %dma_start3A_169 = tpu.memref_slice %arg8[%dma_start3A_166, %dma_start3A_167, %dma_start3A_168] : memref<10x80x64xf32, #tpu.memory_space<vmem>> -> memref<1x80x64xf32, #tpu.memory_space<vmem>>
      %dma_start3A_170 = tpu.memref_squeeze %dma_start3A_169 : memref<1x80x64xf32, #tpu.memory_space<vmem>> -> memref<80x64xf32, #tpu.memory_space<vmem>>
      %dma_start3A_171 = arith.constant 0 : i32
      %dma_start3A_172 = tpu.memref_slice %arg6[%rem3A_61, %dma_start3A_165, %dma_start3A_171] : memref<2x10x80xi32, #tpu.memory_space<vmem>> -> memref<1x1x80xi32, #tpu.memory_space<vmem>>
      %dma_start3A_173 = tpu.memref_squeeze %dma_start3A_172 : memref<1x1x80xi32, #tpu.memory_space<vmem>> -> memref<80xi32, #tpu.memory_space<vmem>>
      %dma_start3A_174 = arith.constant 0 : i32
      %dma_start3A_175 = arith.constant 0 : i32
      %dma_start3A_176 = tpu.memref_slice %arg2[%dma_start3A_174, %dma_start3A_175] : memref<20000x64xf32, #tpu.memory_space<hbm>> -> memref<20000x64xf32, #tpu.memory_space<hbm>>
      tpu.enqueue_indirect_dma source(%dma_start3A_176 : memref<20000x64xf32, #tpu.memory_space<hbm>>) target(%dma_start3A_170 : memref<80x64xf32, #tpu.memory_space<vmem>>) offsets(%dma_start3A_173 : memref<80xi32, #tpu.memory_space<vmem>>) semaphore(%arg11 : memref<!tpu.dma_semaphore, #tpu.memory_space<semaphore_mem>>)
      %dma_start3A_177 = arith.constant 7 : i32
      %dma_start3A_178 = arith.constant 7 : i32
      %dma_start3A_179 = arith.constant 0 : i32
      %dma_start3A_180 = arith.constant 0 : i32
      %dma_start3A_181 = tpu.memref_slice %arg8[%dma_start3A_178, %dma_start3A_179, %dma_start3A_180] : memref<10x80x64xf32, #tpu.memory_space<vmem>> -> memref<1x80x64xf32, #tpu.memory_space<vmem>>
      %dma_start3A_182 = tpu.memref_squeeze %dma_start3A_181 : memref<1x80x64xf32, #tpu.memory_space<vmem>> -> memref<80x64xf32, #tpu.memory_space<vmem>>
      %dma_start3A_183 = arith.constant 0 : i32
      %dma_start3A_184 = tpu.memref_slice %arg6[%rem3A_61, %dma_start3A_177, %dma_start3A_183] : memref<2x10x80xi32, #tpu.memory_space<vmem>> -> memref<1x1x80xi32, #tpu.memory_space<vmem>>
      %dma_start3A_185 = tpu.memref_squeeze %dma_start3A_184 : memref<1x1x80xi32, #tpu.memory_space<vmem>> -> memref<80xi32, #tpu.memory_space<vmem>>
      %dma_start3A_186 = arith.constant 0 : i32
      %dma_start3A_187 = arith.constant 0 : i32
      %dma_start3A_188 = tpu.memref_slice %arg2[%dma_start3A_186, %dma_start3A_187] : memref<20000x64xf32, #tpu.memory_space<hbm>> -> memref<20000x64xf32, #tpu.memory_space<hbm>>
      tpu.enqueue_indirect_dma source(%dma_start3A_188 : memref<20000x64xf32, #tpu.memory_space<hbm>>) target(%dma_start3A_182 : memref<80x64xf32, #tpu.memory_space<vmem>>) offsets(%dma_start3A_185 : memref<80xi32, #tpu.memory_space<vmem>>) semaphore(%arg11 : memref<!tpu.dma_semaphore, #tpu.memory_space<semaphore_mem>>)
      %dma_start3A_189 = arith.constant 8 : i32
      %dma_start3A_190 = arith.constant 8 : i32
      %dma_start3A_191 = arith.constant 0 : i32
      %dma_start3A_192 = arith.constant 0 : i32
      %dma_start3A_193 = tpu.memref_slice %arg8[%dma_start3A_190, %dma_start3A_191, %dma_start3A_192] : memref<10x80x64xf32, #tpu.memory_space<vmem>> -> memref<1x80x64xf32, #tpu.memory_space<vmem>>
      %dma_start3A_194 = tpu.memref_squeeze %dma_start3A_193 : memref<1x80x64xf32, #tpu.memory_space<vmem>> -> memref<80x64xf32, #tpu.memory_space<vmem>>
      %dma_start3A_195 = arith.constant 0 : i32
      %dma_start3A_196 = tpu.memref_slice %arg6[%rem3A_61, %dma_start3A_189, %dma_start3A_195] : memref<2x10x80xi32, #tpu.memory_space<vmem>> -> memref<1x1x80xi32, #tpu.memory_space<vmem>>
      %dma_start3A_197 = tpu.memref_squeeze %dma_start3A_196 : memref<1x1x80xi32, #tpu.memory_space<vmem>> -> memref<80xi32, #tpu.memory_space<vmem>>
      %dma_start3A_198 = arith.constant 0 : i32
      %dma_start3A_199 = arith.constant 0 : i32
      %dma_start3A_200 = tpu.memref_slice %arg2[%dma_start3A_198, %dma_start3A_199] : memref<20000x64xf32, #tpu.memory_space<hbm>> -> memref<20000x64xf32, #tpu.memory_space<hbm>>
      tpu.enqueue_indirect_dma source(%dma_start3A_200 : memref<20000x64xf32, #tpu.memory_space<hbm>>) target(%dma_start3A_194 : memref<80x64xf32, #tpu.memory_space<vmem>>) offsets(%dma_start3A_197 : memref<80xi32, #tpu.memory_space<vmem>>) semaphore(%arg11 : memref<!tpu.dma_semaphore, #tpu.memory_space<semaphore_mem>>)
      %dma_start3A_201 = arith.constant 9 : i32
      %dma_start3A_202 = arith.constant 9 : i32
      %dma_start3A_203 = arith.constant 0 : i32
      %dma_start3A_204 = arith.constant 0 : i32
      %dma_start3A_205 = tpu.memref_slice %arg8[%dma_start3A_202, %dma_start3A_203, %dma_start3A_204] : memref<10x80x64xf32, #tpu.memory_space<vmem>> -> memref<1x80x64xf32, #tpu.memory_space<vmem>>
      %dma_start3A_206 = tpu.memref_squeeze %dma_start3A_205 : memref<1x80x64xf32, #tpu.memory_space<vmem>> -> memref<80x64xf32, #tpu.memory_space<vmem>>
      %dma_start3A_207 = arith.constant 0 : i32
      %dma_start3A_208 = tpu.memref_slice %arg6[%rem3A_61, %dma_start3A_201, %dma_start3A_207] : memref<2x10x80xi32, #tpu.memory_space<vmem>> -> memref<1x1x80xi32, #tpu.memory_space<vmem>>
      %dma_start3A_209 = tpu.memref_squeeze %dma_start3A_208 : memref<1x1x80xi32, #tpu.memory_space<vmem>> -> memref<80xi32, #tpu.memory_space<vmem>>
      %dma_start3A_210 = arith.constant 0 : i32
      %dma_start3A_211 = arith.constant 0 : i32
      %dma_start3A_212 = tpu.memref_slice %arg2[%dma_start3A_210, %dma_start3A_211] : memref<20000x64xf32, #tpu.memory_space<hbm>> -> memref<20000x64xf32, #tpu.memory_space<hbm>>
      tpu.enqueue_indirect_dma source(%dma_start3A_212 : memref<20000x64xf32, #tpu.memory_space<hbm>>) target(%dma_start3A_206 : memref<80x64xf32, #tpu.memory_space<vmem>>) offsets(%dma_start3A_209 : memref<80xi32, #tpu.memory_space<vmem>>) semaphore(%arg11 : memref<!tpu.dma_semaphore, #tpu.memory_space<semaphore_mem>>)
      %add3A_213 = arith.constant 1 : i32
      %add3A_214 = arith.addi %scan3A_60, %add3A_213 : i32
      %lt3A = arith.constant 25 : i32
      %lt3A_215 = arith.cmpi slt, %add3A_214, %lt3A : i32
      %convert_element_type3A = arith.extui %lt3A_215 : i1 to i32
      %cond3A = arith.constant 0 : i32
      %cond3A_216 = arith.cmpi ne, %convert_element_type3A, %cond3A : i32
      scf.if %cond3A_216 {
        %add3A_577 = arith.constant 1 : i32
        %add3A_578 = arith.addi %scan3A_60, %add3A_577 : i32
        %sub3A = arith.constant 1 : i32
        %sub3A_579 = arith.subi %sub3A, %rem3A_61 : i32
        %dma_start3A_580 = arith.constant 0 : i32
        %dma_start3A_581 = arith.constant 0 : i32
        %dma_start3A_582 = tpu.memref_slice %arg6[%sub3A_579, %dma_start3A_580, %dma_start3A_581] : memref<2x10x80xi32, #tpu.memory_space<vmem>> -> memref<1x10x80xi32, #tpu.memory_space<vmem>>
        %dma_start3A_583 = tpu.memref_squeeze %dma_start3A_582 : memref<1x10x80xi32, #tpu.memory_space<vmem>> -> memref<10x80xi32, #tpu.memory_space<vmem>>
        %dma_start3A_584 = arith.constant 0 : i32
        %dma_start3A_585 = arith.constant 0 : i32
        %dma_start3A_586 = tpu.memref_slice %arg3[%add3A, %add3A_578, %dma_start3A_584, %dma_start3A_585] : memref<32x25x10x80xi32, #tpu.memory_space<hbm>> -> memref<1x1x10x80xi32, #tpu.memory_space<hbm>>
        %dma_start3A_587 = tpu.memref_squeeze %dma_start3A_586 : memref<1x1x10x80xi32, #tpu.memory_space<hbm>> -> memref<10x80xi32, #tpu.memory_space<hbm>>
        %dma_start3A_588 = arith.constant 0 : i32
        %dma_start3A_589 = arith.constant 0 : i32
        %dma_start3A_590 = tpu.memref_slice %arg6[%sub3A_579, %dma_start3A_588, %dma_start3A_589] : memref<2x10x80xi32, #tpu.memory_space<vmem>> -> memref<1x10x80xi32, #tpu.memory_space<vmem>>
        %dma_start3A_591 = tpu.memref_squeeze %dma_start3A_590 : memref<1x10x80xi32, #tpu.memory_space<vmem>> -> memref<10x80xi32, #tpu.memory_space<vmem>>
        %dma_start3A_592 = arith.constant 0 : i32
        %dma_start3A_593 = arith.constant 0 : i32
        %dma_start3A_594 = tpu.memref_slice %arg3[%add3A, %add3A_578, %dma_start3A_592, %dma_start3A_593] : memref<32x25x10x80xi32, #tpu.memory_space<hbm>> -> memref<1x1x10x80xi32, #tpu.memory_space<hbm>>
        %dma_start3A_595 = tpu.memref_squeeze %dma_start3A_594 : memref<1x1x10x80xi32, #tpu.memory_space<hbm>> -> memref<10x80xi32, #tpu.memory_space<hbm>>
        tpu.enqueue_dma source(%dma_start3A_595 : memref<10x80xi32, #tpu.memory_space<hbm>>) target(%dma_start3A_591 : memref<10x80xi32, #tpu.memory_space<vmem>>) target_semaphore(%arg13 : memref<!tpu.dma_semaphore, #tpu.memory_space<semaphore_mem>>)
        %add3A_596 = arith.constant 1 : i32
        %add3A_597 = arith.addi %scan3A_60, %add3A_596 : i32
        %sub3A_598 = arith.constant 1 : i32
        %sub3A_599 = arith.subi %sub3A_598, %rem3A_61 : i32
        %dma_start3A_600 = arith.constant 0 : i32
        %dma_start3A_601 = arith.constant 0 : i32
        %dma_start3A_602 = tpu.memref_slice %arg7[%sub3A_599, %dma_start3A_600, %dma_start3A_601] : memref<2x10x80xi32, #tpu.memory_space<vmem>> -> memref<1x10x80xi32, #tpu.memory_space<vmem>>
        %dma_start3A_603 = tpu.memref_squeeze %dma_start3A_602 : memref<1x10x80xi32, #tpu.memory_space<vmem>> -> memref<10x80xi32, #tpu.memory_space<vmem>>
        %dma_start3A_604 = arith.constant 0 : i32
        %dma_start3A_605 = arith.constant 0 : i32
        %dma_start3A_606 = tpu.memref_slice %arg4[%arg1, %add3A_597, %dma_start3A_604, %dma_start3A_605] : memref<16x25x10x80xi32, #tpu.memory_space<hbm>> -> memref<1x1x10x80xi32, #tpu.memory_space<hbm>>
        %dma_start3A_607 = tpu.memref_squeeze %dma_start3A_606 : memref<1x1x10x80xi32, #tpu.memory_space<hbm>> -> memref<10x80xi32, #tpu.memory_space<hbm>>
        %dma_start3A_608 = arith.constant 0 : i32
        %dma_start3A_609 = arith.constant 0 : i32
        %dma_start3A_610 = tpu.memref_slice %arg7[%sub3A_599, %dma_start3A_608, %dma_start3A_609] : memref<2x10x80xi32, #tpu.memory_space<vmem>> -> memref<1x10x80xi32, #tpu.memory_space<vmem>>
        %dma_start3A_611 = tpu.memref_squeeze %dma_start3A_610 : memref<1x10x80xi32, #tpu.memory_space<vmem>> -> memref<10x80xi32, #tpu.memory_space<vmem>>
        %dma_start3A_612 = arith.constant 0 : i32
        %dma_start3A_613 = arith.constant 0 : i32
        %dma_start3A_614 = tpu.memref_slice %arg4[%arg1, %add3A_597, %dma_start3A_612, %dma_start3A_613] : memref<16x25x10x80xi32, #tpu.memory_space<hbm>> -> memref<1x1x10x80xi32, #tpu.memory_space<hbm>>
        %dma_start3A_615 = tpu.memref_squeeze %dma_start3A_614 : memref<1x1x10x80xi32, #tpu.memory_space<hbm>> -> memref<10x80xi32, #tpu.memory_space<hbm>>
        tpu.enqueue_dma source(%dma_start3A_615 : memref<10x80xi32, #tpu.memory_space<hbm>>) target(%dma_start3A_611 : memref<10x80xi32, #tpu.memory_space<vmem>>) target_semaphore(%arg13 : memref<!tpu.dma_semaphore, #tpu.memory_space<semaphore_mem>>)
      } else {
      }
      %dma_wait3A_217 = arith.constant 0 : i32
      %dma_wait3A_218 = arith.constant 0 : i32
      %dma_wait3A_219 = arith.constant 0 : i32
      %dma_wait3A_220 = arith.constant 0 : i32
      %dma_wait3A_221 = tpu.memref_slice %arg8[%dma_wait3A_218, %dma_wait3A_219, %dma_wait3A_220] : memref<10x80x64xf32, #tpu.memory_space<vmem>> -> memref<1x80x64xf32, #tpu.memory_space<vmem>>
      %dma_wait3A_222 = tpu.memref_squeeze %dma_wait3A_221 : memref<1x80x64xf32, #tpu.memory_space<vmem>> -> memref<80x64xf32, #tpu.memory_space<vmem>>
      %dma_wait3A_223 = arith.constant 0 : i32
      %dma_wait3A_224 = tpu.memref_slice %arg6[%rem3A_61, %dma_wait3A_217, %dma_wait3A_223] : memref<2x10x80xi32, #tpu.memory_space<vmem>> -> memref<1x1x80xi32, #tpu.memory_space<vmem>>
      %dma_wait3A_225 = tpu.memref_squeeze %dma_wait3A_224 : memref<1x1x80xi32, #tpu.memory_space<vmem>> -> memref<80xi32, #tpu.memory_space<vmem>>
      %dma_wait3A_226 = arith.constant 0 : i32
      %dma_wait3A_227 = arith.constant 0 : i32
      %dma_wait3A_228 = tpu.memref_slice %arg2[%dma_wait3A_226, %dma_wait3A_227] : memref<20000x64xf32, #tpu.memory_space<hbm>> -> memref<20000x64xf32, #tpu.memory_space<hbm>>
      tpu.wait_indirect_dma semaphore(%arg11 : memref<!tpu.dma_semaphore, #tpu.memory_space<semaphore_mem>>) src(%dma_wait3A_228 : memref<20000x64xf32, #tpu.memory_space<hbm>>) dst(%dma_wait3A_222 : memref<80x64xf32, #tpu.memory_space<vmem>>)
      %dma_start3A_229 = arith.constant 0 : i32
      %dma_start3A_230 = arith.constant 0 : i32
      %dma_start3A_231 = arith.constant 0 : i32
      %dma_start3A_232 = arith.constant 0 : i32
      %dma_start3A_233 = tpu.memref_slice %arg8[%dma_start3A_229, %dma_start3A_231, %dma_start3A_232] : memref<10x80x64xf32, #tpu.memory_space<vmem>> -> memref<1x80x64xf32, #tpu.memory_space<vmem>>
      %dma_start3A_234 = tpu.memref_squeeze %dma_start3A_233 : memref<1x80x64xf32, #tpu.memory_space<vmem>> -> memref<80x64xf32, #tpu.memory_space<vmem>>
      %dma_start3A_235 = arith.constant 0 : i32
      %dma_start3A_236 = tpu.memref_slice %arg7[%rem3A_61, %dma_start3A_230, %dma_start3A_235] : memref<2x10x80xi32, #tpu.memory_space<vmem>> -> memref<1x1x80xi32, #tpu.memory_space<vmem>>
      %dma_start3A_237 = tpu.memref_squeeze %dma_start3A_236 : memref<1x1x80xi32, #tpu.memory_space<vmem>> -> memref<80xi32, #tpu.memory_space<vmem>>
      %dma_start3A_238 = arith.constant 0 : i32
      %dma_start3A_239 = arith.constant 0 : i32
      %dma_start3A_240 = tpu.memref_slice %arg10[%dma_start3A_238, %dma_start3A_239] : memref<10000x64xf32, #tpu.memory_space<vmem_shared>> -> memref<10000x64xf32, #tpu.memory_space<vmem_shared>>
      tpu.enqueue_indirect_dma source(%dma_start3A_234 : memref<80x64xf32, #tpu.memory_space<vmem>>) target(%dma_start3A_240 : memref<10000x64xf32, #tpu.memory_space<vmem_shared>>) offsets(%dma_start3A_237 : memref<80xi32, #tpu.memory_space<vmem>>) semaphore(%arg12 : memref<!tpu.dma_semaphore, #tpu.memory_space<semaphore_mem>>) {add = true}
      %dma_wait3A_241 = arith.constant 1 : i32
      %dma_wait3A_242 = arith.constant 1 : i32
      %dma_wait3A_243 = arith.constant 0 : i32
      %dma_wait3A_244 = arith.constant 0 : i32
      %dma_wait3A_245 = tpu.memref_slice %arg8[%dma_wait3A_242, %dma_wait3A_243, %dma_wait3A_244] : memref<10x80x64xf32, #tpu.memory_space<vmem>> -> memref<1x80x64xf32, #tpu.memory_space<vmem>>
      %dma_wait3A_246 = tpu.memref_squeeze %dma_wait3A_245 : memref<1x80x64xf32, #tpu.memory_space<vmem>> -> memref<80x64xf32, #tpu.memory_space<vmem>>
      %dma_wait3A_247 = arith.constant 0 : i32
      %dma_wait3A_248 = tpu.memref_slice %arg6[%rem3A_61, %dma_wait3A_241, %dma_wait3A_247] : memref<2x10x80xi32, #tpu.memory_space<vmem>> -> memref<1x1x80xi32, #tpu.memory_space<vmem>>
      %dma_wait3A_249 = tpu.memref_squeeze %dma_wait3A_248 : memref<1x1x80xi32, #tpu.memory_space<vmem>> -> memref<80xi32, #tpu.memory_space<vmem>>
      %dma_wait3A_250 = arith.constant 0 : i32
      %dma_wait3A_251 = arith.constant 0 : i32
      %dma_wait3A_252 = tpu.memref_slice %arg2[%dma_wait3A_250, %dma_wait3A_251] : memref<20000x64xf32, #tpu.memory_space<hbm>> -> memref<20000x64xf32, #tpu.memory_space<hbm>>
      tpu.wait_indirect_dma semaphore(%arg11 : memref<!tpu.dma_semaphore, #tpu.memory_space<semaphore_mem>>) src(%dma_wait3A_252 : memref<20000x64xf32, #tpu.memory_space<hbm>>) dst(%dma_wait3A_246 : memref<80x64xf32, #tpu.memory_space<vmem>>)
      %dma_start3A_253 = arith.constant 1 : i32
      %dma_start3A_254 = arith.constant 1 : i32
      %dma_start3A_255 = arith.constant 0 : i32
      %dma_start3A_256 = arith.constant 0 : i32
      %dma_start3A_257 = tpu.memref_slice %arg8[%dma_start3A_253, %dma_start3A_255, %dma_start3A_256] : memref<10x80x64xf32, #tpu.memory_space<vmem>> -> memref<1x80x64xf32, #tpu.memory_space<vmem>>
      %dma_start3A_258 = tpu.memref_squeeze %dma_start3A_257 : memref<1x80x64xf32, #tpu.memory_space<vmem>> -> memref<80x64xf32, #tpu.memory_space<vmem>>
      %dma_start3A_259 = arith.constant 0 : i32
      %dma_start3A_260 = tpu.memref_slice %arg7[%rem3A_61, %dma_start3A_254, %dma_start3A_259] : memref<2x10x80xi32, #tpu.memory_space<vmem>> -> memref<1x1x80xi32, #tpu.memory_space<vmem>>
      %dma_start3A_261 = tpu.memref_squeeze %dma_start3A_260 : memref<1x1x80xi32, #tpu.memory_space<vmem>> -> memref<80xi32, #tpu.memory_space<vmem>>
      %dma_start3A_262 = arith.constant 0 : i32
      %dma_start3A_263 = arith.constant 0 : i32
      %dma_start3A_264 = tpu.memref_slice %arg10[%dma_start3A_262, %dma_start3A_263] : memref<10000x64xf32, #tpu.memory_space<vmem_shared>> -> memref<10000x64xf32, #tpu.memory_space<vmem_shared>>
      tpu.enqueue_indirect_dma source(%dma_start3A_258 : memref<80x64xf32, #tpu.memory_space<vmem>>) target(%dma_start3A_264 : memref<10000x64xf32, #tpu.memory_space<vmem_shared>>) offsets(%dma_start3A_261 : memref<80xi32, #tpu.memory_space<vmem>>) semaphore(%arg12 : memref<!tpu.dma_semaphore, #tpu.memory_space<semaphore_mem>>) {add = true}
      %dma_wait3A_265 = arith.constant 2 : i32
      %dma_wait3A_266 = arith.constant 2 : i32
      %dma_wait3A_267 = arith.constant 0 : i32
      %dma_wait3A_268 = arith.constant 0 : i32
      %dma_wait3A_269 = tpu.memref_slice %arg8[%dma_wait3A_266, %dma_wait3A_267, %dma_wait3A_268] : memref<10x80x64xf32, #tpu.memory_space<vmem>> -> memref<1x80x64xf32, #tpu.memory_space<vmem>>
      %dma_wait3A_270 = tpu.memref_squeeze %dma_wait3A_269 : memref<1x80x64xf32, #tpu.memory_space<vmem>> -> memref<80x64xf32, #tpu.memory_space<vmem>>
      %dma_wait3A_271 = arith.constant 0 : i32
      %dma_wait3A_272 = tpu.memref_slice %arg6[%rem3A_61, %dma_wait3A_265, %dma_wait3A_271] : memref<2x10x80xi32, #tpu.memory_space<vmem>> -> memref<1x1x80xi32, #tpu.memory_space<vmem>>
      %dma_wait3A_273 = tpu.memref_squeeze %dma_wait3A_272 : memref<1x1x80xi32, #tpu.memory_space<vmem>> -> memref<80xi32, #tpu.memory_space<vmem>>
      %dma_wait3A_274 = arith.constant 0 : i32
      %dma_wait3A_275 = arith.constant 0 : i32
      %dma_wait3A_276 = tpu.memref_slice %arg2[%dma_wait3A_274, %dma_wait3A_275] : memref<20000x64xf32, #tpu.memory_space<hbm>> -> memref<20000x64xf32, #tpu.memory_space<hbm>>
      tpu.wait_indirect_dma semaphore(%arg11 : memref<!tpu.dma_semaphore, #tpu.memory_space<semaphore_mem>>) src(%dma_wait3A_276 : memref<20000x64xf32, #tpu.memory_space<hbm>>) dst(%dma_wait3A_270 : memref<80x64xf32, #tpu.memory_space<vmem>>)
      %dma_start3A_277 = arith.constant 2 : i32
      %dma_start3A_278 = arith.constant 2 : i32
      %dma_start3A_279 = arith.constant 0 : i32
      %dma_start3A_280 = arith.constant 0 : i32
      %dma_start3A_281 = tpu.memref_slice %arg8[%dma_start3A_277, %dma_start3A_279, %dma_start3A_280] : memref<10x80x64xf32, #tpu.memory_space<vmem>> -> memref<1x80x64xf32, #tpu.memory_space<vmem>>
      %dma_start3A_282 = tpu.memref_squeeze %dma_start3A_281 : memref<1x80x64xf32, #tpu.memory_space<vmem>> -> memref<80x64xf32, #tpu.memory_space<vmem>>
      %dma_start3A_283 = arith.constant 0 : i32
      %dma_start3A_284 = tpu.memref_slice %arg7[%rem3A_61, %dma_start3A_278, %dma_start3A_283] : memref<2x10x80xi32, #tpu.memory_space<vmem>> -> memref<1x1x80xi32, #tpu.memory_space<vmem>>
      %dma_start3A_285 = tpu.memref_squeeze %dma_start3A_284 : memref<1x1x80xi32, #tpu.memory_space<vmem>> -> memref<80xi32, #tpu.memory_space<vmem>>
      %dma_start3A_286 = arith.constant 0 : i32
      %dma_start3A_287 = arith.constant 0 : i32
      %dma_start3A_288 = tpu.memref_slice %arg10[%dma_start3A_286, %dma_start3A_287] : memref<10000x64xf32, #tpu.memory_space<vmem_shared>> -> memref<10000x64xf32, #tpu.memory_space<vmem_shared>>
      tpu.enqueue_indirect_dma source(%dma_start3A_282 : memref<80x64xf32, #tpu.memory_space<vmem>>) target(%dma_start3A_288 : memref<10000x64xf32, #tpu.memory_space<vmem_shared>>) offsets(%dma_start3A_285 : memref<80xi32, #tpu.memory_space<vmem>>) semaphore(%arg12 : memref<!tpu.dma_semaphore, #tpu.memory_space<semaphore_mem>>) {add = true}
      %dma_wait3A_289 = arith.constant 3 : i32
      %dma_wait3A_290 = arith.constant 3 : i32
      %dma_wait3A_291 = arith.constant 0 : i32
      %dma_wait3A_292 = arith.constant 0 : i32
      %dma_wait3A_293 = tpu.memref_slice %arg8[%dma_wait3A_290, %dma_wait3A_291, %dma_wait3A_292] : memref<10x80x64xf32, #tpu.memory_space<vmem>> -> memref<1x80x64xf32, #tpu.memory_space<vmem>>
      %dma_wait3A_294 = tpu.memref_squeeze %dma_wait3A_293 : memref<1x80x64xf32, #tpu.memory_space<vmem>> -> memref<80x64xf32, #tpu.memory_space<vmem>>
      %dma_wait3A_295 = arith.constant 0 : i32
      %dma_wait3A_296 = tpu.memref_slice %arg6[%rem3A_61, %dma_wait3A_289, %dma_wait3A_295] : memref<2x10x80xi32, #tpu.memory_space<vmem>> -> memref<1x1x80xi32, #tpu.memory_space<vmem>>
      %dma_wait3A_297 = tpu.memref_squeeze %dma_wait3A_296 : memref<1x1x80xi32, #tpu.memory_space<vmem>> -> memref<80xi32, #tpu.memory_space<vmem>>
      %dma_wait3A_298 = arith.constant 0 : i32
      %dma_wait3A_299 = arith.constant 0 : i32
      %dma_wait3A_300 = tpu.memref_slice %arg2[%dma_wait3A_298, %dma_wait3A_299] : memref<20000x64xf32, #tpu.memory_space<hbm>> -> memref<20000x64xf32, #tpu.memory_space<hbm>>
      tpu.wait_indirect_dma semaphore(%arg11 : memref<!tpu.dma_semaphore, #tpu.memory_space<semaphore_mem>>) src(%dma_wait3A_300 : memref<20000x64xf32, #tpu.memory_space<hbm>>) dst(%dma_wait3A_294 : memref<80x64xf32, #tpu.memory_space<vmem>>)
      %dma_start3A_301 = arith.constant 3 : i32
      %dma_start3A_302 = arith.constant 3 : i32
      %dma_start3A_303 = arith.constant 0 : i32
      %dma_start3A_304 = arith.constant 0 : i32
      %dma_start3A_305 = tpu.memref_slice %arg8[%dma_start3A_301, %dma_start3A_303, %dma_start3A_304] : memref<10x80x64xf32, #tpu.memory_space<vmem>> -> memref<1x80x64xf32, #tpu.memory_space<vmem>>
      %dma_start3A_306 = tpu.memref_squeeze %dma_start3A_305 : memref<1x80x64xf32, #tpu.memory_space<vmem>> -> memref<80x64xf32, #tpu.memory_space<vmem>>
      %dma_start3A_307 = arith.constant 0 : i32
      %dma_start3A_308 = tpu.memref_slice %arg7[%rem3A_61, %dma_start3A_302, %dma_start3A_307] : memref<2x10x80xi32, #tpu.memory_space<vmem>> -> memref<1x1x80xi32, #tpu.memory_space<vmem>>
      %dma_start3A_309 = tpu.memref_squeeze %dma_start3A_308 : memref<1x1x80xi32, #tpu.memory_space<vmem>> -> memref<80xi32, #tpu.memory_space<vmem>>
      %dma_start3A_310 = arith.constant 0 : i32
      %dma_start3A_311 = arith.constant 0 : i32
      %dma_start3A_312 = tpu.memref_slice %arg10[%dma_start3A_310, %dma_start3A_311] : memref<10000x64xf32, #tpu.memory_space<vmem_shared>> -> memref<10000x64xf32, #tpu.memory_space<vmem_shared>>
      tpu.enqueue_indirect_dma source(%dma_start3A_306 : memref<80x64xf32, #tpu.memory_space<vmem>>) target(%dma_start3A_312 : memref<10000x64xf32, #tpu.memory_space<vmem_shared>>) offsets(%dma_start3A_309 : memref<80xi32, #tpu.memory_space<vmem>>) semaphore(%arg12 : memref<!tpu.dma_semaphore, #tpu.memory_space<semaphore_mem>>) {add = true}
      %dma_wait3A_313 = arith.constant 4 : i32
      %dma_wait3A_314 = arith.constant 4 : i32
      %dma_wait3A_315 = arith.constant 0 : i32
      %dma_wait3A_316 = arith.constant 0 : i32
      %dma_wait3A_317 = tpu.memref_slice %arg8[%dma_wait3A_314, %dma_wait3A_315, %dma_wait3A_316] : memref<10x80x64xf32, #tpu.memory_space<vmem>> -> memref<1x80x64xf32, #tpu.memory_space<vmem>>
      %dma_wait3A_318 = tpu.memref_squeeze %dma_wait3A_317 : memref<1x80x64xf32, #tpu.memory_space<vmem>> -> memref<80x64xf32, #tpu.memory_space<vmem>>
      %dma_wait3A_319 = arith.constant 0 : i32
      %dma_wait3A_320 = tpu.memref_slice %arg6[%rem3A_61, %dma_wait3A_313, %dma_wait3A_319] : memref<2x10x80xi32, #tpu.memory_space<vmem>> -> memref<1x1x80xi32, #tpu.memory_space<vmem>>
      %dma_wait3A_321 = tpu.memref_squeeze %dma_wait3A_320 : memref<1x1x80xi32, #tpu.memory_space<vmem>> -> memref<80xi32, #tpu.memory_space<vmem>>
      %dma_wait3A_322 = arith.constant 0 : i32
      %dma_wait3A_323 = arith.constant 0 : i32
      %dma_wait3A_324 = tpu.memref_slice %arg2[%dma_wait3A_322, %dma_wait3A_323] : memref<20000x64xf32, #tpu.memory_space<hbm>> -> memref<20000x64xf32, #tpu.memory_space<hbm>>
      tpu.wait_indirect_dma semaphore(%arg11 : memref<!tpu.dma_semaphore, #tpu.memory_space<semaphore_mem>>) src(%dma_wait3A_324 : memref<20000x64xf32, #tpu.memory_space<hbm>>) dst(%dma_wait3A_318 : memref<80x64xf32, #tpu.memory_space<vmem>>)
      %dma_start3A_325 = arith.constant 4 : i32
      %dma_start3A_326 = arith.constant 4 : i32
      %dma_start3A_327 = arith.constant 0 : i32
      %dma_start3A_328 = arith.constant 0 : i32
      %dma_start3A_329 = tpu.memref_slice %arg8[%dma_start3A_325, %dma_start3A_327, %dma_start3A_328] : memref<10x80x64xf32, #tpu.memory_space<vmem>> -> memref<1x80x64xf32, #tpu.memory_space<vmem>>
      %dma_start3A_330 = tpu.memref_squeeze %dma_start3A_329 : memref<1x80x64xf32, #tpu.memory_space<vmem>> -> memref<80x64xf32, #tpu.memory_space<vmem>>
      %dma_start3A_331 = arith.constant 0 : i32
      %dma_start3A_332 = tpu.memref_slice %arg7[%rem3A_61, %dma_start3A_326, %dma_start3A_331] : memref<2x10x80xi32, #tpu.memory_space<vmem>> -> memref<1x1x80xi32, #tpu.memory_space<vmem>>
      %dma_start3A_333 = tpu.memref_squeeze %dma_start3A_332 : memref<1x1x80xi32, #tpu.memory_space<vmem>> -> memref<80xi32, #tpu.memory_space<vmem>>
      %dma_start3A_334 = arith.constant 0 : i32
      %dma_start3A_335 = arith.constant 0 : i32
      %dma_start3A_336 = tpu.memref_slice %arg10[%dma_start3A_334, %dma_start3A_335] : memref<10000x64xf32, #tpu.memory_space<vmem_shared>> -> memref<10000x64xf32, #tpu.memory_space<vmem_shared>>
      tpu.enqueue_indirect_dma source(%dma_start3A_330 : memref<80x64xf32, #tpu.memory_space<vmem>>) target(%dma_start3A_336 : memref<10000x64xf32, #tpu.memory_space<vmem_shared>>) offsets(%dma_start3A_333 : memref<80xi32, #tpu.memory_space<vmem>>) semaphore(%arg12 : memref<!tpu.dma_semaphore, #tpu.memory_space<semaphore_mem>>) {add = true}
      %dma_wait3A_337 = arith.constant 5 : i32
      %dma_wait3A_338 = arith.constant 5 : i32
      %dma_wait3A_339 = arith.constant 0 : i32
      %dma_wait3A_340 = arith.constant 0 : i32
      %dma_wait3A_341 = tpu.memref_slice %arg8[%dma_wait3A_338, %dma_wait3A_339, %dma_wait3A_340] : memref<10x80x64xf32, #tpu.memory_space<vmem>> -> memref<1x80x64xf32, #tpu.memory_space<vmem>>
      %dma_wait3A_342 = tpu.memref_squeeze %dma_wait3A_341 : memref<1x80x64xf32, #tpu.memory_space<vmem>> -> memref<80x64xf32, #tpu.memory_space<vmem>>
      %dma_wait3A_343 = arith.constant 0 : i32
      %dma_wait3A_344 = tpu.memref_slice %arg6[%rem3A_61, %dma_wait3A_337, %dma_wait3A_343] : memref<2x10x80xi32, #tpu.memory_space<vmem>> -> memref<1x1x80xi32, #tpu.memory_space<vmem>>
      %dma_wait3A_345 = tpu.memref_squeeze %dma_wait3A_344 : memref<1x1x80xi32, #tpu.memory_space<vmem>> -> memref<80xi32, #tpu.memory_space<vmem>>
      %dma_wait3A_346 = arith.constant 0 : i32
      %dma_wait3A_347 = arith.constant 0 : i32
      %dma_wait3A_348 = tpu.memref_slice %arg2[%dma_wait3A_346, %dma_wait3A_347] : memref<20000x64xf32, #tpu.memory_space<hbm>> -> memref<20000x64xf32, #tpu.memory_space<hbm>>
      tpu.wait_indirect_dma semaphore(%arg11 : memref<!tpu.dma_semaphore, #tpu.memory_space<semaphore_mem>>) src(%dma_wait3A_348 : memref<20000x64xf32, #tpu.memory_space<hbm>>) dst(%dma_wait3A_342 : memref<80x64xf32, #tpu.memory_space<vmem>>)
      %dma_start3A_349 = arith.constant 5 : i32
      %dma_start3A_350 = arith.constant 5 : i32
      %dma_start3A_351 = arith.constant 0 : i32
      %dma_start3A_352 = arith.constant 0 : i32
      %dma_start3A_353 = tpu.memref_slice %arg8[%dma_start3A_349, %dma_start3A_351, %dma_start3A_352] : memref<10x80x64xf32, #tpu.memory_space<vmem>> -> memref<1x80x64xf32, #tpu.memory_space<vmem>>
      %dma_start3A_354 = tpu.memref_squeeze %dma_start3A_353 : memref<1x80x64xf32, #tpu.memory_space<vmem>> -> memref<80x64xf32, #tpu.memory_space<vmem>>
      %dma_start3A_355 = arith.constant 0 : i32
      %dma_start3A_356 = tpu.memref_slice %arg7[%rem3A_61, %dma_start3A_350, %dma_start3A_355] : memref<2x10x80xi32, #tpu.memory_space<vmem>> -> memref<1x1x80xi32, #tpu.memory_space<vmem>>
      %dma_start3A_357 = tpu.memref_squeeze %dma_start3A_356 : memref<1x1x80xi32, #tpu.memory_space<vmem>> -> memref<80xi32, #tpu.memory_space<vmem>>
      %dma_start3A_358 = arith.constant 0 : i32
      %dma_start3A_359 = arith.constant 0 : i32
      %dma_start3A_360 = tpu.memref_slice %arg10[%dma_start3A_358, %dma_start3A_359] : memref<10000x64xf32, #tpu.memory_space<vmem_shared>> -> memref<10000x64xf32, #tpu.memory_space<vmem_shared>>
      tpu.enqueue_indirect_dma source(%dma_start3A_354 : memref<80x64xf32, #tpu.memory_space<vmem>>) target(%dma_start3A_360 : memref<10000x64xf32, #tpu.memory_space<vmem_shared>>) offsets(%dma_start3A_357 : memref<80xi32, #tpu.memory_space<vmem>>) semaphore(%arg12 : memref<!tpu.dma_semaphore, #tpu.memory_space<semaphore_mem>>) {add = true}
      %dma_wait3A_361 = arith.constant 6 : i32
      %dma_wait3A_362 = arith.constant 6 : i32
      %dma_wait3A_363 = arith.constant 0 : i32
      %dma_wait3A_364 = arith.constant 0 : i32
      %dma_wait3A_365 = tpu.memref_slice %arg8[%dma_wait3A_362, %dma_wait3A_363, %dma_wait3A_364] : memref<10x80x64xf32, #tpu.memory_space<vmem>> -> memref<1x80x64xf32, #tpu.memory_space<vmem>>
      %dma_wait3A_366 = tpu.memref_squeeze %dma_wait3A_365 : memref<1x80x64xf32, #tpu.memory_space<vmem>> -> memref<80x64xf32, #tpu.memory_space<vmem>>
      %dma_wait3A_367 = arith.constant 0 : i32
      %dma_wait3A_368 = tpu.memref_slice %arg6[%rem3A_61, %dma_wait3A_361, %dma_wait3A_367] : memref<2x10x80xi32, #tpu.memory_space<vmem>> -> memref<1x1x80xi32, #tpu.memory_space<vmem>>
      %dma_wait3A_369 = tpu.memref_squeeze %dma_wait3A_368 : memref<1x1x80xi32, #tpu.memory_space<vmem>> -> memref<80xi32, #tpu.memory_space<vmem>>
      %dma_wait3A_370 = arith.constant 0 : i32
      %dma_wait3A_371 = arith.constant 0 : i32
      %dma_wait3A_372 = tpu.memref_slice %arg2[%dma_wait3A_370, %dma_wait3A_371] : memref<20000x64xf32, #tpu.memory_space<hbm>> -> memref<20000x64xf32, #tpu.memory_space<hbm>>
      tpu.wait_indirect_dma semaphore(%arg11 : memref<!tpu.dma_semaphore, #tpu.memory_space<semaphore_mem>>) src(%dma_wait3A_372 : memref<20000x64xf32, #tpu.memory_space<hbm>>) dst(%dma_wait3A_366 : memref<80x64xf32, #tpu.memory_space<vmem>>)
      %dma_start3A_373 = arith.constant 6 : i32
      %dma_start3A_374 = arith.constant 6 : i32
      %dma_start3A_375 = arith.constant 0 : i32
      %dma_start3A_376 = arith.constant 0 : i32
      %dma_start3A_377 = tpu.memref_slice %arg8[%dma_start3A_373, %dma_start3A_375, %dma_start3A_376] : memref<10x80x64xf32, #tpu.memory_space<vmem>> -> memref<1x80x64xf32, #tpu.memory_space<vmem>>
      %dma_start3A_378 = tpu.memref_squeeze %dma_start3A_377 : memref<1x80x64xf32, #tpu.memory_space<vmem>> -> memref<80x64xf32, #tpu.memory_space<vmem>>
      %dma_start3A_379 = arith.constant 0 : i32
      %dma_start3A_380 = tpu.memref_slice %arg7[%rem3A_61, %dma_start3A_374, %dma_start3A_379] : memref<2x10x80xi32, #tpu.memory_space<vmem>> -> memref<1x1x80xi32, #tpu.memory_space<vmem>>
      %dma_start3A_381 = tpu.memref_squeeze %dma_start3A_380 : memref<1x1x80xi32, #tpu.memory_space<vmem>> -> memref<80xi32, #tpu.memory_space<vmem>>
      %dma_start3A_382 = arith.constant 0 : i32
      %dma_start3A_383 = arith.constant 0 : i32
      %dma_start3A_384 = tpu.memref_slice %arg10[%dma_start3A_382, %dma_start3A_383] : memref<10000x64xf32, #tpu.memory_space<vmem_shared>> -> memref<10000x64xf32, #tpu.memory_space<vmem_shared>>
      tpu.enqueue_indirect_dma source(%dma_start3A_378 : memref<80x64xf32, #tpu.memory_space<vmem>>) target(%dma_start3A_384 : memref<10000x64xf32, #tpu.memory_space<vmem_shared>>) offsets(%dma_start3A_381 : memref<80xi32, #tpu.memory_space<vmem>>) semaphore(%arg12 : memref<!tpu.dma_semaphore, #tpu.memory_space<semaphore_mem>>) {add = true}
      %dma_wait3A_385 = arith.constant 7 : i32
      %dma_wait3A_386 = arith.constant 7 : i32
      %dma_wait3A_387 = arith.constant 0 : i32
      %dma_wait3A_388 = arith.constant 0 : i32
      %dma_wait3A_389 = tpu.memref_slice %arg8[%dma_wait3A_386, %dma_wait3A_387, %dma_wait3A_388] : memref<10x80x64xf32, #tpu.memory_space<vmem>> -> memref<1x80x64xf32, #tpu.memory_space<vmem>>
      %dma_wait3A_390 = tpu.memref_squeeze %dma_wait3A_389 : memref<1x80x64xf32, #tpu.memory_space<vmem>> -> memref<80x64xf32, #tpu.memory_space<vmem>>
      %dma_wait3A_391 = arith.constant 0 : i32
      %dma_wait3A_392 = tpu.memref_slice %arg6[%rem3A_61, %dma_wait3A_385, %dma_wait3A_391] : memref<2x10x80xi32, #tpu.memory_space<vmem>> -> memref<1x1x80xi32, #tpu.memory_space<vmem>>
      %dma_wait3A_393 = tpu.memref_squeeze %dma_wait3A_392 : memref<1x1x80xi32, #tpu.memory_space<vmem>> -> memref<80xi32, #tpu.memory_space<vmem>>
      %dma_wait3A_394 = arith.constant 0 : i32
      %dma_wait3A_395 = arith.constant 0 : i32
      %dma_wait3A_396 = tpu.memref_slice %arg2[%dma_wait3A_394, %dma_wait3A_395] : memref<20000x64xf32, #tpu.memory_space<hbm>> -> memref<20000x64xf32, #tpu.memory_space<hbm>>
      tpu.wait_indirect_dma semaphore(%arg11 : memref<!tpu.dma_semaphore, #tpu.memory_space<semaphore_mem>>) src(%dma_wait3A_396 : memref<20000x64xf32, #tpu.memory_space<hbm>>) dst(%dma_wait3A_390 : memref<80x64xf32, #tpu.memory_space<vmem>>)
      %dma_start3A_397 = arith.constant 7 : i32
      %dma_start3A_398 = arith.constant 7 : i32
      %dma_start3A_399 = arith.constant 0 : i32
      %dma_start3A_400 = arith.constant 0 : i32
      %dma_start3A_401 = tpu.memref_slice %arg8[%dma_start3A_397, %dma_start3A_399, %dma_start3A_400] : memref<10x80x64xf32, #tpu.memory_space<vmem>> -> memref<1x80x64xf32, #tpu.memory_space<vmem>>
      %dma_start3A_402 = tpu.memref_squeeze %dma_start3A_401 : memref<1x80x64xf32, #tpu.memory_space<vmem>> -> memref<80x64xf32, #tpu.memory_space<vmem>>
      %dma_start3A_403 = arith.constant 0 : i32
      %dma_start3A_404 = tpu.memref_slice %arg7[%rem3A_61, %dma_start3A_398, %dma_start3A_403] : memref<2x10x80xi32, #tpu.memory_space<vmem>> -> memref<1x1x80xi32, #tpu.memory_space<vmem>>
      %dma_start3A_405 = tpu.memref_squeeze %dma_start3A_404 : memref<1x1x80xi32, #tpu.memory_space<vmem>> -> memref<80xi32, #tpu.memory_space<vmem>>
      %dma_start3A_406 = arith.constant 0 : i32
      %dma_start3A_407 = arith.constant 0 : i32
      %dma_start3A_408 = tpu.memref_slice %arg10[%dma_start3A_406, %dma_start3A_407] : memref<10000x64xf32, #tpu.memory_space<vmem_shared>> -> memref<10000x64xf32, #tpu.memory_space<vmem_shared>>
      tpu.enqueue_indirect_dma source(%dma_start3A_402 : memref<80x64xf32, #tpu.memory_space<vmem>>) target(%dma_start3A_408 : memref<10000x64xf32, #tpu.memory_space<vmem_shared>>) offsets(%dma_start3A_405 : memref<80xi32, #tpu.memory_space<vmem>>) semaphore(%arg12 : memref<!tpu.dma_semaphore, #tpu.memory_space<semaphore_mem>>) {add = true}
      %dma_wait3A_409 = arith.constant 8 : i32
      %dma_wait3A_410 = arith.constant 8 : i32
      %dma_wait3A_411 = arith.constant 0 : i32
      %dma_wait3A_412 = arith.constant 0 : i32
      %dma_wait3A_413 = tpu.memref_slice %arg8[%dma_wait3A_410, %dma_wait3A_411, %dma_wait3A_412] : memref<10x80x64xf32, #tpu.memory_space<vmem>> -> memref<1x80x64xf32, #tpu.memory_space<vmem>>
      %dma_wait3A_414 = tpu.memref_squeeze %dma_wait3A_413 : memref<1x80x64xf32, #tpu.memory_space<vmem>> -> memref<80x64xf32, #tpu.memory_space<vmem>>
      %dma_wait3A_415 = arith.constant 0 : i32
      %dma_wait3A_416 = tpu.memref_slice %arg6[%rem3A_61, %dma_wait3A_409, %dma_wait3A_415] : memref<2x10x80xi32, #tpu.memory_space<vmem>> -> memref<1x1x80xi32, #tpu.memory_space<vmem>>
      %dma_wait3A_417 = tpu.memref_squeeze %dma_wait3A_416 : memref<1x1x80xi32, #tpu.memory_space<vmem>> -> memref<80xi32, #tpu.memory_space<vmem>>
      %dma_wait3A_418 = arith.constant 0 : i32
      %dma_wait3A_419 = arith.constant 0 : i32
      %dma_wait3A_420 = tpu.memref_slice %arg2[%dma_wait3A_418, %dma_wait3A_419] : memref<20000x64xf32, #tpu.memory_space<hbm>> -> memref<20000x64xf32, #tpu.memory_space<hbm>>
      tpu.wait_indirect_dma semaphore(%arg11 : memref<!tpu.dma_semaphore, #tpu.memory_space<semaphore_mem>>) src(%dma_wait3A_420 : memref<20000x64xf32, #tpu.memory_space<hbm>>) dst(%dma_wait3A_414 : memref<80x64xf32, #tpu.memory_space<vmem>>)
      %dma_start3A_421 = arith.constant 8 : i32
      %dma_start3A_422 = arith.constant 8 : i32
      %dma_start3A_423 = arith.constant 0 : i32
      %dma_start3A_424 = arith.constant 0 : i32
      %dma_start3A_425 = tpu.memref_slice %arg8[%dma_start3A_421, %dma_start3A_423, %dma_start3A_424] : memref<10x80x64xf32, #tpu.memory_space<vmem>> -> memref<1x80x64xf32, #tpu.memory_space<vmem>>
      %dma_start3A_426 = tpu.memref_squeeze %dma_start3A_425 : memref<1x80x64xf32, #tpu.memory_space<vmem>> -> memref<80x64xf32, #tpu.memory_space<vmem>>
      %dma_start3A_427 = arith.constant 0 : i32
      %dma_start3A_428 = tpu.memref_slice %arg7[%rem3A_61, %dma_start3A_422, %dma_start3A_427] : memref<2x10x80xi32, #tpu.memory_space<vmem>> -> memref<1x1x80xi32, #tpu.memory_space<vmem>>
      %dma_start3A_429 = tpu.memref_squeeze %dma_start3A_428 : memref<1x1x80xi32, #tpu.memory_space<vmem>> -> memref<80xi32, #tpu.memory_space<vmem>>
      %dma_start3A_430 = arith.constant 0 : i32
      %dma_start3A_431 = arith.constant 0 : i32
      %dma_start3A_432 = tpu.memref_slice %arg10[%dma_start3A_430, %dma_start3A_431] : memref<10000x64xf32, #tpu.memory_space<vmem_shared>> -> memref<10000x64xf32, #tpu.memory_space<vmem_shared>>
      tpu.enqueue_indirect_dma source(%dma_start3A_426 : memref<80x64xf32, #tpu.memory_space<vmem>>) target(%dma_start3A_432 : memref<10000x64xf32, #tpu.memory_space<vmem_shared>>) offsets(%dma_start3A_429 : memref<80xi32, #tpu.memory_space<vmem>>) semaphore(%arg12 : memref<!tpu.dma_semaphore, #tpu.memory_space<semaphore_mem>>) {add = true}
      %dma_wait3A_433 = arith.constant 9 : i32
      %dma_wait3A_434 = arith.constant 9 : i32
      %dma_wait3A_435 = arith.constant 0 : i32
      %dma_wait3A_436 = arith.constant 0 : i32
      %dma_wait3A_437 = tpu.memref_slice %arg8[%dma_wait3A_434, %dma_wait3A_435, %dma_wait3A_436] : memref<10x80x64xf32, #tpu.memory_space<vmem>> -> memref<1x80x64xf32, #tpu.memory_space<vmem>>
      %dma_wait3A_438 = tpu.memref_squeeze %dma_wait3A_437 : memref<1x80x64xf32, #tpu.memory_space<vmem>> -> memref<80x64xf32, #tpu.memory_space<vmem>>
      %dma_wait3A_439 = arith.constant 0 : i32
      %dma_wait3A_440 = tpu.memref_slice %arg6[%rem3A_61, %dma_wait3A_433, %dma_wait3A_439] : memref<2x10x80xi32, #tpu.memory_space<vmem>> -> memref<1x1x80xi32, #tpu.memory_space<vmem>>
      %dma_wait3A_441 = tpu.memref_squeeze %dma_wait3A_440 : memref<1x1x80xi32, #tpu.memory_space<vmem>> -> memref<80xi32, #tpu.memory_space<vmem>>
      %dma_wait3A_442 = arith.constant 0 : i32
      %dma_wait3A_443 = arith.constant 0 : i32
      %dma_wait3A_444 = tpu.memref_slice %arg2[%dma_wait3A_442, %dma_wait3A_443] : memref<20000x64xf32, #tpu.memory_space<hbm>> -> memref<20000x64xf32, #tpu.memory_space<hbm>>
      tpu.wait_indirect_dma semaphore(%arg11 : memref<!tpu.dma_semaphore, #tpu.memory_space<semaphore_mem>>) src(%dma_wait3A_444 : memref<20000x64xf32, #tpu.memory_space<hbm>>) dst(%dma_wait3A_438 : memref<80x64xf32, #tpu.memory_space<vmem>>)
      %dma_start3A_445 = arith.constant 9 : i32
      %dma_start3A_446 = arith.constant 9 : i32
      %dma_start3A_447 = arith.constant 0 : i32
      %dma_start3A_448 = arith.constant 0 : i32
      %dma_start3A_449 = tpu.memref_slice %arg8[%dma_start3A_445, %dma_start3A_447, %dma_start3A_448] : memref<10x80x64xf32, #tpu.memory_space<vmem>> -> memref<1x80x64xf32, #tpu.memory_space<vmem>>
      %dma_start3A_450 = tpu.memref_squeeze %dma_start3A_449 : memref<1x80x64xf32, #tpu.memory_space<vmem>> -> memref<80x64xf32, #tpu.memory_space<vmem>>
      %dma_start3A_451 = arith.constant 0 : i32
      %dma_start3A_452 = tpu.memref_slice %arg7[%rem3A_61, %dma_start3A_446, %dma_start3A_451] : memref<2x10x80xi32, #tpu.memory_space<vmem>> -> memref<1x1x80xi32, #tpu.memory_space<vmem>>
      %dma_start3A_453 = tpu.memref_squeeze %dma_start3A_452 : memref<1x1x80xi32, #tpu.memory_space<vmem>> -> memref<80xi32, #tpu.memory_space<vmem>>
      %dma_start3A_454 = arith.constant 0 : i32
      %dma_start3A_455 = arith.constant 0 : i32
      %dma_start3A_456 = tpu.memref_slice %arg10[%dma_start3A_454, %dma_start3A_455] : memref<10000x64xf32, #tpu.memory_space<vmem_shared>> -> memref<10000x64xf32, #tpu.memory_space<vmem_shared>>
      tpu.enqueue_indirect_dma source(%dma_start3A_450 : memref<80x64xf32, #tpu.memory_space<vmem>>) target(%dma_start3A_456 : memref<10000x64xf32, #tpu.memory_space<vmem_shared>>) offsets(%dma_start3A_453 : memref<80xi32, #tpu.memory_space<vmem>>) semaphore(%arg12 : memref<!tpu.dma_semaphore, #tpu.memory_space<semaphore_mem>>) {add = true}
      %dma_wait3A_457 = arith.constant 0 : i32
      %dma_wait3A_458 = arith.constant 0 : i32
      %dma_wait3A_459 = arith.constant 0 : i32
      %dma_wait3A_460 = arith.constant 0 : i32
      %dma_wait3A_461 = tpu.memref_slice %arg8[%dma_wait3A_457, %dma_wait3A_459, %dma_wait3A_460] : memref<10x80x64xf32, #tpu.memory_space<vmem>> -> memref<1x80x64xf32, #tpu.memory_space<vmem>>
      %dma_wait3A_462 = tpu.memref_squeeze %dma_wait3A_461 : memref<1x80x64xf32, #tpu.memory_space<vmem>> -> memref<80x64xf32, #tpu.memory_space<vmem>>
      %dma_wait3A_463 = arith.constant 0 : i32
      %dma_wait3A_464 = tpu.memref_slice %arg7[%rem3A_61, %dma_wait3A_458, %dma_wait3A_463] : memref<2x10x80xi32, #tpu.memory_space<vmem>> -> memref<1x1x80xi32, #tpu.memory_space<vmem>>
      %dma_wait3A_465 = tpu.memref_squeeze %dma_wait3A_464 : memref<1x1x80xi32, #tpu.memory_space<vmem>> -> memref<80xi32, #tpu.memory_space<vmem>>
      %dma_wait3A_466 = arith.constant 0 : i32
      %dma_wait3A_467 = arith.constant 0 : i32
      %dma_wait3A_468 = tpu.memref_slice %arg10[%dma_wait3A_466, %dma_wait3A_467] : memref<10000x64xf32, #tpu.memory_space<vmem_shared>> -> memref<10000x64xf32, #tpu.memory_space<vmem_shared>>
      tpu.wait_indirect_dma semaphore(%arg12 : memref<!tpu.dma_semaphore, #tpu.memory_space<semaphore_mem>>) src(%dma_wait3A_462 : memref<80x64xf32, #tpu.memory_space<vmem>>) dst(%dma_wait3A_468 : memref<10000x64xf32, #tpu.memory_space<vmem_shared>>)
      %dma_wait3A_469 = arith.constant 1 : i32
      %dma_wait3A_470 = arith.constant 1 : i32
      %dma_wait3A_471 = arith.constant 0 : i32
      %dma_wait3A_472 = arith.constant 0 : i32
      %dma_wait3A_473 = tpu.memref_slice %arg8[%dma_wait3A_469, %dma_wait3A_471, %dma_wait3A_472] : memref<10x80x64xf32, #tpu.memory_space<vmem>> -> memref<1x80x64xf32, #tpu.memory_space<vmem>>
      %dma_wait3A_474 = tpu.memref_squeeze %dma_wait3A_473 : memref<1x80x64xf32, #tpu.memory_space<vmem>> -> memref<80x64xf32, #tpu.memory_space<vmem>>
      %dma_wait3A_475 = arith.constant 0 : i32
      %dma_wait3A_476 = tpu.memref_slice %arg7[%rem3A_61, %dma_wait3A_470, %dma_wait3A_475] : memref<2x10x80xi32, #tpu.memory_space<vmem>> -> memref<1x1x80xi32, #tpu.memory_space<vmem>>
      %dma_wait3A_477 = tpu.memref_squeeze %dma_wait3A_476 : memref<1x1x80xi32, #tpu.memory_space<vmem>> -> memref<80xi32, #tpu.memory_space<vmem>>
      %dma_wait3A_478 = arith.constant 0 : i32
      %dma_wait3A_479 = arith.constant 0 : i32
      %dma_wait3A_480 = tpu.memref_slice %arg10[%dma_wait3A_478, %dma_wait3A_479] : memref<10000x64xf32, #tpu.memory_space<vmem_shared>> -> memref<10000x64xf32, #tpu.memory_space<vmem_shared>>
      tpu.wait_indirect_dma semaphore(%arg12 : memref<!tpu.dma_semaphore, #tpu.memory_space<semaphore_mem>>) src(%dma_wait3A_474 : memref<80x64xf32, #tpu.memory_space<vmem>>) dst(%dma_wait3A_480 : memref<10000x64xf32, #tpu.memory_space<vmem_shared>>)
      %dma_wait3A_481 = arith.constant 2 : i32
      %dma_wait3A_482 = arith.constant 2 : i32
      %dma_wait3A_483 = arith.constant 0 : i32
      %dma_wait3A_484 = arith.constant 0 : i32
      %dma_wait3A_485 = tpu.memref_slice %arg8[%dma_wait3A_481, %dma_wait3A_483, %dma_wait3A_484] : memref<10x80x64xf32, #tpu.memory_space<vmem>> -> memref<1x80x64xf32, #tpu.memory_space<vmem>>
      %dma_wait3A_486 = tpu.memref_squeeze %dma_wait3A_485 : memref<1x80x64xf32, #tpu.memory_space<vmem>> -> memref<80x64xf32, #tpu.memory_space<vmem>>
      %dma_wait3A_487 = arith.constant 0 : i32
      %dma_wait3A_488 = tpu.memref_slice %arg7[%rem3A_61, %dma_wait3A_482, %dma_wait3A_487] : memref<2x10x80xi32, #tpu.memory_space<vmem>> -> memref<1x1x80xi32, #tpu.memory_space<vmem>>
      %dma_wait3A_489 = tpu.memref_squeeze %dma_wait3A_488 : memref<1x1x80xi32, #tpu.memory_space<vmem>> -> memref<80xi32, #tpu.memory_space<vmem>>
      %dma_wait3A_490 = arith.constant 0 : i32
      %dma_wait3A_491 = arith.constant 0 : i32
      %dma_wait3A_492 = tpu.memref_slice %arg10[%dma_wait3A_490, %dma_wait3A_491] : memref<10000x64xf32, #tpu.memory_space<vmem_shared>> -> memref<10000x64xf32, #tpu.memory_space<vmem_shared>>
      tpu.wait_indirect_dma semaphore(%arg12 : memref<!tpu.dma_semaphore, #tpu.memory_space<semaphore_mem>>) src(%dma_wait3A_486 : memref<80x64xf32, #tpu.memory_space<vmem>>) dst(%dma_wait3A_492 : memref<10000x64xf32, #tpu.memory_space<vmem_shared>>)
      %dma_wait3A_493 = arith.constant 3 : i32
      %dma_wait3A_494 = arith.constant 3 : i32
      %dma_wait3A_495 = arith.constant 0 : i32
      %dma_wait3A_496 = arith.constant 0 : i32
      %dma_wait3A_497 = tpu.memref_slice %arg8[%dma_wait3A_493, %dma_wait3A_495, %dma_wait3A_496] : memref<10x80x64xf32, #tpu.memory_space<vmem>> -> memref<1x80x64xf32, #tpu.memory_space<vmem>>
      %dma_wait3A_498 = tpu.memref_squeeze %dma_wait3A_497 : memref<1x80x64xf32, #tpu.memory_space<vmem>> -> memref<80x64xf32, #tpu.memory_space<vmem>>
      %dma_wait3A_499 = arith.constant 0 : i32
      %dma_wait3A_500 = tpu.memref_slice %arg7[%rem3A_61, %dma_wait3A_494, %dma_wait3A_499] : memref<2x10x80xi32, #tpu.memory_space<vmem>> -> memref<1x1x80xi32, #tpu.memory_space<vmem>>
      %dma_wait3A_501 = tpu.memref_squeeze %dma_wait3A_500 : memref<1x1x80xi32, #tpu.memory_space<vmem>> -> memref<80xi32, #tpu.memory_space<vmem>>
      %dma_wait3A_502 = arith.constant 0 : i32
      %dma_wait3A_503 = arith.constant 0 : i32
      %dma_wait3A_504 = tpu.memref_slice %arg10[%dma_wait3A_502, %dma_wait3A_503] : memref<10000x64xf32, #tpu.memory_space<vmem_shared>> -> memref<10000x64xf32, #tpu.memory_space<vmem_shared>>
      tpu.wait_indirect_dma semaphore(%arg12 : memref<!tpu.dma_semaphore, #tpu.memory_space<semaphore_mem>>) src(%dma_wait3A_498 : memref<80x64xf32, #tpu.memory_space<vmem>>) dst(%dma_wait3A_504 : memref<10000x64xf32, #tpu.memory_space<vmem_shared>>)
      %dma_wait3A_505 = arith.constant 4 : i32
      %dma_wait3A_506 = arith.constant 4 : i32
      %dma_wait3A_507 = arith.constant 0 : i32
      %dma_wait3A_508 = arith.constant 0 : i32
      %dma_wait3A_509 = tpu.memref_slice %arg8[%dma_wait3A_505, %dma_wait3A_507, %dma_wait3A_508] : memref<10x80x64xf32, #tpu.memory_space<vmem>> -> memref<1x80x64xf32, #tpu.memory_space<vmem>>
      %dma_wait3A_510 = tpu.memref_squeeze %dma_wait3A_509 : memref<1x80x64xf32, #tpu.memory_space<vmem>> -> memref<80x64xf32, #tpu.memory_space<vmem>>
      %dma_wait3A_511 = arith.constant 0 : i32
      %dma_wait3A_512 = tpu.memref_slice %arg7[%rem3A_61, %dma_wait3A_506, %dma_wait3A_511] : memref<2x10x80xi32, #tpu.memory_space<vmem>> -> memref<1x1x80xi32, #tpu.memory_space<vmem>>
      %dma_wait3A_513 = tpu.memref_squeeze %dma_wait3A_512 : memref<1x1x80xi32, #tpu.memory_space<vmem>> -> memref<80xi32, #tpu.memory_space<vmem>>
      %dma_wait3A_514 = arith.constant 0 : i32
      %dma_wait3A_515 = arith.constant 0 : i32
      %dma_wait3A_516 = tpu.memref_slice %arg10[%dma_wait3A_514, %dma_wait3A_515] : memref<10000x64xf32, #tpu.memory_space<vmem_shared>> -> memref<10000x64xf32, #tpu.memory_space<vmem_shared>>
      tpu.wait_indirect_dma semaphore(%arg12 : memref<!tpu.dma_semaphore, #tpu.memory_space<semaphore_mem>>) src(%dma_wait3A_510 : memref<80x64xf32, #tpu.memory_space<vmem>>) dst(%dma_wait3A_516 : memref<10000x64xf32, #tpu.memory_space<vmem_shared>>)
      %dma_wait3A_517 = arith.constant 5 : i32
      %dma_wait3A_518 = arith.constant 5 : i32
      %dma_wait3A_519 = arith.constant 0 : i32
      %dma_wait3A_520 = arith.constant 0 : i32
      %dma_wait3A_521 = tpu.memref_slice %arg8[%dma_wait3A_517, %dma_wait3A_519, %dma_wait3A_520] : memref<10x80x64xf32, #tpu.memory_space<vmem>> -> memref<1x80x64xf32, #tpu.memory_space<vmem>>
      %dma_wait3A_522 = tpu.memref_squeeze %dma_wait3A_521 : memref<1x80x64xf32, #tpu.memory_space<vmem>> -> memref<80x64xf32, #tpu.memory_space<vmem>>
      %dma_wait3A_523 = arith.constant 0 : i32
      %dma_wait3A_524 = tpu.memref_slice %arg7[%rem3A_61, %dma_wait3A_518, %dma_wait3A_523] : memref<2x10x80xi32, #tpu.memory_space<vmem>> -> memref<1x1x80xi32, #tpu.memory_space<vmem>>
      %dma_wait3A_525 = tpu.memref_squeeze %dma_wait3A_524 : memref<1x1x80xi32, #tpu.memory_space<vmem>> -> memref<80xi32, #tpu.memory_space<vmem>>
      %dma_wait3A_526 = arith.constant 0 : i32
      %dma_wait3A_527 = arith.constant 0 : i32
      %dma_wait3A_528 = tpu.memref_slice %arg10[%dma_wait3A_526, %dma_wait3A_527] : memref<10000x64xf32, #tpu.memory_space<vmem_shared>> -> memref<10000x64xf32, #tpu.memory_space<vmem_shared>>
      tpu.wait_indirect_dma semaphore(%arg12 : memref<!tpu.dma_semaphore, #tpu.memory_space<semaphore_mem>>) src(%dma_wait3A_522 : memref<80x64xf32, #tpu.memory_space<vmem>>) dst(%dma_wait3A_528 : memref<10000x64xf32, #tpu.memory_space<vmem_shared>>)
      %dma_wait3A_529 = arith.constant 6 : i32
      %dma_wait3A_530 = arith.constant 6 : i32
      %dma_wait3A_531 = arith.constant 0 : i32
      %dma_wait3A_532 = arith.constant 0 : i32
      %dma_wait3A_533 = tpu.memref_slice %arg8[%dma_wait3A_529, %dma_wait3A_531, %dma_wait3A_532] : memref<10x80x64xf32, #tpu.memory_space<vmem>> -> memref<1x80x64xf32, #tpu.memory_space<vmem>>
      %dma_wait3A_534 = tpu.memref_squeeze %dma_wait3A_533 : memref<1x80x64xf32, #tpu.memory_space<vmem>> -> memref<80x64xf32, #tpu.memory_space<vmem>>
      %dma_wait3A_535 = arith.constant 0 : i32
      %dma_wait3A_536 = tpu.memref_slice %arg7[%rem3A_61, %dma_wait3A_530, %dma_wait3A_535] : memref<2x10x80xi32, #tpu.memory_space<vmem>> -> memref<1x1x80xi32, #tpu.memory_space<vmem>>
      %dma_wait3A_537 = tpu.memref_squeeze %dma_wait3A_536 : memref<1x1x80xi32, #tpu.memory_space<vmem>> -> memref<80xi32, #tpu.memory_space<vmem>>
      %dma_wait3A_538 = arith.constant 0 : i32
      %dma_wait3A_539 = arith.constant 0 : i32
      %dma_wait3A_540 = tpu.memref_slice %arg10[%dma_wait3A_538, %dma_wait3A_539] : memref<10000x64xf32, #tpu.memory_space<vmem_shared>> -> memref<10000x64xf32, #tpu.memory_space<vmem_shared>>
      tpu.wait_indirect_dma semaphore(%arg12 : memref<!tpu.dma_semaphore, #tpu.memory_space<semaphore_mem>>) src(%dma_wait3A_534 : memref<80x64xf32, #tpu.memory_space<vmem>>) dst(%dma_wait3A_540 : memref<10000x64xf32, #tpu.memory_space<vmem_shared>>)
      %dma_wait3A_541 = arith.constant 7 : i32
      %dma_wait3A_542 = arith.constant 7 : i32
      %dma_wait3A_543 = arith.constant 0 : i32
      %dma_wait3A_544 = arith.constant 0 : i32
      %dma_wait3A_545 = tpu.memref_slice %arg8[%dma_wait3A_541, %dma_wait3A_543, %dma_wait3A_544] : memref<10x80x64xf32, #tpu.memory_space<vmem>> -> memref<1x80x64xf32, #tpu.memory_space<vmem>>
      %dma_wait3A_546 = tpu.memref_squeeze %dma_wait3A_545 : memref<1x80x64xf32, #tpu.memory_space<vmem>> -> memref<80x64xf32, #tpu.memory_space<vmem>>
      %dma_wait3A_547 = arith.constant 0 : i32
      %dma_wait3A_548 = tpu.memref_slice %arg7[%rem3A_61, %dma_wait3A_542, %dma_wait3A_547] : memref<2x10x80xi32, #tpu.memory_space<vmem>> -> memref<1x1x80xi32, #tpu.memory_space<vmem>>
      %dma_wait3A_549 = tpu.memref_squeeze %dma_wait3A_548 : memref<1x1x80xi32, #tpu.memory_space<vmem>> -> memref<80xi32, #tpu.memory_space<vmem>>
      %dma_wait3A_550 = arith.constant 0 : i32
      %dma_wait3A_551 = arith.constant 0 : i32
      %dma_wait3A_552 = tpu.memref_slice %arg10[%dma_wait3A_550, %dma_wait3A_551] : memref<10000x64xf32, #tpu.memory_space<vmem_shared>> -> memref<10000x64xf32, #tpu.memory_space<vmem_shared>>
      tpu.wait_indirect_dma semaphore(%arg12 : memref<!tpu.dma_semaphore, #tpu.memory_space<semaphore_mem>>) src(%dma_wait3A_546 : memref<80x64xf32, #tpu.memory_space<vmem>>) dst(%dma_wait3A_552 : memref<10000x64xf32, #tpu.memory_space<vmem_shared>>)
      %dma_wait3A_553 = arith.constant 8 : i32
      %dma_wait3A_554 = arith.constant 8 : i32
      %dma_wait3A_555 = arith.constant 0 : i32
      %dma_wait3A_556 = arith.constant 0 : i32
      %dma_wait3A_557 = tpu.memref_slice %arg8[%dma_wait3A_553, %dma_wait3A_555, %dma_wait3A_556] : memref<10x80x64xf32, #tpu.memory_space<vmem>> -> memref<1x80x64xf32, #tpu.memory_space<vmem>>
      %dma_wait3A_558 = tpu.memref_squeeze %dma_wait3A_557 : memref<1x80x64xf32, #tpu.memory_space<vmem>> -> memref<80x64xf32, #tpu.memory_space<vmem>>
      %dma_wait3A_559 = arith.constant 0 : i32
      %dma_wait3A_560 = tpu.memref_slice %arg7[%rem3A_61, %dma_wait3A_554, %dma_wait3A_559] : memref<2x10x80xi32, #tpu.memory_space<vmem>> -> memref<1x1x80xi32, #tpu.memory_space<vmem>>
      %dma_wait3A_561 = tpu.memref_squeeze %dma_wait3A_560 : memref<1x1x80xi32, #tpu.memory_space<vmem>> -> memref<80xi32, #tpu.memory_space<vmem>>
      %dma_wait3A_562 = arith.constant 0 : i32
      %dma_wait3A_563 = arith.constant 0 : i32
      %dma_wait3A_564 = tpu.memref_slice %arg10[%dma_wait3A_562, %dma_wait3A_563] : memref<10000x64xf32, #tpu.memory_space<vmem_shared>> -> memref<10000x64xf32, #tpu.memory_space<vmem_shared>>
      tpu.wait_indirect_dma semaphore(%arg12 : memref<!tpu.dma_semaphore, #tpu.memory_space<semaphore_mem>>) src(%dma_wait3A_558 : memref<80x64xf32, #tpu.memory_space<vmem>>) dst(%dma_wait3A_564 : memref<10000x64xf32, #tpu.memory_space<vmem_shared>>)
      %dma_wait3A_565 = arith.constant 9 : i32
      %dma_wait3A_566 = arith.constant 9 : i32
      %dma_wait3A_567 = arith.constant 0 : i32
      %dma_wait3A_568 = arith.constant 0 : i32
      %dma_wait3A_569 = tpu.memref_slice %arg8[%dma_wait3A_565, %dma_wait3A_567, %dma_wait3A_568] : memref<10x80x64xf32, #tpu.memory_space<vmem>> -> memref<1x80x64xf32, #tpu.memory_space<vmem>>
      %dma_wait3A_570 = tpu.memref_squeeze %dma_wait3A_569 : memref<1x80x64xf32, #tpu.memory_space<vmem>> -> memref<80x64xf32, #tpu.memory_space<vmem>>
      %dma_wait3A_571 = arith.constant 0 : i32
      %dma_wait3A_572 = tpu.memref_slice %arg7[%rem3A_61, %dma_wait3A_566, %dma_wait3A_571] : memref<2x10x80xi32, #tpu.memory_space<vmem>> -> memref<1x1x80xi32, #tpu.memory_space<vmem>>
      %dma_wait3A_573 = tpu.memref_squeeze %dma_wait3A_572 : memref<1x1x80xi32, #tpu.memory_space<vmem>> -> memref<80xi32, #tpu.memory_space<vmem>>
      %dma_wait3A_574 = arith.constant 0 : i32
      %dma_wait3A_575 = arith.constant 0 : i32
      %dma_wait3A_576 = tpu.memref_slice %arg10[%dma_wait3A_574, %dma_wait3A_575] : memref<10000x64xf32, #tpu.memory_space<vmem_shared>> -> memref<10000x64xf32, #tpu.memory_space<vmem_shared>>
      tpu.wait_indirect_dma semaphore(%arg12 : memref<!tpu.dma_semaphore, #tpu.memory_space<semaphore_mem>>) src(%dma_wait3A_570 : memref<80x64xf32, #tpu.memory_space<vmem>>) dst(%dma_wait3A_576 : memref<10000x64xf32, #tpu.memory_space<vmem_shared>>)
    }
    %scan3A_52 = arith.constant 25 : i32
    %barrier3A_53 = arith.constant 0 : index
    tpu.barrier barrier_id(%barrier3A_53)
    %scan3A_54 = arith.constant 0 : i32
    %scan3A_55 = arith.constant 0 : i32
    %scan3A_56 = arith.constant 4 : i32
    %scan3A_57 = arith.addi %scan3A_55, %scan3A_56 : i32
    %scan3A_58 = arith.constant 1 : i32
    scf.for %scan3A_60 = %scan3A_55 to %scan3A_57 step %scan3A_58  : i32 {
      %mul3A_61 = arith.constant 16 : i32
      %mul3A_62 = arith.muli %scan3A_60, %mul3A_61 : i32
      %add3A_63 = arith.addi %arg1, %mul3A_62 : i32
      %lt3A = arith.constant 50 : i32
      %lt3A_64 = arith.cmpi slt, %add3A_63, %lt3A : i32
      %convert_element_type3A = arith.extui %lt3A_64 : i1 to i32
      %cond3A = arith.constant 0 : i32
      %cond3A_65 = arith.cmpi ne, %convert_element_type3A, %cond3A : i32
      scf.if %cond3A_65 {
        %mul3A_66 = arith.constant 200 : i32
        %mul3A_67 = arith.muli %add3A_63, %mul3A_66 : i32
        %mul3A_68 = arith.constant 10000 : i32
        %mul3A_69 = arith.muli %arg0, %mul3A_68 : i32
        %mul3A_70 = arith.constant 200 : i32
        %mul3A_71 = arith.muli %add3A_63, %mul3A_70 : i32
        %add3A_72 = arith.addi %mul3A_69, %mul3A_71 : i32
        "tpu.region"() ({
          %run_scoped3A = tpu.sem_alloc : memref<!tpu.dma_semaphore, #tpu.memory_space<semaphore_mem>>
          %dma_start3A_73 = arith.constant 0 : i32
          %dma_start3A_74 = tpu.memref_slice %arg5[%add3A_72, %dma_start3A_73] : memref<20000x64xf32, #tpu.memory_space<hbm>> -> memref<200x64xf32, #tpu.memory_space<hbm>>
          %dma_start3A_75 = arith.constant 0 : i32
          %dma_start3A_76 = tpu.memref_slice %arg10[%mul3A_67, %dma_start3A_75] : memref<10000x64xf32, #tpu.memory_space<vmem_shared>> -> memref<200x64xf32, #tpu.memory_space<vmem_shared>>
          tpu.enqueue_dma source(%dma_start3A_76 : memref<200x64xf32, #tpu.memory_space<vmem_shared>>) target(%dma_start3A_74 : memref<200x64xf32, #tpu.memory_space<hbm>>) target_semaphore(%run_scoped3A : memref<!tpu.dma_semaphore, #tpu.memory_space<semaphore_mem>>)
          %dma_wait3A = arith.constant 0 : i32
          %dma_wait3A_77 = tpu.memref_slice %arg5[%add3A_72, %dma_wait3A] : memref<20000x64xf32, #tpu.memory_space<hbm>> -> memref<200x64xf32, #tpu.memory_space<hbm>>
          %dma_wait3A_78 = arith.constant 0 : i32
          %dma_wait3A_79 = tpu.memref_slice %arg10[%mul3A_67, %dma_wait3A_78] : memref<10000x64xf32, #tpu.memory_space<vmem_shared>> -> memref<200x64xf32, #tpu.memory_space<vmem_shared>>
          tpu.wait_dma2 semaphore(%run_scoped3A : memref<!tpu.dma_semaphore, #tpu.memory_space<semaphore_mem>>) src(%dma_wait3A_79 : memref<200x64xf32, #tpu.memory_space<vmem_shared>>) dst(%dma_wait3A_77 : memref<200x64xf32, #tpu.memory_space<hbm>>)
          tpu.yield
        }) : () -> ()
      } else {
      }
    }
    %scan3A_59 = arith.constant 4 : i32
    return
  }
}

#map = affine_map<(d0, d1) -> (0, 0)>
#map1 = affine_map<(d0, d1) -> (0, 0, 0, 0)>
module attributes {stable_mosaic.version = 14 : i64} {
  func.func @k(%arg0: i32, %arg1: i32, %arg2: memref<20000x32xf32, #tpu.memory_space<hbm>>, %arg3: memref<32x25x10x80xi32, #tpu.memory_space<hbm>>, %arg4: memref<16x25x10x80xi32, #tpu.memory_space<hbm>>, %arg5: memref<20000x32xf32, #tpu.memory_space<hbm>>, %arg6: memref<2x10x80xi32, #tpu.memory_space<vmem>>, %arg7: memref<2x10x80xi32, #tpu.memory_space<vmem>>, %arg8: memref<10x80x32xf32, #tpu.memory_space<vmem>>, %arg9: memref<200x32xf32, #tpu.memory_space<vmem>>, %arg10: memref<10000x32xf32, #tpu.memory_space<vmem_shared>>, %arg11: memref<!tpu.dma_semaphore, #tpu.memory_space<semaphore_mem>>, %arg12: memref<!tpu.dma_semaphore, #tpu.memory_space<semaphore_mem>>, %arg13: memref<!tpu.dma_semaphore, #tpu.memory_space<semaphore_mem>>) attributes {dimension_semantics = [#tpu.dimension_semantics<core_parallel>, #tpu.dimension_semantics<subcore_parallel>], iteration_bounds = array<i64: 2, 16>, scalar_prefetch = 0 : i64, scratch_operands = 8 : i64, tpu.core_type = #tpu.core_type<sc_vector_subcore>, window_params = [{transform_indices = #map}, {transform_indices = #map1}, {transform_indices = #map1}, {transform_indices = #map}]} {
    %mul3A = arith.constant 16 : i32
    %mul3A_0 = arith.muli %arg0, %mul3A : i32
    %add3A = arith.addi %mul3A_0, %arg1 : i32
    %dma_start3A = arith.constant 0 : i32
    %dma_start3A_1 = arith.constant 0 : i32
    %dma_start3A_2 = arith.constant 0 : i32
    %dma_start3A_3 = arith.constant 0 : i32
    %dma_start3A_4 = tpu.memref_slice %arg6[%dma_start3A_1, %dma_start3A_2, %dma_start3A_3] : memref<2x10x80xi32, #tpu.memory_space<vmem>> -> memref<1x10x80xi32, #tpu.memory_space<vmem>>
    %dma_start3A_5 = tpu.memref_squeeze %dma_start3A_4 : memref<1x10x80xi32, #tpu.memory_space<vmem>> -> memref<10x80xi32, #tpu.memory_space<vmem>>
    %dma_start3A_6 = arith.constant 0 : i32
    %dma_start3A_7 = arith.constant 0 : i32
    %dma_start3A_8 = tpu.memref_slice %arg3[%add3A, %dma_start3A, %dma_start3A_6, %dma_start3A_7] : memref<32x25x10x80xi32, #tpu.memory_space<hbm>> -> memref<1x1x10x80xi32, #tpu.memory_space<hbm>>
    %dma_start3A_9 = tpu.memref_squeeze %dma_start3A_8 : memref<1x1x10x80xi32, #tpu.memory_space<hbm>> -> memref<10x80xi32, #tpu.memory_space<hbm>>
    %dma_start3A_10 = arith.constant 0 : i32
    %dma_start3A_11 = arith.constant 0 : i32
    %dma_start3A_12 = tpu.memref_slice %arg6[%dma_start3A_1, %dma_start3A_10, %dma_start3A_11] : memref<2x10x80xi32, #tpu.memory_space<vmem>> -> memref<1x10x80xi32, #tpu.memory_space<vmem>>
    %dma_start3A_13 = tpu.memref_squeeze %dma_start3A_12 : memref<1x10x80xi32, #tpu.memory_space<vmem>> -> memref<10x80xi32, #tpu.memory_space<vmem>>
    %dma_start3A_14 = arith.constant 0 : i32
    %dma_start3A_15 = arith.constant 0 : i32
    %dma_start3A_16 = tpu.memref_slice %arg3[%add3A, %dma_start3A, %dma_start3A_14, %dma_start3A_15] : memref<32x25x10x80xi32, #tpu.memory_space<hbm>> -> memref<1x1x10x80xi32, #tpu.memory_space<hbm>>
    %dma_start3A_17 = tpu.memref_squeeze %dma_start3A_16 : memref<1x1x10x80xi32, #tpu.memory_space<hbm>> -> memref<10x80xi32, #tpu.memory_space<hbm>>
    tpu.enqueue_dma source(%dma_start3A_17 : memref<10x80xi32, #tpu.memory_space<hbm>>) target(%dma_start3A_13 : memref<10x80xi32, #tpu.memory_space<vmem>>) target_semaphore(%arg13 : memref<!tpu.dma_semaphore, #tpu.memory_space<semaphore_mem>>)
    %dma_start3A_18 = arith.constant 0 : i32
    %dma_start3A_19 = arith.constant 0 : i32
    %dma_start3A_20 = arith.constant 0 : i32
    %dma_start3A_21 = arith.constant 0 : i32
    %dma_start3A_22 = tpu.memref_slice %arg7[%dma_start3A_19, %dma_start3A_20, %dma_start3A_21] : memref<2x10x80xi32, #tpu.memory_space<vmem>> -> memref<1x10x80xi32, #tpu.memory_space<vmem>>
    %dma_start3A_23 = tpu.memref_squeeze %dma_start3A_22 : memref<1x10x80xi32, #tpu.memory_space<vmem>> -> memref<10x80xi32, #tpu.memory_space<vmem>>
    %dma_start3A_24 = arith.constant 0 : i32
    %dma_start3A_25 = arith.constant 0 : i32
    %dma_start3A_26 = tpu.memref_slice %arg4[%arg1, %dma_start3A_18, %dma_start3A_24, %dma_start3A_25] : memref<16x25x10x80xi32, #tpu.memory_space<hbm>> -> memref<1x1x10x80xi32, #tpu.memory_space<hbm>>
    %dma_start3A_27 = tpu.memref_squeeze %dma_start3A_26 : memref<1x1x10x80xi32, #tpu.memory_space<hbm>> -> memref<10x80xi32, #tpu.memory_space<hbm>>
    %dma_start3A_28 = arith.constant 0 : i32
    %dma_start3A_29 = arith.constant 0 : i32
    %dma_start3A_30 = tpu.memref_slice %arg7[%dma_start3A_19, %dma_start3A_28, %dma_start3A_29] : memref<2x10x80xi32, #tpu.memory_space<vmem>> -> memref<1x10x80xi32, #tpu.memory_space<vmem>>
    %dma_start3A_31 = tpu.memref_squeeze %dma_start3A_30 : memref<1x10x80xi32, #tpu.memory_space<vmem>> -> memref<10x80xi32, #tpu.memory_space<vmem>>
    %dma_start3A_32 = arith.constant 0 : i32
    %dma_start3A_33 = arith.constant 0 : i32
    %dma_start3A_34 = tpu.memref_slice %arg4[%arg1, %dma_start3A_18, %dma_start3A_32, %dma_start3A_33] : memref<16x25x10x80xi32, #tpu.memory_space<hbm>> -> memref<1x1x10x80xi32, #tpu.memory_space<hbm>>
    %dma_start3A_35 = tpu.memref_squeeze %dma_start3A_34 : memref<1x1x10x80xi32, #tpu.memory_space<hbm>> -> memref<10x80xi32, #tpu.memory_space<hbm>>
    tpu.enqueue_dma source(%dma_start3A_35 : memref<10x80xi32, #tpu.memory_space<hbm>>) target(%dma_start3A_31 : memref<10x80xi32, #tpu.memory_space<vmem>>) target_semaphore(%arg13 : memref<!tpu.dma_semaphore, #tpu.memory_space<semaphore_mem>>)
    %scan3A = arith.constant 0 : i32
    %scan3A_36 = arith.constant 0 : i32
    %scan3A_37 = arith.constant 200 : i32
    %scan3A_38 = arith.addi %scan3A_36, %scan3A_37 : i32
    %scan3A_39 = arith.constant 1 : i32
    scf.for %scan3A_60 = %scan3A_36 to %scan3A_38 step %scan3A_39  : i32 {
      %scan3A_61 = arith.constant 0 : i32
      %scan3A_62 = arith.constant 2 : i32
      %scan3A_63 = arith.addi %scan3A_61, %scan3A_62 : i32
      %scan3A_64 = arith.constant 1 : i32
      scf.for %scan3A_66 = %scan3A_61 to %scan3A_63 step %scan3A_64  : i32 {
        %broadcast_in_dim3A = arith.constant 0.000000e+00 : f32
        %broadcast_in_dim3A_67 = vector.broadcast %broadcast_in_dim3A : f32 to vector<16xf32>
        %mul3A_68 = arith.constant 16 : i32
        %mul3A_69 = arith.muli %scan3A_66, %mul3A_68 : i32
        %swap3A = arith.index_cast %scan3A_60 : i32 to index
        %swap3A_70 = arith.index_cast %mul3A_69 : i32 to index
        %swap3A_71 = tpu.vector_load %arg9[%swap3A, %swap3A_70] {strides = array<i32>} : memref<200x32xf32, #tpu.memory_space<vmem>>, vector<1x16xf32>,
        %swap3A_72 = vector.shape_cast %swap3A_71 : vector<1x16xf32> to vector<16xf32>
        %swap3A_73 = vector.shape_cast %broadcast_in_dim3A_67 : vector<16xf32> to vector<1x16xf32>
        tpu.vector_store %arg9[%swap3A, %swap3A_70], %swap3A_73 {strides = array<i32>} : memref<200x32xf32, #tpu.memory_space<vmem>>, vector<1x16xf32>,
      }
      %scan3A_65 = arith.constant 2 : i32
    }
    %scan3A_40 = arith.constant 200 : i32
    %scan3A_41 = arith.constant 0 : i32
    %scan3A_42 = arith.constant 0 : i32
    %scan3A_43 = arith.constant 4 : i32
    %scan3A_44 = arith.addi %scan3A_42, %scan3A_43 : i32
    %scan3A_45 = arith.constant 1 : i32
    scf.for %scan3A_60 = %scan3A_42 to %scan3A_44 step %scan3A_45  : i32 {
      %mul3A_61 = arith.constant 16 : i32
      %mul3A_62 = arith.muli %scan3A_60, %mul3A_61 : i32
      %add3A_63 = arith.addi %arg1, %mul3A_62 : i32
      %lt3A = arith.constant 50 : i32
      %lt3A_64 = arith.cmpi slt, %add3A_63, %lt3A : i32
      %convert_element_type3A = arith.extui %lt3A_64 : i1 to i32
      %cond3A = arith.constant 0 : i32
      %cond3A_65 = arith.cmpi ne, %convert_element_type3A, %cond3A : i32
      scf.if %cond3A_65 {
        %mul3A_66 = arith.constant 200 : i32
        %mul3A_67 = arith.muli %add3A_63, %mul3A_66 : i32
        "tpu.region"() ({
          %run_scoped3A = tpu.sem_alloc : memref<!tpu.dma_semaphore, #tpu.memory_space<semaphore_mem>>
          %dma_start3A_68 = arith.constant 0 : i32
          %dma_start3A_69 = tpu.memref_slice %arg10[%mul3A_67, %dma_start3A_68] : memref<10000x32xf32, #tpu.memory_space<vmem_shared>> -> memref<200x32xf32, #tpu.memory_space<vmem_shared>>
          %dma_start3A_70 = arith.constant 0 : i32
          %dma_start3A_71 = tpu.memref_slice %arg10[%mul3A_67, %dma_start3A_70] : memref<10000x32xf32, #tpu.memory_space<vmem_shared>> -> memref<200x32xf32, #tpu.memory_space<vmem_shared>>
          tpu.enqueue_dma source(%arg9 : memref<200x32xf32, #tpu.memory_space<vmem>>) target(%dma_start3A_71 : memref<200x32xf32, #tpu.memory_space<vmem_shared>>) target_semaphore(%run_scoped3A : memref<!tpu.dma_semaphore, #tpu.memory_space<semaphore_mem>>)
          %dma_wait3A = arith.constant 0 : i32
          %dma_wait3A_72 = tpu.memref_slice %arg10[%mul3A_67, %dma_wait3A] : memref<10000x32xf32, #tpu.memory_space<vmem_shared>> -> memref<200x32xf32, #tpu.memory_space<vmem_shared>>
          %dma_wait3A_73 = arith.constant 0 : i32
          %dma_wait3A_74 = tpu.memref_slice %arg10[%mul3A_67, %dma_wait3A_73] : memref<10000x32xf32, #tpu.memory_space<vmem_shared>> -> memref<200x32xf32, #tpu.memory_space<vmem_shared>>
          tpu.wait_dma2 semaphore(%run_scoped3A : memref<!tpu.dma_semaphore, #tpu.memory_space<semaphore_mem>>) src(%arg9 : memref<200x32xf32, #tpu.memory_space<vmem>>) dst(%dma_wait3A_74 : memref<200x32xf32, #tpu.memory_space<vmem_shared>>)
          tpu.yield
        }) : () -> ()
      } else {
      }
    }
    %scan3A_46 = arith.constant 4 : i32
    %barrier3A = arith.constant 0 : index
    tpu.barrier barrier_id(%barrier3A)
    %scan3A_47 = arith.constant 0 : i32
    %scan3A_48 = arith.constant 0 : i32
    %scan3A_49 = arith.constant 25 : i32
    %scan3A_50 = arith.addi %scan3A_48, %scan3A_49 : i32
    %scan3A_51 = arith.constant 1 : i32
    scf.for %scan3A_60 = %scan3A_48 to %scan3A_50 step %scan3A_51  : i32 {
      %rem3A = arith.constant 2 : i32
      %rem3A_61 = arith.remsi %scan3A_60, %rem3A : i32
      %dma_wait3A = arith.constant 0 : i32
      %dma_wait3A_62 = arith.constant 0 : i32
      %dma_wait3A_63 = tpu.memref_slice %arg6[%rem3A_61, %dma_wait3A, %dma_wait3A_62] : memref<2x10x80xi32, #tpu.memory_space<vmem>> -> memref<1x10x80xi32, #tpu.memory_space<vmem>>
      %dma_wait3A_64 = tpu.memref_squeeze %dma_wait3A_63 : memref<1x10x80xi32, #tpu.memory_space<vmem>> -> memref<10x80xi32, #tpu.memory_space<vmem>>
      %dma_wait3A_65 = arith.constant 0 : i32
      %dma_wait3A_66 = arith.constant 0 : i32
      %dma_wait3A_67 = tpu.memref_slice %arg3[%add3A, %scan3A_60, %dma_wait3A_65, %dma_wait3A_66] : memref<32x25x10x80xi32, #tpu.memory_space<hbm>> -> memref<1x1x10x80xi32, #tpu.memory_space<hbm>>
      %dma_wait3A_68 = tpu.memref_squeeze %dma_wait3A_67 : memref<1x1x10x80xi32, #tpu.memory_space<hbm>> -> memref<10x80xi32, #tpu.memory_space<hbm>>
      %dma_wait3A_69 = arith.constant 0 : i32
      %dma_wait3A_70 = arith.constant 0 : i32
      %dma_wait3A_71 = tpu.memref_slice %arg6[%rem3A_61, %dma_wait3A_69, %dma_wait3A_70] : memref<2x10x80xi32, #tpu.memory_space<vmem>> -> memref<1x10x80xi32, #tpu.memory_space<vmem>>
      %dma_wait3A_72 = tpu.memref_squeeze %dma_wait3A_71 : memref<1x10x80xi32, #tpu.memory_space<vmem>> -> memref<10x80xi32, #tpu.memory_space<vmem>>
      %dma_wait3A_73 = arith.constant 0 : i32
      %dma_wait3A_74 = arith.constant 0 : i32
      %dma_wait3A_75 = tpu.memref_slice %arg3[%add3A, %scan3A_60, %dma_wait3A_73, %dma_wait3A_74] : memref<32x25x10x80xi32, #tpu.memory_space<hbm>> -> memref<1x1x10x80xi32, #tpu.memory_space<hbm>>
      %dma_wait3A_76 = tpu.memref_squeeze %dma_wait3A_75 : memref<1x1x10x80xi32, #tpu.memory_space<hbm>> -> memref<10x80xi32, #tpu.memory_space<hbm>>
      tpu.wait_dma2 semaphore(%arg13 : memref<!tpu.dma_semaphore, #tpu.memory_space<semaphore_mem>>) src(%dma_wait3A_76 : memref<10x80xi32, #tpu.memory_space<hbm>>) dst(%dma_wait3A_72 : memref<10x80xi32, #tpu.memory_space<vmem>>)
      %dma_wait3A_77 = arith.constant 0 : i32
      %dma_wait3A_78 = arith.constant 0 : i32
      %dma_wait3A_79 = tpu.memref_slice %arg7[%rem3A_61, %dma_wait3A_77, %dma_wait3A_78] : memref<2x10x80xi32, #tpu.memory_space<vmem>> -> memref<1x10x80xi32, #tpu.memory_space<vmem>>
      %dma_wait3A_80 = tpu.memref_squeeze %dma_wait3A_79 : memref<1x10x80xi32, #tpu.memory_space<vmem>> -> memref<10x80xi32, #tpu.memory_space<vmem>>
      %dma_wait3A_81 = arith.constant 0 : i32
      %dma_wait3A_82 = arith.constant 0 : i32
      %dma_wait3A_83 = tpu.memref_slice %arg4[%arg1, %scan3A_60, %dma_wait3A_81, %dma_wait3A_82] : memref<16x25x10x80xi32, #tpu.memory_space<hbm>> -> memref<1x1x10x80xi32, #tpu.memory_space<hbm>>
      %dma_wait3A_84 = tpu.memref_squeeze %dma_wait3A_83 : memref<1x1x10x80xi32, #tpu.memory_space<hbm>> -> memref<10x80xi32, #tpu.memory_space<hbm>>
      %dma_wait3A_85 = arith.constant 0 : i32
      %dma_wait3A_86 = arith.constant 0 : i32
      %dma_wait3A_87 = tpu.memref_slice %arg7[%rem3A_61, %dma_wait3A_85, %dma_wait3A_86] : memref<2x10x80xi32, #tpu.memory_space<vmem>> -> memref<1x10x80xi32, #tpu.memory_space<vmem>>
      %dma_wait3A_88 = tpu.memref_squeeze %dma_wait3A_87 : memref<1x10x80xi32, #tpu.memory_space<vmem>> -> memref<10x80xi32, #tpu.memory_space<vmem>>
      %dma_wait3A_89 = arith.constant 0 : i32
      %dma_wait3A_90 = arith.constant 0 : i32
      %dma_wait3A_91 = tpu.memref_slice %arg4[%arg1, %scan3A_60, %dma_wait3A_89, %dma_wait3A_90] : memref<16x25x10x80xi32, #tpu.memory_space<hbm>> -> memref<1x1x10x80xi32, #tpu.memory_space<hbm>>
      %dma_wait3A_92 = tpu.memref_squeeze %dma_wait3A_91 : memref<1x1x10x80xi32, #tpu.memory_space<hbm>> -> memref<10x80xi32, #tpu.memory_space<hbm>>
      tpu.wait_dma2 semaphore(%arg13 : memref<!tpu.dma_semaphore, #tpu.memory_space<semaphore_mem>>) src(%dma_wait3A_92 : memref<10x80xi32, #tpu.memory_space<hbm>>) dst(%dma_wait3A_88 : memref<10x80xi32, #tpu.memory_space<vmem>>)
      %dma_start3A_93 = arith.constant 0 : i32
      %dma_start3A_94 = arith.constant 0 : i32
      %dma_start3A_95 = arith.constant 0 : i32
      %dma_start3A_96 = arith.constant 0 : i32
      %dma_start3A_97 = tpu.memref_slice %arg8[%dma_start3A_94, %dma_start3A_95, %dma_start3A_96] : memref<10x80x32xf32, #tpu.memory_space<vmem>> -> memref<1x80x32xf32, #tpu.memory_space<vmem>>
      %dma_start3A_98 = tpu.memref_squeeze %dma_start3A_97 : memref<1x80x32xf32, #tpu.memory_space<vmem>> -> memref<80x32xf32, #tpu.memory_space<vmem>>
      %dma_start3A_99 = arith.constant 0 : i32
      %dma_start3A_100 = tpu.memref_slice %arg6[%rem3A_61, %dma_start3A_93, %dma_start3A_99] : memref<2x10x80xi32, #tpu.memory_space<vmem>> -> memref<1x1x80xi32, #tpu.memory_space<vmem>>
      %dma_start3A_101 = tpu.memref_squeeze %dma_start3A_100 : memref<1x1x80xi32, #tpu.memory_space<vmem>> -> memref<80xi32, #tpu.memory_space<vmem>>
      %dma_start3A_102 = arith.constant 0 : i32
      %dma_start3A_103 = arith.constant 0 : i32
      %dma_start3A_104 = tpu.memref_slice %arg2[%dma_start3A_102, %dma_start3A_103] : memref<20000x32xf32, #tpu.memory_space<hbm>> -> memref<20000x32xf32, #tpu.memory_space<hbm>>
      tpu.enqueue_indirect_dma source(%dma_start3A_104 : memref<20000x32xf32, #tpu.memory_space<hbm>>) target(%dma_start3A_98 : memref<80x32xf32, #tpu.memory_space<vmem>>) offsets(%dma_start3A_101 : memref<80xi32, #tpu.memory_space<vmem>>) semaphore(%arg11 : memref<!tpu.dma_semaphore, #tpu.memory_space<semaphore_mem>>)
      %dma_start3A_105 = arith.constant 1 : i32
      %dma_start3A_106 = arith.constant 1 : i32
      %dma_start3A_107 = arith.constant 0 : i32
      %dma_start3A_108 = arith.constant 0 : i32
      %dma_start3A_109 = tpu.memref_slice %arg8[%dma_start3A_106, %dma_start3A_107, %dma_start3A_108] : memref<10x80x32xf32, #tpu.memory_space<vmem>> -> memref<1x80x32xf32, #tpu.memory_space<vmem>>
      %dma_start3A_110 = tpu.memref_squeeze %dma_start3A_109 : memref<1x80x32xf32, #tpu.memory_space<vmem>> -> memref<80x32xf32, #tpu.memory_space<vmem>>
      %dma_start3A_111 = arith.constant 0 : i32
      %dma_start3A_112 = tpu.memref_slice %arg6[%rem3A_61, %dma_start3A_105, %dma_start3A_111] : memref<2x10x80xi32, #tpu.memory_space<vmem>> -> memref<1x1x80xi32, #tpu.memory_space<vmem>>
      %dma_start3A_113 = tpu.memref_squeeze %dma_start3A_112 : memref<1x1x80xi32, #tpu.memory_space<vmem>> -> memref<80xi32, #tpu.memory_space<vmem>>
      %dma_start3A_114 = arith.constant 0 : i32
      %dma_start3A_115 = arith.constant 0 : i32
      %dma_start3A_116 = tpu.memref_slice %arg2[%dma_start3A_114, %dma_start3A_115] : memref<20000x32xf32, #tpu.memory_space<hbm>> -> memref<20000x32xf32, #tpu.memory_space<hbm>>
      tpu.enqueue_indirect_dma source(%dma_start3A_116 : memref<20000x32xf32, #tpu.memory_space<hbm>>) target(%dma_start3A_110 : memref<80x32xf32, #tpu.memory_space<vmem>>) offsets(%dma_start3A_113 : memref<80xi32, #tpu.memory_space<vmem>>) semaphore(%arg11 : memref<!tpu.dma_semaphore, #tpu.memory_space<semaphore_mem>>)
      %dma_start3A_117 = arith.constant 2 : i32
      %dma_start3A_118 = arith.constant 2 : i32
      %dma_start3A_119 = arith.constant 0 : i32
      %dma_start3A_120 = arith.constant 0 : i32
      %dma_start3A_121 = tpu.memref_slice %arg8[%dma_start3A_118, %dma_start3A_119, %dma_start3A_120] : memref<10x80x32xf32, #tpu.memory_space<vmem>> -> memref<1x80x32xf32, #tpu.memory_space<vmem>>
      %dma_start3A_122 = tpu.memref_squeeze %dma_start3A_121 : memref<1x80x32xf32, #tpu.memory_space<vmem>> -> memref<80x32xf32, #tpu.memory_space<vmem>>
      %dma_start3A_123 = arith.constant 0 : i32
      %dma_start3A_124 = tpu.memref_slice %arg6[%rem3A_61, %dma_start3A_117, %dma_start3A_123] : memref<2x10x80xi32, #tpu.memory_space<vmem>> -> memref<1x1x80xi32, #tpu.memory_space<vmem>>
      %dma_start3A_125 = tpu.memref_squeeze %dma_start3A_124 : memref<1x1x80xi32, #tpu.memory_space<vmem>> -> memref<80xi32, #tpu.memory_space<vmem>>
      %dma_start3A_126 = arith.constant 0 : i32
      %dma_start3A_127 = arith.constant 0 : i32
      %dma_start3A_128 = tpu.memref_slice %arg2[%dma_start3A_126, %dma_start3A_127] : memref<20000x32xf32, #tpu.memory_space<hbm>> -> memref<20000x32xf32, #tpu.memory_space<hbm>>
      tpu.enqueue_indirect_dma source(%dma_start3A_128 : memref<20000x32xf32, #tpu.memory_space<hbm>>) target(%dma_start3A_122 : memref<80x32xf32, #tpu.memory_space<vmem>>) offsets(%dma_start3A_125 : memref<80xi32, #tpu.memory_space<vmem>>) semaphore(%arg11 : memref<!tpu.dma_semaphore, #tpu.memory_space<semaphore_mem>>)
      %dma_start3A_129 = arith.constant 3 : i32
      %dma_start3A_130 = arith.constant 3 : i32
      %dma_start3A_131 = arith.constant 0 : i32
      %dma_start3A_132 = arith.constant 0 : i32
      %dma_start3A_133 = tpu.memref_slice %arg8[%dma_start3A_130, %dma_start3A_131, %dma_start3A_132] : memref<10x80x32xf32, #tpu.memory_space<vmem>> -> memref<1x80x32xf32, #tpu.memory_space<vmem>>
      %dma_start3A_134 = tpu.memref_squeeze %dma_start3A_133 : memref<1x80x32xf32, #tpu.memory_space<vmem>> -> memref<80x32xf32, #tpu.memory_space<vmem>>
      %dma_start3A_135 = arith.constant 0 : i32
      %dma_start3A_136 = tpu.memref_slice %arg6[%rem3A_61, %dma_start3A_129, %dma_start3A_135] : memref<2x10x80xi32, #tpu.memory_space<vmem>> -> memref<1x1x80xi32, #tpu.memory_space<vmem>>
      %dma_start3A_137 = tpu.memref_squeeze %dma_start3A_136 : memref<1x1x80xi32, #tpu.memory_space<vmem>> -> memref<80xi32, #tpu.memory_space<vmem>>
      %dma_start3A_138 = arith.constant 0 : i32
      %dma_start3A_139 = arith.constant 0 : i32
      %dma_start3A_140 = tpu.memref_slice %arg2[%dma_start3A_138, %dma_start3A_139] : memref<20000x32xf32, #tpu.memory_space<hbm>> -> memref<20000x32xf32, #tpu.memory_space<hbm>>
      tpu.enqueue_indirect_dma source(%dma_start3A_140 : memref<20000x32xf32, #tpu.memory_space<hbm>>) target(%dma_start3A_134 : memref<80x32xf32, #tpu.memory_space<vmem>>) offsets(%dma_start3A_137 : memref<80xi32, #tpu.memory_space<vmem>>) semaphore(%arg11 : memref<!tpu.dma_semaphore, #tpu.memory_space<semaphore_mem>>)
      %dma_start3A_141 = arith.constant 4 : i32
      %dma_start3A_142 = arith.constant 4 : i32
      %dma_start3A_143 = arith.constant 0 : i32
      %dma_start3A_144 = arith.constant 0 : i32
      %dma_start3A_145 = tpu.memref_slice %arg8[%dma_start3A_142, %dma_start3A_143, %dma_start3A_144] : memref<10x80x32xf32, #tpu.memory_space<vmem>> -> memref<1x80x32xf32, #tpu.memory_space<vmem>>
      %dma_start3A_146 = tpu.memref_squeeze %dma_start3A_145 : memref<1x80x32xf32, #tpu.memory_space<vmem>> -> memref<80x32xf32, #tpu.memory_space<vmem>>
      %dma_start3A_147 = arith.constant 0 : i32
      %dma_start3A_148 = tpu.memref_slice %arg6[%rem3A_61, %dma_start3A_141, %dma_start3A_147] : memref<2x10x80xi32, #tpu.memory_space<vmem>> -> memref<1x1x80xi32, #tpu.memory_space<vmem>>
      %dma_start3A_149 = tpu.memref_squeeze %dma_start3A_148 : memref<1x1x80xi32, #tpu.memory_space<vmem>> -> memref<80xi32, #tpu.memory_space<vmem>>
      %dma_start3A_150 = arith.constant 0 : i32
      %dma_start3A_151 = arith.constant 0 : i32
      %dma_start3A_152 = tpu.memref_slice %arg2[%dma_start3A_150, %dma_start3A_151] : memref<20000x32xf32, #tpu.memory_space<hbm>> -> memref<20000x32xf32, #tpu.memory_space<hbm>>
      tpu.enqueue_indirect_dma source(%dma_start3A_152 : memref<20000x32xf32, #tpu.memory_space<hbm>>) target(%dma_start3A_146 : memref<80x32xf32, #tpu.memory_space<vmem>>) offsets(%dma_start3A_149 : memref<80xi32, #tpu.memory_space<vmem>>) semaphore(%arg11 : memref<!tpu.dma_semaphore, #tpu.memory_space<semaphore_mem>>)
      %dma_start3A_153 = arith.constant 5 : i32
      %dma_start3A_154 = arith.constant 5 : i32
      %dma_start3A_155 = arith.constant 0 : i32
      %dma_start3A_156 = arith.constant 0 : i32
      %dma_start3A_157 = tpu.memref_slice %arg8[%dma_start3A_154, %dma_start3A_155, %dma_start3A_156] : memref<10x80x32xf32, #tpu.memory_space<vmem>> -> memref<1x80x32xf32, #tpu.memory_space<vmem>>
      %dma_start3A_158 = tpu.memref_squeeze %dma_start3A_157 : memref<1x80x32xf32, #tpu.memory_space<vmem>> -> memref<80x32xf32, #tpu.memory_space<vmem>>
      %dma_start3A_159 = arith.constant 0 : i32
      %dma_start3A_160 = tpu.memref_slice %arg6[%rem3A_61, %dma_start3A_153, %dma_start3A_159] : memref<2x10x80xi32, #tpu.memory_space<vmem>> -> memref<1x1x80xi32, #tpu.memory_space<vmem>>
      %dma_start3A_161 = tpu.memref_squeeze %dma_start3A_160 : memref<1x1x80xi32, #tpu.memory_space<vmem>> -> memref<80xi32, #tpu.memory_space<vmem>>
      %dma_start3A_162 = arith.constant 0 : i32
      %dma_start3A_163 = arith.constant 0 : i32
      %dma_start3A_164 = tpu.memref_slice %arg2[%dma_start3A_162, %dma_start3A_163] : memref<20000x32xf32, #tpu.memory_space<hbm>> -> memref<20000x32xf32, #tpu.memory_space<hbm>>
      tpu.enqueue_indirect_dma source(%dma_start3A_164 : memref<20000x32xf32, #tpu.memory_space<hbm>>) target(%dma_start3A_158 : memref<80x32xf32, #tpu.memory_space<vmem>>) offsets(%dma_start3A_161 : memref<80xi32, #tpu.memory_space<vmem>>) semaphore(%arg11 : memref<!tpu.dma_semaphore, #tpu.memory_space<semaphore_mem>>)
      %dma_start3A_165 = arith.constant 6 : i32
      %dma_start3A_166 = arith.constant 6 : i32
      %dma_start3A_167 = arith.constant 0 : i32
      %dma_start3A_168 = arith.constant 0 : i32
      %dma_start3A_169 = tpu.memref_slice %arg8[%dma_start3A_166, %dma_start3A_167, %dma_start3A_168] : memref<10x80x32xf32, #tpu.memory_space<vmem>> -> memref<1x80x32xf32, #tpu.memory_space<vmem>>
      %dma_start3A_170 = tpu.memref_squeeze %dma_start3A_169 : memref<1x80x32xf32, #tpu.memory_space<vmem>> -> memref<80x32xf32, #tpu.memory_space<vmem>>
      %dma_start3A_171 = arith.constant 0 : i32
      %dma_start3A_172 = tpu.memref_slice %arg6[%rem3A_61, %dma_start3A_165, %dma_start3A_171] : memref<2x10x80xi32, #tpu.memory_space<vmem>> -> memref<1x1x80xi32, #tpu.memory_space<vmem>>
      %dma_start3A_173 = tpu.memref_squeeze %dma_start3A_172 : memref<1x1x80xi32, #tpu.memory_space<vmem>> -> memref<80xi32, #tpu.memory_space<vmem>>
      %dma_start3A_174 = arith.constant 0 : i32
      %dma_start3A_175 = arith.constant 0 : i32
      %dma_start3A_176 = tpu.memref_slice %arg2[%dma_start3A_174, %dma_start3A_175] : memref<20000x32xf32, #tpu.memory_space<hbm>> -> memref<20000x32xf32, #tpu.memory_space<hbm>>
      tpu.enqueue_indirect_dma source(%dma_start3A_176 : memref<20000x32xf32, #tpu.memory_space<hbm>>) target(%dma_start3A_170 : memref<80x32xf32, #tpu.memory_space<vmem>>) offsets(%dma_start3A_173 : memref<80xi32, #tpu.memory_space<vmem>>) semaphore(%arg11 : memref<!tpu.dma_semaphore, #tpu.memory_space<semaphore_mem>>)
      %dma_start3A_177 = arith.constant 7 : i32
      %dma_start3A_178 = arith.constant 7 : i32
      %dma_start3A_179 = arith.constant 0 : i32
      %dma_start3A_180 = arith.constant 0 : i32
      %dma_start3A_181 = tpu.memref_slice %arg8[%dma_start3A_178, %dma_start3A_179, %dma_start3A_180] : memref<10x80x32xf32, #tpu.memory_space<vmem>> -> memref<1x80x32xf32, #tpu.memory_space<vmem>>
      %dma_start3A_182 = tpu.memref_squeeze %dma_start3A_181 : memref<1x80x32xf32, #tpu.memory_space<vmem>> -> memref<80x32xf32, #tpu.memory_space<vmem>>
      %dma_start3A_183 = arith.constant 0 : i32
      %dma_start3A_184 = tpu.memref_slice %arg6[%rem3A_61, %dma_start3A_177, %dma_start3A_183] : memref<2x10x80xi32, #tpu.memory_space<vmem>> -> memref<1x1x80xi32, #tpu.memory_space<vmem>>
      %dma_start3A_185 = tpu.memref_squeeze %dma_start3A_184 : memref<1x1x80xi32, #tpu.memory_space<vmem>> -> memref<80xi32, #tpu.memory_space<vmem>>
      %dma_start3A_186 = arith.constant 0 : i32
      %dma_start3A_187 = arith.constant 0 : i32
      %dma_start3A_188 = tpu.memref_slice %arg2[%dma_start3A_186, %dma_start3A_187] : memref<20000x32xf32, #tpu.memory_space<hbm>> -> memref<20000x32xf32, #tpu.memory_space<hbm>>
      tpu.enqueue_indirect_dma source(%dma_start3A_188 : memref<20000x32xf32, #tpu.memory_space<hbm>>) target(%dma_start3A_182 : memref<80x32xf32, #tpu.memory_space<vmem>>) offsets(%dma_start3A_185 : memref<80xi32, #tpu.memory_space<vmem>>) semaphore(%arg11 : memref<!tpu.dma_semaphore, #tpu.memory_space<semaphore_mem>>)
      %dma_start3A_189 = arith.constant 8 : i32
      %dma_start3A_190 = arith.constant 8 : i32
      %dma_start3A_191 = arith.constant 0 : i32
      %dma_start3A_192 = arith.constant 0 : i32
      %dma_start3A_193 = tpu.memref_slice %arg8[%dma_start3A_190, %dma_start3A_191, %dma_start3A_192] : memref<10x80x32xf32, #tpu.memory_space<vmem>> -> memref<1x80x32xf32, #tpu.memory_space<vmem>>
      %dma_start3A_194 = tpu.memref_squeeze %dma_start3A_193 : memref<1x80x32xf32, #tpu.memory_space<vmem>> -> memref<80x32xf32, #tpu.memory_space<vmem>>
      %dma_start3A_195 = arith.constant 0 : i32
      %dma_start3A_196 = tpu.memref_slice %arg6[%rem3A_61, %dma_start3A_189, %dma_start3A_195] : memref<2x10x80xi32, #tpu.memory_space<vmem>> -> memref<1x1x80xi32, #tpu.memory_space<vmem>>
      %dma_start3A_197 = tpu.memref_squeeze %dma_start3A_196 : memref<1x1x80xi32, #tpu.memory_space<vmem>> -> memref<80xi32, #tpu.memory_space<vmem>>
      %dma_start3A_198 = arith.constant 0 : i32
      %dma_start3A_199 = arith.constant 0 : i32
      %dma_start3A_200 = tpu.memref_slice %arg2[%dma_start3A_198, %dma_start3A_199] : memref<20000x32xf32, #tpu.memory_space<hbm>> -> memref<20000x32xf32, #tpu.memory_space<hbm>>
      tpu.enqueue_indirect_dma source(%dma_start3A_200 : memref<20000x32xf32, #tpu.memory_space<hbm>>) target(%dma_start3A_194 : memref<80x32xf32, #tpu.memory_space<vmem>>) offsets(%dma_start3A_197 : memref<80xi32, #tpu.memory_space<vmem>>) semaphore(%arg11 : memref<!tpu.dma_semaphore, #tpu.memory_space<semaphore_mem>>)
      %dma_start3A_201 = arith.constant 9 : i32
      %dma_start3A_202 = arith.constant 9 : i32
      %dma_start3A_203 = arith.constant 0 : i32
      %dma_start3A_204 = arith.constant 0 : i32
      %dma_start3A_205 = tpu.memref_slice %arg8[%dma_start3A_202, %dma_start3A_203, %dma_start3A_204] : memref<10x80x32xf32, #tpu.memory_space<vmem>> -> memref<1x80x32xf32, #tpu.memory_space<vmem>>
      %dma_start3A_206 = tpu.memref_squeeze %dma_start3A_205 : memref<1x80x32xf32, #tpu.memory_space<vmem>> -> memref<80x32xf32, #tpu.memory_space<vmem>>
      %dma_start3A_207 = arith.constant 0 : i32
      %dma_start3A_208 = tpu.memref_slice %arg6[%rem3A_61, %dma_start3A_201, %dma_start3A_207] : memref<2x10x80xi32, #tpu.memory_space<vmem>> -> memref<1x1x80xi32, #tpu.memory_space<vmem>>
      %dma_start3A_209 = tpu.memref_squeeze %dma_start3A_208 : memref<1x1x80xi32, #tpu.memory_space<vmem>> -> memref<80xi32, #tpu.memory_space<vmem>>
      %dma_start3A_210 = arith.constant 0 : i32
      %dma_start3A_211 = arith.constant 0 : i32
      %dma_start3A_212 = tpu.memref_slice %arg2[%dma_start3A_210, %dma_start3A_211] : memref<20000x32xf32, #tpu.memory_space<hbm>> -> memref<20000x32xf32, #tpu.memory_space<hbm>>
      tpu.enqueue_indirect_dma source(%dma_start3A_212 : memref<20000x32xf32, #tpu.memory_space<hbm>>) target(%dma_start3A_206 : memref<80x32xf32, #tpu.memory_space<vmem>>) offsets(%dma_start3A_209 : memref<80xi32, #tpu.memory_space<vmem>>) semaphore(%arg11 : memref<!tpu.dma_semaphore, #tpu.memory_space<semaphore_mem>>)
      %add3A_213 = arith.constant 1 : i32
      %add3A_214 = arith.addi %scan3A_60, %add3A_213 : i32
      %lt3A = arith.constant 25 : i32
      %lt3A_215 = arith.cmpi slt, %add3A_214, %lt3A : i32
      %convert_element_type3A = arith.extui %lt3A_215 : i1 to i32
      %cond3A = arith.constant 0 : i32
      %cond3A_216 = arith.cmpi ne, %convert_element_type3A, %cond3A : i32
      scf.if %cond3A_216 {
        %add3A_577 = arith.constant 1 : i32
        %add3A_578 = arith.addi %scan3A_60, %add3A_577 : i32
        %sub3A = arith.constant 1 : i32
        %sub3A_579 = arith.subi %sub3A, %rem3A_61 : i32
        %dma_start3A_580 = arith.constant 0 : i32
        %dma_start3A_581 = arith.constant 0 : i32
        %dma_start3A_582 = tpu.memref_slice %arg6[%sub3A_579, %dma_start3A_580, %dma_start3A_581] : memref<2x10x80xi32, #tpu.memory_space<vmem>> -> memref<1x10x80xi32, #tpu.memory_space<vmem>>
        %dma_start3A_583 = tpu.memref_squeeze %dma_start3A_582 : memref<1x10x80xi32, #tpu.memory_space<vmem>> -> memref<10x80xi32, #tpu.memory_space<vmem>>
        %dma_start3A_584 = arith.constant 0 : i32
        %dma_start3A_585 = arith.constant 0 : i32
        %dma_start3A_586 = tpu.memref_slice %arg3[%add3A, %add3A_578, %dma_start3A_584, %dma_start3A_585] : memref<32x25x10x80xi32, #tpu.memory_space<hbm>> -> memref<1x1x10x80xi32, #tpu.memory_space<hbm>>
        %dma_start3A_587 = tpu.memref_squeeze %dma_start3A_586 : memref<1x1x10x80xi32, #tpu.memory_space<hbm>> -> memref<10x80xi32, #tpu.memory_space<hbm>>
        %dma_start3A_588 = arith.constant 0 : i32
        %dma_start3A_589 = arith.constant 0 : i32
        %dma_start3A_590 = tpu.memref_slice %arg6[%sub3A_579, %dma_start3A_588, %dma_start3A_589] : memref<2x10x80xi32, #tpu.memory_space<vmem>> -> memref<1x10x80xi32, #tpu.memory_space<vmem>>
        %dma_start3A_591 = tpu.memref_squeeze %dma_start3A_590 : memref<1x10x80xi32, #tpu.memory_space<vmem>> -> memref<10x80xi32, #tpu.memory_space<vmem>>
        %dma_start3A_592 = arith.constant 0 : i32
        %dma_start3A_593 = arith.constant 0 : i32
        %dma_start3A_594 = tpu.memref_slice %arg3[%add3A, %add3A_578, %dma_start3A_592, %dma_start3A_593] : memref<32x25x10x80xi32, #tpu.memory_space<hbm>> -> memref<1x1x10x80xi32, #tpu.memory_space<hbm>>
        %dma_start3A_595 = tpu.memref_squeeze %dma_start3A_594 : memref<1x1x10x80xi32, #tpu.memory_space<hbm>> -> memref<10x80xi32, #tpu.memory_space<hbm>>
        tpu.enqueue_dma source(%dma_start3A_595 : memref<10x80xi32, #tpu.memory_space<hbm>>) target(%dma_start3A_591 : memref<10x80xi32, #tpu.memory_space<vmem>>) target_semaphore(%arg13 : memref<!tpu.dma_semaphore, #tpu.memory_space<semaphore_mem>>)
        %add3A_596 = arith.constant 1 : i32
        %add3A_597 = arith.addi %scan3A_60, %add3A_596 : i32
        %sub3A_598 = arith.constant 1 : i32
        %sub3A_599 = arith.subi %sub3A_598, %rem3A_61 : i32
        %dma_start3A_600 = arith.constant 0 : i32
        %dma_start3A_601 = arith.constant 0 : i32
        %dma_start3A_602 = tpu.memref_slice %arg7[%sub3A_599, %dma_start3A_600, %dma_start3A_601] : memref<2x10x80xi32, #tpu.memory_space<vmem>> -> memref<1x10x80xi32, #tpu.memory_space<vmem>>
        %dma_start3A_603 = tpu.memref_squeeze %dma_start3A_602 : memref<1x10x80xi32, #tpu.memory_space<vmem>> -> memref<10x80xi32, #tpu.memory_space<vmem>>
        %dma_start3A_604 = arith.constant 0 : i32
        %dma_start3A_605 = arith.constant 0 : i32
        %dma_start3A_606 = tpu.memref_slice %arg4[%arg1, %add3A_597, %dma_start3A_604, %dma_start3A_605] : memref<16x25x10x80xi32, #tpu.memory_space<hbm>> -> memref<1x1x10x80xi32, #tpu.memory_space<hbm>>
        %dma_start3A_607 = tpu.memref_squeeze %dma_start3A_606 : memref<1x1x10x80xi32, #tpu.memory_space<hbm>> -> memref<10x80xi32, #tpu.memory_space<hbm>>
        %dma_start3A_608 = arith.constant 0 : i32
        %dma_start3A_609 = arith.constant 0 : i32
        %dma_start3A_610 = tpu.memref_slice %arg7[%sub3A_599, %dma_start3A_608, %dma_start3A_609] : memref<2x10x80xi32, #tpu.memory_space<vmem>> -> memref<1x10x80xi32, #tpu.memory_space<vmem>>
        %dma_start3A_611 = tpu.memref_squeeze %dma_start3A_610 : memref<1x10x80xi32, #tpu.memory_space<vmem>> -> memref<10x80xi32, #tpu.memory_space<vmem>>
        %dma_start3A_612 = arith.constant 0 : i32
        %dma_start3A_613 = arith.constant 0 : i32
        %dma_start3A_614 = tpu.memref_slice %arg4[%arg1, %add3A_597, %dma_start3A_612, %dma_start3A_613] : memref<16x25x10x80xi32, #tpu.memory_space<hbm>> -> memref<1x1x10x80xi32, #tpu.memory_space<hbm>>
        %dma_start3A_615 = tpu.memref_squeeze %dma_start3A_614 : memref<1x1x10x80xi32, #tpu.memory_space<hbm>> -> memref<10x80xi32, #tpu.memory_space<hbm>>
        tpu.enqueue_dma source(%dma_start3A_615 : memref<10x80xi32, #tpu.memory_space<hbm>>) target(%dma_start3A_611 : memref<10x80xi32, #tpu.memory_space<vmem>>) target_semaphore(%arg13 : memref<!tpu.dma_semaphore, #tpu.memory_space<semaphore_mem>>)
      } else {
      }
      %dma_wait3A_217 = arith.constant 0 : i32
      %dma_wait3A_218 = arith.constant 0 : i32
      %dma_wait3A_219 = arith.constant 0 : i32
      %dma_wait3A_220 = arith.constant 0 : i32
      %dma_wait3A_221 = tpu.memref_slice %arg8[%dma_wait3A_218, %dma_wait3A_219, %dma_wait3A_220] : memref<10x80x32xf32, #tpu.memory_space<vmem>> -> memref<1x80x32xf32, #tpu.memory_space<vmem>>
      %dma_wait3A_222 = tpu.memref_squeeze %dma_wait3A_221 : memref<1x80x32xf32, #tpu.memory_space<vmem>> -> memref<80x32xf32, #tpu.memory_space<vmem>>
      %dma_wait3A_223 = arith.constant 0 : i32
      %dma_wait3A_224 = tpu.memref_slice %arg6[%rem3A_61, %dma_wait3A_217, %dma_wait3A_223] : memref<2x10x80xi32, #tpu.memory_space<vmem>> -> memref<1x1x80xi32, #tpu.memory_space<vmem>>
      %dma_wait3A_225 = tpu.memref_squeeze %dma_wait3A_224 : memref<1x1x80xi32, #tpu.memory_space<vmem>> -> memref<80xi32, #tpu.memory_space<vmem>>
      %dma_wait3A_226 = arith.constant 0 : i32
      %dma_wait3A_227 = arith.constant 0 : i32
      %dma_wait3A_228 = tpu.memref_slice %arg2[%dma_wait3A_226, %dma_wait3A_227] : memref<20000x32xf32, #tpu.memory_space<hbm>> -> memref<20000x32xf32, #tpu.memory_space<hbm>>
      tpu.wait_indirect_dma semaphore(%arg11 : memref<!tpu.dma_semaphore, #tpu.memory_space<semaphore_mem>>) src(%dma_wait3A_228 : memref<20000x32xf32, #tpu.memory_space<hbm>>) dst(%dma_wait3A_222 : memref<80x32xf32, #tpu.memory_space<vmem>>)
      %dma_start3A_229 = arith.constant 0 : i32
      %dma_start3A_230 = arith.constant 0 : i32
      %dma_start3A_231 = arith.constant 0 : i32
      %dma_start3A_232 = arith.constant 0 : i32
      %dma_start3A_233 = tpu.memref_slice %arg8[%dma_start3A_229, %dma_start3A_231, %dma_start3A_232] : memref<10x80x32xf32, #tpu.memory_space<vmem>> -> memref<1x80x32xf32, #tpu.memory_space<vmem>>
      %dma_start3A_234 = tpu.memref_squeeze %dma_start3A_233 : memref<1x80x32xf32, #tpu.memory_space<vmem>> -> memref<80x32xf32, #tpu.memory_space<vmem>>
      %dma_start3A_235 = arith.constant 0 : i32
      %dma_start3A_236 = tpu.memref_slice %arg7[%rem3A_61, %dma_start3A_230, %dma_start3A_235] : memref<2x10x80xi32, #tpu.memory_space<vmem>> -> memref<1x1x80xi32, #tpu.memory_space<vmem>>
      %dma_start3A_237 = tpu.memref_squeeze %dma_start3A_236 : memref<1x1x80xi32, #tpu.memory_space<vmem>> -> memref<80xi32, #tpu.memory_space<vmem>>
      %dma_start3A_238 = arith.constant 0 : i32
      %dma_start3A_239 = arith.constant 0 : i32
      %dma_start3A_240 = tpu.memref_slice %arg10[%dma_start3A_238, %dma_start3A_239] : memref<10000x32xf32, #tpu.memory_space<vmem_shared>> -> memref<10000x32xf32, #tpu.memory_space<vmem_shared>>
      tpu.enqueue_indirect_dma source(%dma_start3A_234 : memref<80x32xf32, #tpu.memory_space<vmem>>) target(%dma_start3A_240 : memref<10000x32xf32, #tpu.memory_space<vmem_shared>>) offsets(%dma_start3A_237 : memref<80xi32, #tpu.memory_space<vmem>>) semaphore(%arg12 : memref<!tpu.dma_semaphore, #tpu.memory_space<semaphore_mem>>) {add = true}
      %dma_wait3A_241 = arith.constant 1 : i32
      %dma_wait3A_242 = arith.constant 1 : i32
      %dma_wait3A_243 = arith.constant 0 : i32
      %dma_wait3A_244 = arith.constant 0 : i32
      %dma_wait3A_245 = tpu.memref_slice %arg8[%dma_wait3A_242, %dma_wait3A_243, %dma_wait3A_244] : memref<10x80x32xf32, #tpu.memory_space<vmem>> -> memref<1x80x32xf32, #tpu.memory_space<vmem>>
      %dma_wait3A_246 = tpu.memref_squeeze %dma_wait3A_245 : memref<1x80x32xf32, #tpu.memory_space<vmem>> -> memref<80x32xf32, #tpu.memory_space<vmem>>
      %dma_wait3A_247 = arith.constant 0 : i32
      %dma_wait3A_248 = tpu.memref_slice %arg6[%rem3A_61, %dma_wait3A_241, %dma_wait3A_247] : memref<2x10x80xi32, #tpu.memory_space<vmem>> -> memref<1x1x80xi32, #tpu.memory_space<vmem>>
      %dma_wait3A_249 = tpu.memref_squeeze %dma_wait3A_248 : memref<1x1x80xi32, #tpu.memory_space<vmem>> -> memref<80xi32, #tpu.memory_space<vmem>>
      %dma_wait3A_250 = arith.constant 0 : i32
      %dma_wait3A_251 = arith.constant 0 : i32
      %dma_wait3A_252 = tpu.memref_slice %arg2[%dma_wait3A_250, %dma_wait3A_251] : memref<20000x32xf32, #tpu.memory_space<hbm>> -> memref<20000x32xf32, #tpu.memory_space<hbm>>
      tpu.wait_indirect_dma semaphore(%arg11 : memref<!tpu.dma_semaphore, #tpu.memory_space<semaphore_mem>>) src(%dma_wait3A_252 : memref<20000x32xf32, #tpu.memory_space<hbm>>) dst(%dma_wait3A_246 : memref<80x32xf32, #tpu.memory_space<vmem>>)
      %dma_start3A_253 = arith.constant 1 : i32
      %dma_start3A_254 = arith.constant 1 : i32
      %dma_start3A_255 = arith.constant 0 : i32
      %dma_start3A_256 = arith.constant 0 : i32
      %dma_start3A_257 = tpu.memref_slice %arg8[%dma_start3A_253, %dma_start3A_255, %dma_start3A_256] : memref<10x80x32xf32, #tpu.memory_space<vmem>> -> memref<1x80x32xf32, #tpu.memory_space<vmem>>
      %dma_start3A_258 = tpu.memref_squeeze %dma_start3A_257 : memref<1x80x32xf32, #tpu.memory_space<vmem>> -> memref<80x32xf32, #tpu.memory_space<vmem>>
      %dma_start3A_259 = arith.constant 0 : i32
      %dma_start3A_260 = tpu.memref_slice %arg7[%rem3A_61, %dma_start3A_254, %dma_start3A_259] : memref<2x10x80xi32, #tpu.memory_space<vmem>> -> memref<1x1x80xi32, #tpu.memory_space<vmem>>
      %dma_start3A_261 = tpu.memref_squeeze %dma_start3A_260 : memref<1x1x80xi32, #tpu.memory_space<vmem>> -> memref<80xi32, #tpu.memory_space<vmem>>
      %dma_start3A_262 = arith.constant 0 : i32
      %dma_start3A_263 = arith.constant 0 : i32
      %dma_start3A_264 = tpu.memref_slice %arg10[%dma_start3A_262, %dma_start3A_263] : memref<10000x32xf32, #tpu.memory_space<vmem_shared>> -> memref<10000x32xf32, #tpu.memory_space<vmem_shared>>
      tpu.enqueue_indirect_dma source(%dma_start3A_258 : memref<80x32xf32, #tpu.memory_space<vmem>>) target(%dma_start3A_264 : memref<10000x32xf32, #tpu.memory_space<vmem_shared>>) offsets(%dma_start3A_261 : memref<80xi32, #tpu.memory_space<vmem>>) semaphore(%arg12 : memref<!tpu.dma_semaphore, #tpu.memory_space<semaphore_mem>>) {add = true}
      %dma_wait3A_265 = arith.constant 2 : i32
      %dma_wait3A_266 = arith.constant 2 : i32
      %dma_wait3A_267 = arith.constant 0 : i32
      %dma_wait3A_268 = arith.constant 0 : i32
      %dma_wait3A_269 = tpu.memref_slice %arg8[%dma_wait3A_266, %dma_wait3A_267, %dma_wait3A_268] : memref<10x80x32xf32, #tpu.memory_space<vmem>> -> memref<1x80x32xf32, #tpu.memory_space<vmem>>
      %dma_wait3A_270 = tpu.memref_squeeze %dma_wait3A_269 : memref<1x80x32xf32, #tpu.memory_space<vmem>> -> memref<80x32xf32, #tpu.memory_space<vmem>>
      %dma_wait3A_271 = arith.constant 0 : i32
      %dma_wait3A_272 = tpu.memref_slice %arg6[%rem3A_61, %dma_wait3A_265, %dma_wait3A_271] : memref<2x10x80xi32, #tpu.memory_space<vmem>> -> memref<1x1x80xi32, #tpu.memory_space<vmem>>
      %dma_wait3A_273 = tpu.memref_squeeze %dma_wait3A_272 : memref<1x1x80xi32, #tpu.memory_space<vmem>> -> memref<80xi32, #tpu.memory_space<vmem>>
      %dma_wait3A_274 = arith.constant 0 : i32
      %dma_wait3A_275 = arith.constant 0 : i32
      %dma_wait3A_276 = tpu.memref_slice %arg2[%dma_wait3A_274, %dma_wait3A_275] : memref<20000x32xf32, #tpu.memory_space<hbm>> -> memref<20000x32xf32, #tpu.memory_space<hbm>>
      tpu.wait_indirect_dma semaphore(%arg11 : memref<!tpu.dma_semaphore, #tpu.memory_space<semaphore_mem>>) src(%dma_wait3A_276 : memref<20000x32xf32, #tpu.memory_space<hbm>>) dst(%dma_wait3A_270 : memref<80x32xf32, #tpu.memory_space<vmem>>)
      %dma_start3A_277 = arith.constant 2 : i32
      %dma_start3A_278 = arith.constant 2 : i32
      %dma_start3A_279 = arith.constant 0 : i32
      %dma_start3A_280 = arith.constant 0 : i32
      %dma_start3A_281 = tpu.memref_slice %arg8[%dma_start3A_277, %dma_start3A_279, %dma_start3A_280] : memref<10x80x32xf32, #tpu.memory_space<vmem>> -> memref<1x80x32xf32, #tpu.memory_space<vmem>>
      %dma_start3A_282 = tpu.memref_squeeze %dma_start3A_281 : memref<1x80x32xf32, #tpu.memory_space<vmem>> -> memref<80x32xf32, #tpu.memory_space<vmem>>
      %dma_start3A_283 = arith.constant 0 : i32
      %dma_start3A_284 = tpu.memref_slice %arg7[%rem3A_61, %dma_start3A_278, %dma_start3A_283] : memref<2x10x80xi32, #tpu.memory_space<vmem>> -> memref<1x1x80xi32, #tpu.memory_space<vmem>>
      %dma_start3A_285 = tpu.memref_squeeze %dma_start3A_284 : memref<1x1x80xi32, #tpu.memory_space<vmem>> -> memref<80xi32, #tpu.memory_space<vmem>>
      %dma_start3A_286 = arith.constant 0 : i32
      %dma_start3A_287 = arith.constant 0 : i32
      %dma_start3A_288 = tpu.memref_slice %arg10[%dma_start3A_286, %dma_start3A_287] : memref<10000x32xf32, #tpu.memory_space<vmem_shared>> -> memref<10000x32xf32, #tpu.memory_space<vmem_shared>>
      tpu.enqueue_indirect_dma source(%dma_start3A_282 : memref<80x32xf32, #tpu.memory_space<vmem>>) target(%dma_start3A_288 : memref<10000x32xf32, #tpu.memory_space<vmem_shared>>) offsets(%dma_start3A_285 : memref<80xi32, #tpu.memory_space<vmem>>) semaphore(%arg12 : memref<!tpu.dma_semaphore, #tpu.memory_space<semaphore_mem>>) {add = true}
      %dma_wait3A_289 = arith.constant 3 : i32
      %dma_wait3A_290 = arith.constant 3 : i32
      %dma_wait3A_291 = arith.constant 0 : i32
      %dma_wait3A_292 = arith.constant 0 : i32
      %dma_wait3A_293 = tpu.memref_slice %arg8[%dma_wait3A_290, %dma_wait3A_291, %dma_wait3A_292] : memref<10x80x32xf32, #tpu.memory_space<vmem>> -> memref<1x80x32xf32, #tpu.memory_space<vmem>>
      %dma_wait3A_294 = tpu.memref_squeeze %dma_wait3A_293 : memref<1x80x32xf32, #tpu.memory_space<vmem>> -> memref<80x32xf32, #tpu.memory_space<vmem>>
      %dma_wait3A_295 = arith.constant 0 : i32
      %dma_wait3A_296 = tpu.memref_slice %arg6[%rem3A_61, %dma_wait3A_289, %dma_wait3A_295] : memref<2x10x80xi32, #tpu.memory_space<vmem>> -> memref<1x1x80xi32, #tpu.memory_space<vmem>>
      %dma_wait3A_297 = tpu.memref_squeeze %dma_wait3A_296 : memref<1x1x80xi32, #tpu.memory_space<vmem>> -> memref<80xi32, #tpu.memory_space<vmem>>
      %dma_wait3A_298 = arith.constant 0 : i32
      %dma_wait3A_299 = arith.constant 0 : i32
      %dma_wait3A_300 = tpu.memref_slice %arg2[%dma_wait3A_298, %dma_wait3A_299] : memref<20000x32xf32, #tpu.memory_space<hbm>> -> memref<20000x32xf32, #tpu.memory_space<hbm>>
      tpu.wait_indirect_dma semaphore(%arg11 : memref<!tpu.dma_semaphore, #tpu.memory_space<semaphore_mem>>) src(%dma_wait3A_300 : memref<20000x32xf32, #tpu.memory_space<hbm>>) dst(%dma_wait3A_294 : memref<80x32xf32, #tpu.memory_space<vmem>>)
      %dma_start3A_301 = arith.constant 3 : i32
      %dma_start3A_302 = arith.constant 3 : i32
      %dma_start3A_303 = arith.constant 0 : i32
      %dma_start3A_304 = arith.constant 0 : i32
      %dma_start3A_305 = tpu.memref_slice %arg8[%dma_start3A_301, %dma_start3A_303, %dma_start3A_304] : memref<10x80x32xf32, #tpu.memory_space<vmem>> -> memref<1x80x32xf32, #tpu.memory_space<vmem>>
      %dma_start3A_306 = tpu.memref_squeeze %dma_start3A_305 : memref<1x80x32xf32, #tpu.memory_space<vmem>> -> memref<80x32xf32, #tpu.memory_space<vmem>>
      %dma_start3A_307 = arith.constant 0 : i32
      %dma_start3A_308 = tpu.memref_slice %arg7[%rem3A_61, %dma_start3A_302, %dma_start3A_307] : memref<2x10x80xi32, #tpu.memory_space<vmem>> -> memref<1x1x80xi32, #tpu.memory_space<vmem>>
      %dma_start3A_309 = tpu.memref_squeeze %dma_start3A_308 : memref<1x1x80xi32, #tpu.memory_space<vmem>> -> memref<80xi32, #tpu.memory_space<vmem>>
      %dma_start3A_310 = arith.constant 0 : i32
      %dma_start3A_311 = arith.constant 0 : i32
      %dma_start3A_312 = tpu.memref_slice %arg10[%dma_start3A_310, %dma_start3A_311] : memref<10000x32xf32, #tpu.memory_space<vmem_shared>> -> memref<10000x32xf32, #tpu.memory_space<vmem_shared>>
      tpu.enqueue_indirect_dma source(%dma_start3A_306 : memref<80x32xf32, #tpu.memory_space<vmem>>) target(%dma_start3A_312 : memref<10000x32xf32, #tpu.memory_space<vmem_shared>>) offsets(%dma_start3A_309 : memref<80xi32, #tpu.memory_space<vmem>>) semaphore(%arg12 : memref<!tpu.dma_semaphore, #tpu.memory_space<semaphore_mem>>) {add = true}
      %dma_wait3A_313 = arith.constant 4 : i32
      %dma_wait3A_314 = arith.constant 4 : i32
      %dma_wait3A_315 = arith.constant 0 : i32
      %dma_wait3A_316 = arith.constant 0 : i32
      %dma_wait3A_317 = tpu.memref_slice %arg8[%dma_wait3A_314, %dma_wait3A_315, %dma_wait3A_316] : memref<10x80x32xf32, #tpu.memory_space<vmem>> -> memref<1x80x32xf32, #tpu.memory_space<vmem>>
      %dma_wait3A_318 = tpu.memref_squeeze %dma_wait3A_317 : memref<1x80x32xf32, #tpu.memory_space<vmem>> -> memref<80x32xf32, #tpu.memory_space<vmem>>
      %dma_wait3A_319 = arith.constant 0 : i32
      %dma_wait3A_320 = tpu.memref_slice %arg6[%rem3A_61, %dma_wait3A_313, %dma_wait3A_319] : memref<2x10x80xi32, #tpu.memory_space<vmem>> -> memref<1x1x80xi32, #tpu.memory_space<vmem>>
      %dma_wait3A_321 = tpu.memref_squeeze %dma_wait3A_320 : memref<1x1x80xi32, #tpu.memory_space<vmem>> -> memref<80xi32, #tpu.memory_space<vmem>>
      %dma_wait3A_322 = arith.constant 0 : i32
      %dma_wait3A_323 = arith.constant 0 : i32
      %dma_wait3A_324 = tpu.memref_slice %arg2[%dma_wait3A_322, %dma_wait3A_323] : memref<20000x32xf32, #tpu.memory_space<hbm>> -> memref<20000x32xf32, #tpu.memory_space<hbm>>
      tpu.wait_indirect_dma semaphore(%arg11 : memref<!tpu.dma_semaphore, #tpu.memory_space<semaphore_mem>>) src(%dma_wait3A_324 : memref<20000x32xf32, #tpu.memory_space<hbm>>) dst(%dma_wait3A_318 : memref<80x32xf32, #tpu.memory_space<vmem>>)
      %dma_start3A_325 = arith.constant 4 : i32
      %dma_start3A_326 = arith.constant 4 : i32
      %dma_start3A_327 = arith.constant 0 : i32
      %dma_start3A_328 = arith.constant 0 : i32
      %dma_start3A_329 = tpu.memref_slice %arg8[%dma_start3A_325, %dma_start3A_327, %dma_start3A_328] : memref<10x80x32xf32, #tpu.memory_space<vmem>> -> memref<1x80x32xf32, #tpu.memory_space<vmem>>
      %dma_start3A_330 = tpu.memref_squeeze %dma_start3A_329 : memref<1x80x32xf32, #tpu.memory_space<vmem>> -> memref<80x32xf32, #tpu.memory_space<vmem>>
      %dma_start3A_331 = arith.constant 0 : i32
      %dma_start3A_332 = tpu.memref_slice %arg7[%rem3A_61, %dma_start3A_326, %dma_start3A_331] : memref<2x10x80xi32, #tpu.memory_space<vmem>> -> memref<1x1x80xi32, #tpu.memory_space<vmem>>
      %dma_start3A_333 = tpu.memref_squeeze %dma_start3A_332 : memref<1x1x80xi32, #tpu.memory_space<vmem>> -> memref<80xi32, #tpu.memory_space<vmem>>
      %dma_start3A_334 = arith.constant 0 : i32
      %dma_start3A_335 = arith.constant 0 : i32
      %dma_start3A_336 = tpu.memref_slice %arg10[%dma_start3A_334, %dma_start3A_335] : memref<10000x32xf32, #tpu.memory_space<vmem_shared>> -> memref<10000x32xf32, #tpu.memory_space<vmem_shared>>
      tpu.enqueue_indirect_dma source(%dma_start3A_330 : memref<80x32xf32, #tpu.memory_space<vmem>>) target(%dma_start3A_336 : memref<10000x32xf32, #tpu.memory_space<vmem_shared>>) offsets(%dma_start3A_333 : memref<80xi32, #tpu.memory_space<vmem>>) semaphore(%arg12 : memref<!tpu.dma_semaphore, #tpu.memory_space<semaphore_mem>>) {add = true}
      %dma_wait3A_337 = arith.constant 5 : i32
      %dma_wait3A_338 = arith.constant 5 : i32
      %dma_wait3A_339 = arith.constant 0 : i32
      %dma_wait3A_340 = arith.constant 0 : i32
      %dma_wait3A_341 = tpu.memref_slice %arg8[%dma_wait3A_338, %dma_wait3A_339, %dma_wait3A_340] : memref<10x80x32xf32, #tpu.memory_space<vmem>> -> memref<1x80x32xf32, #tpu.memory_space<vmem>>
      %dma_wait3A_342 = tpu.memref_squeeze %dma_wait3A_341 : memref<1x80x32xf32, #tpu.memory_space<vmem>> -> memref<80x32xf32, #tpu.memory_space<vmem>>
      %dma_wait3A_343 = arith.constant 0 : i32
      %dma_wait3A_344 = tpu.memref_slice %arg6[%rem3A_61, %dma_wait3A_337, %dma_wait3A_343] : memref<2x10x80xi32, #tpu.memory_space<vmem>> -> memref<1x1x80xi32, #tpu.memory_space<vmem>>
      %dma_wait3A_345 = tpu.memref_squeeze %dma_wait3A_344 : memref<1x1x80xi32, #tpu.memory_space<vmem>> -> memref<80xi32, #tpu.memory_space<vmem>>
      %dma_wait3A_346 = arith.constant 0 : i32
      %dma_wait3A_347 = arith.constant 0 : i32
      %dma_wait3A_348 = tpu.memref_slice %arg2[%dma_wait3A_346, %dma_wait3A_347] : memref<20000x32xf32, #tpu.memory_space<hbm>> -> memref<20000x32xf32, #tpu.memory_space<hbm>>
      tpu.wait_indirect_dma semaphore(%arg11 : memref<!tpu.dma_semaphore, #tpu.memory_space<semaphore_mem>>) src(%dma_wait3A_348 : memref<20000x32xf32, #tpu.memory_space<hbm>>) dst(%dma_wait3A_342 : memref<80x32xf32, #tpu.memory_space<vmem>>)
      %dma_start3A_349 = arith.constant 5 : i32
      %dma_start3A_350 = arith.constant 5 : i32
      %dma_start3A_351 = arith.constant 0 : i32
      %dma_start3A_352 = arith.constant 0 : i32
      %dma_start3A_353 = tpu.memref_slice %arg8[%dma_start3A_349, %dma_start3A_351, %dma_start3A_352] : memref<10x80x32xf32, #tpu.memory_space<vmem>> -> memref<1x80x32xf32, #tpu.memory_space<vmem>>
      %dma_start3A_354 = tpu.memref_squeeze %dma_start3A_353 : memref<1x80x32xf32, #tpu.memory_space<vmem>> -> memref<80x32xf32, #tpu.memory_space<vmem>>
      %dma_start3A_355 = arith.constant 0 : i32
      %dma_start3A_356 = tpu.memref_slice %arg7[%rem3A_61, %dma_start3A_350, %dma_start3A_355] : memref<2x10x80xi32, #tpu.memory_space<vmem>> -> memref<1x1x80xi32, #tpu.memory_space<vmem>>
      %dma_start3A_357 = tpu.memref_squeeze %dma_start3A_356 : memref<1x1x80xi32, #tpu.memory_space<vmem>> -> memref<80xi32, #tpu.memory_space<vmem>>
      %dma_start3A_358 = arith.constant 0 : i32
      %dma_start3A_359 = arith.constant 0 : i32
      %dma_start3A_360 = tpu.memref_slice %arg10[%dma_start3A_358, %dma_start3A_359] : memref<10000x32xf32, #tpu.memory_space<vmem_shared>> -> memref<10000x32xf32, #tpu.memory_space<vmem_shared>>
      tpu.enqueue_indirect_dma source(%dma_start3A_354 : memref<80x32xf32, #tpu.memory_space<vmem>>) target(%dma_start3A_360 : memref<10000x32xf32, #tpu.memory_space<vmem_shared>>) offsets(%dma_start3A_357 : memref<80xi32, #tpu.memory_space<vmem>>) semaphore(%arg12 : memref<!tpu.dma_semaphore, #tpu.memory_space<semaphore_mem>>) {add = true}
      %dma_wait3A_361 = arith.constant 6 : i32
      %dma_wait3A_362 = arith.constant 6 : i32
      %dma_wait3A_363 = arith.constant 0 : i32
      %dma_wait3A_364 = arith.constant 0 : i32
      %dma_wait3A_365 = tpu.memref_slice %arg8[%dma_wait3A_362, %dma_wait3A_363, %dma_wait3A_364] : memref<10x80x32xf32, #tpu.memory_space<vmem>> -> memref<1x80x32xf32, #tpu.memory_space<vmem>>
      %dma_wait3A_366 = tpu.memref_squeeze %dma_wait3A_365 : memref<1x80x32xf32, #tpu.memory_space<vmem>> -> memref<80x32xf32, #tpu.memory_space<vmem>>
      %dma_wait3A_367 = arith.constant 0 : i32
      %dma_wait3A_368 = tpu.memref_slice %arg6[%rem3A_61, %dma_wait3A_361, %dma_wait3A_367] : memref<2x10x80xi32, #tpu.memory_space<vmem>> -> memref<1x1x80xi32, #tpu.memory_space<vmem>>
      %dma_wait3A_369 = tpu.memref_squeeze %dma_wait3A_368 : memref<1x1x80xi32, #tpu.memory_space<vmem>> -> memref<80xi32, #tpu.memory_space<vmem>>
      %dma_wait3A_370 = arith.constant 0 : i32
      %dma_wait3A_371 = arith.constant 0 : i32
      %dma_wait3A_372 = tpu.memref_slice %arg2[%dma_wait3A_370, %dma_wait3A_371] : memref<20000x32xf32, #tpu.memory_space<hbm>> -> memref<20000x32xf32, #tpu.memory_space<hbm>>
      tpu.wait_indirect_dma semaphore(%arg11 : memref<!tpu.dma_semaphore, #tpu.memory_space<semaphore_mem>>) src(%dma_wait3A_372 : memref<20000x32xf32, #tpu.memory_space<hbm>>) dst(%dma_wait3A_366 : memref<80x32xf32, #tpu.memory_space<vmem>>)
      %dma_start3A_373 = arith.constant 6 : i32
      %dma_start3A_374 = arith.constant 6 : i32
      %dma_start3A_375 = arith.constant 0 : i32
      %dma_start3A_376 = arith.constant 0 : i32
      %dma_start3A_377 = tpu.memref_slice %arg8[%dma_start3A_373, %dma_start3A_375, %dma_start3A_376] : memref<10x80x32xf32, #tpu.memory_space<vmem>> -> memref<1x80x32xf32, #tpu.memory_space<vmem>>
      %dma_start3A_378 = tpu.memref_squeeze %dma_start3A_377 : memref<1x80x32xf32, #tpu.memory_space<vmem>> -> memref<80x32xf32, #tpu.memory_space<vmem>>
      %dma_start3A_379 = arith.constant 0 : i32
      %dma_start3A_380 = tpu.memref_slice %arg7[%rem3A_61, %dma_start3A_374, %dma_start3A_379] : memref<2x10x80xi32, #tpu.memory_space<vmem>> -> memref<1x1x80xi32, #tpu.memory_space<vmem>>
      %dma_start3A_381 = tpu.memref_squeeze %dma_start3A_380 : memref<1x1x80xi32, #tpu.memory_space<vmem>> -> memref<80xi32, #tpu.memory_space<vmem>>
      %dma_start3A_382 = arith.constant 0 : i32
      %dma_start3A_383 = arith.constant 0 : i32
      %dma_start3A_384 = tpu.memref_slice %arg10[%dma_start3A_382, %dma_start3A_383] : memref<10000x32xf32, #tpu.memory_space<vmem_shared>> -> memref<10000x32xf32, #tpu.memory_space<vmem_shared>>
      tpu.enqueue_indirect_dma source(%dma_start3A_378 : memref<80x32xf32, #tpu.memory_space<vmem>>) target(%dma_start3A_384 : memref<10000x32xf32, #tpu.memory_space<vmem_shared>>) offsets(%dma_start3A_381 : memref<80xi32, #tpu.memory_space<vmem>>) semaphore(%arg12 : memref<!tpu.dma_semaphore, #tpu.memory_space<semaphore_mem>>) {add = true}
      %dma_wait3A_385 = arith.constant 7 : i32
      %dma_wait3A_386 = arith.constant 7 : i32
      %dma_wait3A_387 = arith.constant 0 : i32
      %dma_wait3A_388 = arith.constant 0 : i32
      %dma_wait3A_389 = tpu.memref_slice %arg8[%dma_wait3A_386, %dma_wait3A_387, %dma_wait3A_388] : memref<10x80x32xf32, #tpu.memory_space<vmem>> -> memref<1x80x32xf32, #tpu.memory_space<vmem>>
      %dma_wait3A_390 = tpu.memref_squeeze %dma_wait3A_389 : memref<1x80x32xf32, #tpu.memory_space<vmem>> -> memref<80x32xf32, #tpu.memory_space<vmem>>
      %dma_wait3A_391 = arith.constant 0 : i32
      %dma_wait3A_392 = tpu.memref_slice %arg6[%rem3A_61, %dma_wait3A_385, %dma_wait3A_391] : memref<2x10x80xi32, #tpu.memory_space<vmem>> -> memref<1x1x80xi32, #tpu.memory_space<vmem>>
      %dma_wait3A_393 = tpu.memref_squeeze %dma_wait3A_392 : memref<1x1x80xi32, #tpu.memory_space<vmem>> -> memref<80xi32, #tpu.memory_space<vmem>>
      %dma_wait3A_394 = arith.constant 0 : i32
      %dma_wait3A_395 = arith.constant 0 : i32
      %dma_wait3A_396 = tpu.memref_slice %arg2[%dma_wait3A_394, %dma_wait3A_395] : memref<20000x32xf32, #tpu.memory_space<hbm>> -> memref<20000x32xf32, #tpu.memory_space<hbm>>
      tpu.wait_indirect_dma semaphore(%arg11 : memref<!tpu.dma_semaphore, #tpu.memory_space<semaphore_mem>>) src(%dma_wait3A_396 : memref<20000x32xf32, #tpu.memory_space<hbm>>) dst(%dma_wait3A_390 : memref<80x32xf32, #tpu.memory_space<vmem>>)
      %dma_start3A_397 = arith.constant 7 : i32
      %dma_start3A_398 = arith.constant 7 : i32
      %dma_start3A_399 = arith.constant 0 : i32
      %dma_start3A_400 = arith.constant 0 : i32
      %dma_start3A_401 = tpu.memref_slice %arg8[%dma_start3A_397, %dma_start3A_399, %dma_start3A_400] : memref<10x80x32xf32, #tpu.memory_space<vmem>> -> memref<1x80x32xf32, #tpu.memory_space<vmem>>
      %dma_start3A_402 = tpu.memref_squeeze %dma_start3A_401 : memref<1x80x32xf32, #tpu.memory_space<vmem>> -> memref<80x32xf32, #tpu.memory_space<vmem>>
      %dma_start3A_403 = arith.constant 0 : i32
      %dma_start3A_404 = tpu.memref_slice %arg7[%rem3A_61, %dma_start3A_398, %dma_start3A_403] : memref<2x10x80xi32, #tpu.memory_space<vmem>> -> memref<1x1x80xi32, #tpu.memory_space<vmem>>
      %dma_start3A_405 = tpu.memref_squeeze %dma_start3A_404 : memref<1x1x80xi32, #tpu.memory_space<vmem>> -> memref<80xi32, #tpu.memory_space<vmem>>
      %dma_start3A_406 = arith.constant 0 : i32
      %dma_start3A_407 = arith.constant 0 : i32
      %dma_start3A_408 = tpu.memref_slice %arg10[%dma_start3A_406, %dma_start3A_407] : memref<10000x32xf32, #tpu.memory_space<vmem_shared>> -> memref<10000x32xf32, #tpu.memory_space<vmem_shared>>
      tpu.enqueue_indirect_dma source(%dma_start3A_402 : memref<80x32xf32, #tpu.memory_space<vmem>>) target(%dma_start3A_408 : memref<10000x32xf32, #tpu.memory_space<vmem_shared>>) offsets(%dma_start3A_405 : memref<80xi32, #tpu.memory_space<vmem>>) semaphore(%arg12 : memref<!tpu.dma_semaphore, #tpu.memory_space<semaphore_mem>>) {add = true}
      %dma_wait3A_409 = arith.constant 8 : i32
      %dma_wait3A_410 = arith.constant 8 : i32
      %dma_wait3A_411 = arith.constant 0 : i32
      %dma_wait3A_412 = arith.constant 0 : i32
      %dma_wait3A_413 = tpu.memref_slice %arg8[%dma_wait3A_410, %dma_wait3A_411, %dma_wait3A_412] : memref<10x80x32xf32, #tpu.memory_space<vmem>> -> memref<1x80x32xf32, #tpu.memory_space<vmem>>
      %dma_wait3A_414 = tpu.memref_squeeze %dma_wait3A_413 : memref<1x80x32xf32, #tpu.memory_space<vmem>> -> memref<80x32xf32, #tpu.memory_space<vmem>>
      %dma_wait3A_415 = arith.constant 0 : i32
      %dma_wait3A_416 = tpu.memref_slice %arg6[%rem3A_61, %dma_wait3A_409, %dma_wait3A_415] : memref<2x10x80xi32, #tpu.memory_space<vmem>> -> memref<1x1x80xi32, #tpu.memory_space<vmem>>
      %dma_wait3A_417 = tpu.memref_squeeze %dma_wait3A_416 : memref<1x1x80xi32, #tpu.memory_space<vmem>> -> memref<80xi32, #tpu.memory_space<vmem>>
      %dma_wait3A_418 = arith.constant 0 : i32
      %dma_wait3A_419 = arith.constant 0 : i32
      %dma_wait3A_420 = tpu.memref_slice %arg2[%dma_wait3A_418, %dma_wait3A_419] : memref<20000x32xf32, #tpu.memory_space<hbm>> -> memref<20000x32xf32, #tpu.memory_space<hbm>>
      tpu.wait_indirect_dma semaphore(%arg11 : memref<!tpu.dma_semaphore, #tpu.memory_space<semaphore_mem>>) src(%dma_wait3A_420 : memref<20000x32xf32, #tpu.memory_space<hbm>>) dst(%dma_wait3A_414 : memref<80x32xf32, #tpu.memory_space<vmem>>)
      %dma_start3A_421 = arith.constant 8 : i32
      %dma_start3A_422 = arith.constant 8 : i32
      %dma_start3A_423 = arith.constant 0 : i32
      %dma_start3A_424 = arith.constant 0 : i32
      %dma_start3A_425 = tpu.memref_slice %arg8[%dma_start3A_421, %dma_start3A_423, %dma_start3A_424] : memref<10x80x32xf32, #tpu.memory_space<vmem>> -> memref<1x80x32xf32, #tpu.memory_space<vmem>>
      %dma_start3A_426 = tpu.memref_squeeze %dma_start3A_425 : memref<1x80x32xf32, #tpu.memory_space<vmem>> -> memref<80x32xf32, #tpu.memory_space<vmem>>
      %dma_start3A_427 = arith.constant 0 : i32
      %dma_start3A_428 = tpu.memref_slice %arg7[%rem3A_61, %dma_start3A_422, %dma_start3A_427] : memref<2x10x80xi32, #tpu.memory_space<vmem>> -> memref<1x1x80xi32, #tpu.memory_space<vmem>>
      %dma_start3A_429 = tpu.memref_squeeze %dma_start3A_428 : memref<1x1x80xi32, #tpu.memory_space<vmem>> -> memref<80xi32, #tpu.memory_space<vmem>>
      %dma_start3A_430 = arith.constant 0 : i32
      %dma_start3A_431 = arith.constant 0 : i32
      %dma_start3A_432 = tpu.memref_slice %arg10[%dma_start3A_430, %dma_start3A_431] : memref<10000x32xf32, #tpu.memory_space<vmem_shared>> -> memref<10000x32xf32, #tpu.memory_space<vmem_shared>>
      tpu.enqueue_indirect_dma source(%dma_start3A_426 : memref<80x32xf32, #tpu.memory_space<vmem>>) target(%dma_start3A_432 : memref<10000x32xf32, #tpu.memory_space<vmem_shared>>) offsets(%dma_start3A_429 : memref<80xi32, #tpu.memory_space<vmem>>) semaphore(%arg12 : memref<!tpu.dma_semaphore, #tpu.memory_space<semaphore_mem>>) {add = true}
      %dma_wait3A_433 = arith.constant 9 : i32
      %dma_wait3A_434 = arith.constant 9 : i32
      %dma_wait3A_435 = arith.constant 0 : i32
      %dma_wait3A_436 = arith.constant 0 : i32
      %dma_wait3A_437 = tpu.memref_slice %arg8[%dma_wait3A_434, %dma_wait3A_435, %dma_wait3A_436] : memref<10x80x32xf32, #tpu.memory_space<vmem>> -> memref<1x80x32xf32, #tpu.memory_space<vmem>>
      %dma_wait3A_438 = tpu.memref_squeeze %dma_wait3A_437 : memref<1x80x32xf32, #tpu.memory_space<vmem>> -> memref<80x32xf32, #tpu.memory_space<vmem>>
      %dma_wait3A_439 = arith.constant 0 : i32
      %dma_wait3A_440 = tpu.memref_slice %arg6[%rem3A_61, %dma_wait3A_433, %dma_wait3A_439] : memref<2x10x80xi32, #tpu.memory_space<vmem>> -> memref<1x1x80xi32, #tpu.memory_space<vmem>>
      %dma_wait3A_441 = tpu.memref_squeeze %dma_wait3A_440 : memref<1x1x80xi32, #tpu.memory_space<vmem>> -> memref<80xi32, #tpu.memory_space<vmem>>
      %dma_wait3A_442 = arith.constant 0 : i32
      %dma_wait3A_443 = arith.constant 0 : i32
      %dma_wait3A_444 = tpu.memref_slice %arg2[%dma_wait3A_442, %dma_wait3A_443] : memref<20000x32xf32, #tpu.memory_space<hbm>> -> memref<20000x32xf32, #tpu.memory_space<hbm>>
      tpu.wait_indirect_dma semaphore(%arg11 : memref<!tpu.dma_semaphore, #tpu.memory_space<semaphore_mem>>) src(%dma_wait3A_444 : memref<20000x32xf32, #tpu.memory_space<hbm>>) dst(%dma_wait3A_438 : memref<80x32xf32, #tpu.memory_space<vmem>>)
      %dma_start3A_445 = arith.constant 9 : i32
      %dma_start3A_446 = arith.constant 9 : i32
      %dma_start3A_447 = arith.constant 0 : i32
      %dma_start3A_448 = arith.constant 0 : i32
      %dma_start3A_449 = tpu.memref_slice %arg8[%dma_start3A_445, %dma_start3A_447, %dma_start3A_448] : memref<10x80x32xf32, #tpu.memory_space<vmem>> -> memref<1x80x32xf32, #tpu.memory_space<vmem>>
      %dma_start3A_450 = tpu.memref_squeeze %dma_start3A_449 : memref<1x80x32xf32, #tpu.memory_space<vmem>> -> memref<80x32xf32, #tpu.memory_space<vmem>>
      %dma_start3A_451 = arith.constant 0 : i32
      %dma_start3A_452 = tpu.memref_slice %arg7[%rem3A_61, %dma_start3A_446, %dma_start3A_451] : memref<2x10x80xi32, #tpu.memory_space<vmem>> -> memref<1x1x80xi32, #tpu.memory_space<vmem>>
      %dma_start3A_453 = tpu.memref_squeeze %dma_start3A_452 : memref<1x1x80xi32, #tpu.memory_space<vmem>> -> memref<80xi32, #tpu.memory_space<vmem>>
      %dma_start3A_454 = arith.constant 0 : i32
      %dma_start3A_455 = arith.constant 0 : i32
      %dma_start3A_456 = tpu.memref_slice %arg10[%dma_start3A_454, %dma_start3A_455] : memref<10000x32xf32, #tpu.memory_space<vmem_shared>> -> memref<10000x32xf32, #tpu.memory_space<vmem_shared>>
      tpu.enqueue_indirect_dma source(%dma_start3A_450 : memref<80x32xf32, #tpu.memory_space<vmem>>) target(%dma_start3A_456 : memref<10000x32xf32, #tpu.memory_space<vmem_shared>>) offsets(%dma_start3A_453 : memref<80xi32, #tpu.memory_space<vmem>>) semaphore(%arg12 : memref<!tpu.dma_semaphore, #tpu.memory_space<semaphore_mem>>) {add = true}
      %dma_wait3A_457 = arith.constant 0 : i32
      %dma_wait3A_458 = arith.constant 0 : i32
      %dma_wait3A_459 = arith.constant 0 : i32
      %dma_wait3A_460 = arith.constant 0 : i32
      %dma_wait3A_461 = tpu.memref_slice %arg8[%dma_wait3A_457, %dma_wait3A_459, %dma_wait3A_460] : memref<10x80x32xf32, #tpu.memory_space<vmem>> -> memref<1x80x32xf32, #tpu.memory_space<vmem>>
      %dma_wait3A_462 = tpu.memref_squeeze %dma_wait3A_461 : memref<1x80x32xf32, #tpu.memory_space<vmem>> -> memref<80x32xf32, #tpu.memory_space<vmem>>
      %dma_wait3A_463 = arith.constant 0 : i32
      %dma_wait3A_464 = tpu.memref_slice %arg7[%rem3A_61, %dma_wait3A_458, %dma_wait3A_463] : memref<2x10x80xi32, #tpu.memory_space<vmem>> -> memref<1x1x80xi32, #tpu.memory_space<vmem>>
      %dma_wait3A_465 = tpu.memref_squeeze %dma_wait3A_464 : memref<1x1x80xi32, #tpu.memory_space<vmem>> -> memref<80xi32, #tpu.memory_space<vmem>>
      %dma_wait3A_466 = arith.constant 0 : i32
      %dma_wait3A_467 = arith.constant 0 : i32
      %dma_wait3A_468 = tpu.memref_slice %arg10[%dma_wait3A_466, %dma_wait3A_467] : memref<10000x32xf32, #tpu.memory_space<vmem_shared>> -> memref<10000x32xf32, #tpu.memory_space<vmem_shared>>
      tpu.wait_indirect_dma semaphore(%arg12 : memref<!tpu.dma_semaphore, #tpu.memory_space<semaphore_mem>>) src(%dma_wait3A_462 : memref<80x32xf32, #tpu.memory_space<vmem>>) dst(%dma_wait3A_468 : memref<10000x32xf32, #tpu.memory_space<vmem_shared>>)
      %dma_wait3A_469 = arith.constant 1 : i32
      %dma_wait3A_470 = arith.constant 1 : i32
      %dma_wait3A_471 = arith.constant 0 : i32
      %dma_wait3A_472 = arith.constant 0 : i32
      %dma_wait3A_473 = tpu.memref_slice %arg8[%dma_wait3A_469, %dma_wait3A_471, %dma_wait3A_472] : memref<10x80x32xf32, #tpu.memory_space<vmem>> -> memref<1x80x32xf32, #tpu.memory_space<vmem>>
      %dma_wait3A_474 = tpu.memref_squeeze %dma_wait3A_473 : memref<1x80x32xf32, #tpu.memory_space<vmem>> -> memref<80x32xf32, #tpu.memory_space<vmem>>
      %dma_wait3A_475 = arith.constant 0 : i32
      %dma_wait3A_476 = tpu.memref_slice %arg7[%rem3A_61, %dma_wait3A_470, %dma_wait3A_475] : memref<2x10x80xi32, #tpu.memory_space<vmem>> -> memref<1x1x80xi32, #tpu.memory_space<vmem>>
      %dma_wait3A_477 = tpu.memref_squeeze %dma_wait3A_476 : memref<1x1x80xi32, #tpu.memory_space<vmem>> -> memref<80xi32, #tpu.memory_space<vmem>>
      %dma_wait3A_478 = arith.constant 0 : i32
      %dma_wait3A_479 = arith.constant 0 : i32
      %dma_wait3A_480 = tpu.memref_slice %arg10[%dma_wait3A_478, %dma_wait3A_479] : memref<10000x32xf32, #tpu.memory_space<vmem_shared>> -> memref<10000x32xf32, #tpu.memory_space<vmem_shared>>
      tpu.wait_indirect_dma semaphore(%arg12 : memref<!tpu.dma_semaphore, #tpu.memory_space<semaphore_mem>>) src(%dma_wait3A_474 : memref<80x32xf32, #tpu.memory_space<vmem>>) dst(%dma_wait3A_480 : memref<10000x32xf32, #tpu.memory_space<vmem_shared>>)
      %dma_wait3A_481 = arith.constant 2 : i32
      %dma_wait3A_482 = arith.constant 2 : i32
      %dma_wait3A_483 = arith.constant 0 : i32
      %dma_wait3A_484 = arith.constant 0 : i32
      %dma_wait3A_485 = tpu.memref_slice %arg8[%dma_wait3A_481, %dma_wait3A_483, %dma_wait3A_484] : memref<10x80x32xf32, #tpu.memory_space<vmem>> -> memref<1x80x32xf32, #tpu.memory_space<vmem>>
      %dma_wait3A_486 = tpu.memref_squeeze %dma_wait3A_485 : memref<1x80x32xf32, #tpu.memory_space<vmem>> -> memref<80x32xf32, #tpu.memory_space<vmem>>
      %dma_wait3A_487 = arith.constant 0 : i32
      %dma_wait3A_488 = tpu.memref_slice %arg7[%rem3A_61, %dma_wait3A_482, %dma_wait3A_487] : memref<2x10x80xi32, #tpu.memory_space<vmem>> -> memref<1x1x80xi32, #tpu.memory_space<vmem>>
      %dma_wait3A_489 = tpu.memref_squeeze %dma_wait3A_488 : memref<1x1x80xi32, #tpu.memory_space<vmem>> -> memref<80xi32, #tpu.memory_space<vmem>>
      %dma_wait3A_490 = arith.constant 0 : i32
      %dma_wait3A_491 = arith.constant 0 : i32
      %dma_wait3A_492 = tpu.memref_slice %arg10[%dma_wait3A_490, %dma_wait3A_491] : memref<10000x32xf32, #tpu.memory_space<vmem_shared>> -> memref<10000x32xf32, #tpu.memory_space<vmem_shared>>
      tpu.wait_indirect_dma semaphore(%arg12 : memref<!tpu.dma_semaphore, #tpu.memory_space<semaphore_mem>>) src(%dma_wait3A_486 : memref<80x32xf32, #tpu.memory_space<vmem>>) dst(%dma_wait3A_492 : memref<10000x32xf32, #tpu.memory_space<vmem_shared>>)
      %dma_wait3A_493 = arith.constant 3 : i32
      %dma_wait3A_494 = arith.constant 3 : i32
      %dma_wait3A_495 = arith.constant 0 : i32
      %dma_wait3A_496 = arith.constant 0 : i32
      %dma_wait3A_497 = tpu.memref_slice %arg8[%dma_wait3A_493, %dma_wait3A_495, %dma_wait3A_496] : memref<10x80x32xf32, #tpu.memory_space<vmem>> -> memref<1x80x32xf32, #tpu.memory_space<vmem>>
      %dma_wait3A_498 = tpu.memref_squeeze %dma_wait3A_497 : memref<1x80x32xf32, #tpu.memory_space<vmem>> -> memref<80x32xf32, #tpu.memory_space<vmem>>
      %dma_wait3A_499 = arith.constant 0 : i32
      %dma_wait3A_500 = tpu.memref_slice %arg7[%rem3A_61, %dma_wait3A_494, %dma_wait3A_499] : memref<2x10x80xi32, #tpu.memory_space<vmem>> -> memref<1x1x80xi32, #tpu.memory_space<vmem>>
      %dma_wait3A_501 = tpu.memref_squeeze %dma_wait3A_500 : memref<1x1x80xi32, #tpu.memory_space<vmem>> -> memref<80xi32, #tpu.memory_space<vmem>>
      %dma_wait3A_502 = arith.constant 0 : i32
      %dma_wait3A_503 = arith.constant 0 : i32
      %dma_wait3A_504 = tpu.memref_slice %arg10[%dma_wait3A_502, %dma_wait3A_503] : memref<10000x32xf32, #tpu.memory_space<vmem_shared>> -> memref<10000x32xf32, #tpu.memory_space<vmem_shared>>
      tpu.wait_indirect_dma semaphore(%arg12 : memref<!tpu.dma_semaphore, #tpu.memory_space<semaphore_mem>>) src(%dma_wait3A_498 : memref<80x32xf32, #tpu.memory_space<vmem>>) dst(%dma_wait3A_504 : memref<10000x32xf32, #tpu.memory_space<vmem_shared>>)
      %dma_wait3A_505 = arith.constant 4 : i32
      %dma_wait3A_506 = arith.constant 4 : i32
      %dma_wait3A_507 = arith.constant 0 : i32
      %dma_wait3A_508 = arith.constant 0 : i32
      %dma_wait3A_509 = tpu.memref_slice %arg8[%dma_wait3A_505, %dma_wait3A_507, %dma_wait3A_508] : memref<10x80x32xf32, #tpu.memory_space<vmem>> -> memref<1x80x32xf32, #tpu.memory_space<vmem>>
      %dma_wait3A_510 = tpu.memref_squeeze %dma_wait3A_509 : memref<1x80x32xf32, #tpu.memory_space<vmem>> -> memref<80x32xf32, #tpu.memory_space<vmem>>
      %dma_wait3A_511 = arith.constant 0 : i32
      %dma_wait3A_512 = tpu.memref_slice %arg7[%rem3A_61, %dma_wait3A_506, %dma_wait3A_511] : memref<2x10x80xi32, #tpu.memory_space<vmem>> -> memref<1x1x80xi32, #tpu.memory_space<vmem>>
      %dma_wait3A_513 = tpu.memref_squeeze %dma_wait3A_512 : memref<1x1x80xi32, #tpu.memory_space<vmem>> -> memref<80xi32, #tpu.memory_space<vmem>>
      %dma_wait3A_514 = arith.constant 0 : i32
      %dma_wait3A_515 = arith.constant 0 : i32
      %dma_wait3A_516 = tpu.memref_slice %arg10[%dma_wait3A_514, %dma_wait3A_515] : memref<10000x32xf32, #tpu.memory_space<vmem_shared>> -> memref<10000x32xf32, #tpu.memory_space<vmem_shared>>
      tpu.wait_indirect_dma semaphore(%arg12 : memref<!tpu.dma_semaphore, #tpu.memory_space<semaphore_mem>>) src(%dma_wait3A_510 : memref<80x32xf32, #tpu.memory_space<vmem>>) dst(%dma_wait3A_516 : memref<10000x32xf32, #tpu.memory_space<vmem_shared>>)
      %dma_wait3A_517 = arith.constant 5 : i32
      %dma_wait3A_518 = arith.constant 5 : i32
      %dma_wait3A_519 = arith.constant 0 : i32
      %dma_wait3A_520 = arith.constant 0 : i32
      %dma_wait3A_521 = tpu.memref_slice %arg8[%dma_wait3A_517, %dma_wait3A_519, %dma_wait3A_520] : memref<10x80x32xf32, #tpu.memory_space<vmem>> -> memref<1x80x32xf32, #tpu.memory_space<vmem>>
      %dma_wait3A_522 = tpu.memref_squeeze %dma_wait3A_521 : memref<1x80x32xf32, #tpu.memory_space<vmem>> -> memref<80x32xf32, #tpu.memory_space<vmem>>
      %dma_wait3A_523 = arith.constant 0 : i32
      %dma_wait3A_524 = tpu.memref_slice %arg7[%rem3A_61, %dma_wait3A_518, %dma_wait3A_523] : memref<2x10x80xi32, #tpu.memory_space<vmem>> -> memref<1x1x80xi32, #tpu.memory_space<vmem>>
      %dma_wait3A_525 = tpu.memref_squeeze %dma_wait3A_524 : memref<1x1x80xi32, #tpu.memory_space<vmem>> -> memref<80xi32, #tpu.memory_space<vmem>>
      %dma_wait3A_526 = arith.constant 0 : i32
      %dma_wait3A_527 = arith.constant 0 : i32
      %dma_wait3A_528 = tpu.memref_slice %arg10[%dma_wait3A_526, %dma_wait3A_527] : memref<10000x32xf32, #tpu.memory_space<vmem_shared>> -> memref<10000x32xf32, #tpu.memory_space<vmem_shared>>
      tpu.wait_indirect_dma semaphore(%arg12 : memref<!tpu.dma_semaphore, #tpu.memory_space<semaphore_mem>>) src(%dma_wait3A_522 : memref<80x32xf32, #tpu.memory_space<vmem>>) dst(%dma_wait3A_528 : memref<10000x32xf32, #tpu.memory_space<vmem_shared>>)
      %dma_wait3A_529 = arith.constant 6 : i32
      %dma_wait3A_530 = arith.constant 6 : i32
      %dma_wait3A_531 = arith.constant 0 : i32
      %dma_wait3A_532 = arith.constant 0 : i32
      %dma_wait3A_533 = tpu.memref_slice %arg8[%dma_wait3A_529, %dma_wait3A_531, %dma_wait3A_532] : memref<10x80x32xf32, #tpu.memory_space<vmem>> -> memref<1x80x32xf32, #tpu.memory_space<vmem>>
      %dma_wait3A_534 = tpu.memref_squeeze %dma_wait3A_533 : memref<1x80x32xf32, #tpu.memory_space<vmem>> -> memref<80x32xf32, #tpu.memory_space<vmem>>
      %dma_wait3A_535 = arith.constant 0 : i32
      %dma_wait3A_536 = tpu.memref_slice %arg7[%rem3A_61, %dma_wait3A_530, %dma_wait3A_535] : memref<2x10x80xi32, #tpu.memory_space<vmem>> -> memref<1x1x80xi32, #tpu.memory_space<vmem>>
      %dma_wait3A_537 = tpu.memref_squeeze %dma_wait3A_536 : memref<1x1x80xi32, #tpu.memory_space<vmem>> -> memref<80xi32, #tpu.memory_space<vmem>>
      %dma_wait3A_538 = arith.constant 0 : i32
      %dma_wait3A_539 = arith.constant 0 : i32
      %dma_wait3A_540 = tpu.memref_slice %arg10[%dma_wait3A_538, %dma_wait3A_539] : memref<10000x32xf32, #tpu.memory_space<vmem_shared>> -> memref<10000x32xf32, #tpu.memory_space<vmem_shared>>
      tpu.wait_indirect_dma semaphore(%arg12 : memref<!tpu.dma_semaphore, #tpu.memory_space<semaphore_mem>>) src(%dma_wait3A_534 : memref<80x32xf32, #tpu.memory_space<vmem>>) dst(%dma_wait3A_540 : memref<10000x32xf32, #tpu.memory_space<vmem_shared>>)
      %dma_wait3A_541 = arith.constant 7 : i32
      %dma_wait3A_542 = arith.constant 7 : i32
      %dma_wait3A_543 = arith.constant 0 : i32
      %dma_wait3A_544 = arith.constant 0 : i32
      %dma_wait3A_545 = tpu.memref_slice %arg8[%dma_wait3A_541, %dma_wait3A_543, %dma_wait3A_544] : memref<10x80x32xf32, #tpu.memory_space<vmem>> -> memref<1x80x32xf32, #tpu.memory_space<vmem>>
      %dma_wait3A_546 = tpu.memref_squeeze %dma_wait3A_545 : memref<1x80x32xf32, #tpu.memory_space<vmem>> -> memref<80x32xf32, #tpu.memory_space<vmem>>
      %dma_wait3A_547 = arith.constant 0 : i32
      %dma_wait3A_548 = tpu.memref_slice %arg7[%rem3A_61, %dma_wait3A_542, %dma_wait3A_547] : memref<2x10x80xi32, #tpu.memory_space<vmem>> -> memref<1x1x80xi32, #tpu.memory_space<vmem>>
      %dma_wait3A_549 = tpu.memref_squeeze %dma_wait3A_548 : memref<1x1x80xi32, #tpu.memory_space<vmem>> -> memref<80xi32, #tpu.memory_space<vmem>>
      %dma_wait3A_550 = arith.constant 0 : i32
      %dma_wait3A_551 = arith.constant 0 : i32
      %dma_wait3A_552 = tpu.memref_slice %arg10[%dma_wait3A_550, %dma_wait3A_551] : memref<10000x32xf32, #tpu.memory_space<vmem_shared>> -> memref<10000x32xf32, #tpu.memory_space<vmem_shared>>
      tpu.wait_indirect_dma semaphore(%arg12 : memref<!tpu.dma_semaphore, #tpu.memory_space<semaphore_mem>>) src(%dma_wait3A_546 : memref<80x32xf32, #tpu.memory_space<vmem>>) dst(%dma_wait3A_552 : memref<10000x32xf32, #tpu.memory_space<vmem_shared>>)
      %dma_wait3A_553 = arith.constant 8 : i32
      %dma_wait3A_554 = arith.constant 8 : i32
      %dma_wait3A_555 = arith.constant 0 : i32
      %dma_wait3A_556 = arith.constant 0 : i32
      %dma_wait3A_557 = tpu.memref_slice %arg8[%dma_wait3A_553, %dma_wait3A_555, %dma_wait3A_556] : memref<10x80x32xf32, #tpu.memory_space<vmem>> -> memref<1x80x32xf32, #tpu.memory_space<vmem>>
      %dma_wait3A_558 = tpu.memref_squeeze %dma_wait3A_557 : memref<1x80x32xf32, #tpu.memory_space<vmem>> -> memref<80x32xf32, #tpu.memory_space<vmem>>
      %dma_wait3A_559 = arith.constant 0 : i32
      %dma_wait3A_560 = tpu.memref_slice %arg7[%rem3A_61, %dma_wait3A_554, %dma_wait3A_559] : memref<2x10x80xi32, #tpu.memory_space<vmem>> -> memref<1x1x80xi32, #tpu.memory_space<vmem>>
      %dma_wait3A_561 = tpu.memref_squeeze %dma_wait3A_560 : memref<1x1x80xi32, #tpu.memory_space<vmem>> -> memref<80xi32, #tpu.memory_space<vmem>>
      %dma_wait3A_562 = arith.constant 0 : i32
      %dma_wait3A_563 = arith.constant 0 : i32
      %dma_wait3A_564 = tpu.memref_slice %arg10[%dma_wait3A_562, %dma_wait3A_563] : memref<10000x32xf32, #tpu.memory_space<vmem_shared>> -> memref<10000x32xf32, #tpu.memory_space<vmem_shared>>
      tpu.wait_indirect_dma semaphore(%arg12 : memref<!tpu.dma_semaphore, #tpu.memory_space<semaphore_mem>>) src(%dma_wait3A_558 : memref<80x32xf32, #tpu.memory_space<vmem>>) dst(%dma_wait3A_564 : memref<10000x32xf32, #tpu.memory_space<vmem_shared>>)
      %dma_wait3A_565 = arith.constant 9 : i32
      %dma_wait3A_566 = arith.constant 9 : i32
      %dma_wait3A_567 = arith.constant 0 : i32
      %dma_wait3A_568 = arith.constant 0 : i32
      %dma_wait3A_569 = tpu.memref_slice %arg8[%dma_wait3A_565, %dma_wait3A_567, %dma_wait3A_568] : memref<10x80x32xf32, #tpu.memory_space<vmem>> -> memref<1x80x32xf32, #tpu.memory_space<vmem>>
      %dma_wait3A_570 = tpu.memref_squeeze %dma_wait3A_569 : memref<1x80x32xf32, #tpu.memory_space<vmem>> -> memref<80x32xf32, #tpu.memory_space<vmem>>
      %dma_wait3A_571 = arith.constant 0 : i32
      %dma_wait3A_572 = tpu.memref_slice %arg7[%rem3A_61, %dma_wait3A_566, %dma_wait3A_571] : memref<2x10x80xi32, #tpu.memory_space<vmem>> -> memref<1x1x80xi32, #tpu.memory_space<vmem>>
      %dma_wait3A_573 = tpu.memref_squeeze %dma_wait3A_572 : memref<1x1x80xi32, #tpu.memory_space<vmem>> -> memref<80xi32, #tpu.memory_space<vmem>>
      %dma_wait3A_574 = arith.constant 0 : i32
      %dma_wait3A_575 = arith.constant 0 : i32
      %dma_wait3A_576 = tpu.memref_slice %arg10[%dma_wait3A_574, %dma_wait3A_575] : memref<10000x32xf32, #tpu.memory_space<vmem_shared>> -> memref<10000x32xf32, #tpu.memory_space<vmem_shared>>
      tpu.wait_indirect_dma semaphore(%arg12 : memref<!tpu.dma_semaphore, #tpu.memory_space<semaphore_mem>>) src(%dma_wait3A_570 : memref<80x32xf32, #tpu.memory_space<vmem>>) dst(%dma_wait3A_576 : memref<10000x32xf32, #tpu.memory_space<vmem_shared>>)
    }
    %scan3A_52 = arith.constant 25 : i32
    %barrier3A_53 = arith.constant 0 : index
    tpu.barrier barrier_id(%barrier3A_53)
    %scan3A_54 = arith.constant 0 : i32
    %scan3A_55 = arith.constant 0 : i32
    %scan3A_56 = arith.constant 4 : i32
    %scan3A_57 = arith.addi %scan3A_55, %scan3A_56 : i32
    %scan3A_58 = arith.constant 1 : i32
    scf.for %scan3A_60 = %scan3A_55 to %scan3A_57 step %scan3A_58  : i32 {
      %mul3A_61 = arith.constant 16 : i32
      %mul3A_62 = arith.muli %scan3A_60, %mul3A_61 : i32
      %add3A_63 = arith.addi %arg1, %mul3A_62 : i32
      %lt3A = arith.constant 50 : i32
      %lt3A_64 = arith.cmpi slt, %add3A_63, %lt3A : i32
      %convert_element_type3A = arith.extui %lt3A_64 : i1 to i32
      %cond3A = arith.constant 0 : i32
      %cond3A_65 = arith.cmpi ne, %convert_element_type3A, %cond3A : i32
      scf.if %cond3A_65 {
        %mul3A_66 = arith.constant 200 : i32
        %mul3A_67 = arith.muli %add3A_63, %mul3A_66 : i32
        %mul3A_68 = arith.constant 10000 : i32
        %mul3A_69 = arith.muli %arg0, %mul3A_68 : i32
        %mul3A_70 = arith.constant 200 : i32
        %mul3A_71 = arith.muli %add3A_63, %mul3A_70 : i32
        %add3A_72 = arith.addi %mul3A_69, %mul3A_71 : i32
        "tpu.region"() ({
          %run_scoped3A = tpu.sem_alloc : memref<!tpu.dma_semaphore, #tpu.memory_space<semaphore_mem>>
          %dma_start3A_73 = arith.constant 0 : i32
          %dma_start3A_74 = tpu.memref_slice %arg5[%add3A_72, %dma_start3A_73] : memref<20000x32xf32, #tpu.memory_space<hbm>> -> memref<200x32xf32, #tpu.memory_space<hbm>>
          %dma_start3A_75 = arith.constant 0 : i32
          %dma_start3A_76 = tpu.memref_slice %arg10[%mul3A_67, %dma_start3A_75] : memref<10000x32xf32, #tpu.memory_space<vmem_shared>> -> memref<200x32xf32, #tpu.memory_space<vmem_shared>>
          tpu.enqueue_dma source(%dma_start3A_76 : memref<200x32xf32, #tpu.memory_space<vmem_shared>>) target(%dma_start3A_74 : memref<200x32xf32, #tpu.memory_space<hbm>>) target_semaphore(%run_scoped3A : memref<!tpu.dma_semaphore, #tpu.memory_space<semaphore_mem>>)
          %dma_wait3A = arith.constant 0 : i32
          %dma_wait3A_77 = tpu.memref_slice %arg5[%add3A_72, %dma_wait3A] : memref<20000x32xf32, #tpu.memory_space<hbm>> -> memref<200x32xf32, #tpu.memory_space<hbm>>
          %dma_wait3A_78 = arith.constant 0 : i32
          %dma_wait3A_79 = tpu.memref_slice %arg10[%mul3A_67, %dma_wait3A_78] : memref<10000x32xf32, #tpu.memory_space<vmem_shared>> -> memref<200x32xf32, #tpu.memory_space<vmem_shared>>
          tpu.wait_dma2 semaphore(%run_scoped3A : memref<!tpu.dma_semaphore, #tpu.memory_space<semaphore_mem>>) src(%dma_wait3A_79 : memref<200x32xf32, #tpu.memory_space<vmem_shared>>) dst(%dma_wait3A_77 : memref<200x32xf32, #tpu.memory_space<hbm>>)
          tpu.yield
        }) : () -> ()
      } else {
      }
    }
    %scan3A_59 = arith.constant 4 : i32
    return
  }
}

module attributes {stable_mosaic.version = 14 : i64} {
  func.func @body(%arg0: i32, %arg1: memref<2000x128xf32, #tpu.memory_space<vmem>>, %arg2: memref<128x128xf32, #tpu.memory_space<vmem>>, %arg3: memref<2x2000x64xf32, #tpu.memory_space<vmem>>) attributes {dimension_semantics = [#tpu.dimension_semantics<arbitrary>], iteration_bounds = array<i64: 5>, scalar_prefetch = 0 : i64, scratch_operands = 0 : i64, tpu.core_type = #tpu.core_type<tc>, window_params = [{transform_indices = @transform_0, window_bounds = array<i64: 2000, 128>}, {pipeline_mode = #tpu.pipeline_mode<synchronous>, transform_indices = @transform_1, window_bounds = array<i64: 128, 128>}, {transform_indices = @transform_2, window_bounds = array<i64: 2, 2000, 64>}]} {
    %get3A = arith.constant 0 : index
    %get3A_0 = arith.constant 0 : index
    %get3A_1 = vector.load %arg1[%get3A, %get3A_0] : memref<2000x128xf32, #tpu.memory_space<vmem>>, vector<2000x128xf32>
    %get3A_2 = arith.constant 0 : index
    %get3A_3 = arith.constant 0 : index
    %get3A_4 = vector.load %arg2[%get3A_2, %get3A_3] : memref<128x128xf32, #tpu.memory_space<vmem>>, vector<128x128xf32>
    %dot_general3A = arith.constant dense<0.000000e+00> : vector<2000x128xf32>
    %dot_general3A_5 = tpu.matmul %get3A_1, %get3A_4, %dot_general3A {dimension_numbers = #tpu.dot_dimension_numbers<[1], [0], [0], [1], [0, 0, 1, 1], [], []>, transpose_lhs_hint = false} : vector<2000x128xf32>, vector<128x128xf32>, vector<2000x128xf32> -> vector<2000x128xf32>
    %slice3A = vector.extract_strided_slice %dot_general3A_5 {offsets = [0, 0], sizes = [2000, 64], strides = [1, 1]} : vector<2000x128xf32> to vector<2000x64xf32>
    %swap3A = arith.constant 0 : index
    %swap3A_6 = arith.constant 0 : index
    %swap3A_7 = arith.constant 0 : index
    %swap3A_8 = vector.load %arg3[%swap3A, %swap3A_6, %swap3A_7] : memref<2x2000x64xf32, #tpu.memory_space<vmem>>, vector<1x2000x64xf32>
    %swap3A_9 = vector.shape_cast %swap3A_8 : vector<1x2000x64xf32> to vector<2000x64xf32>
    %swap3A_10 = vector.shape_cast %slice3A : vector<2000x64xf32> to vector<1x2000x64xf32>
    tpu.vector_store %arg3[%swap3A, %swap3A_6, %swap3A_7], %swap3A_10 {strides = array<i32>} : memref<2x2000x64xf32, #tpu.memory_space<vmem>>, vector<1x2000x64xf32>,
    %slice3A_11 = vector.extract_strided_slice %dot_general3A_5 {offsets = [0, 64], sizes = [2000, 64], strides = [1, 1]} : vector<2000x128xf32> to vector<2000x64xf32>
    %swap3A_12 = arith.constant 1 : index
    %swap3A_13 = arith.constant 0 : index
    %swap3A_14 = arith.constant 0 : index
    %swap3A_15 = vector.load %arg3[%swap3A_12, %swap3A_13, %swap3A_14] : memref<2x2000x64xf32, #tpu.memory_space<vmem>>, vector<1x2000x64xf32>
    %swap3A_16 = vector.shape_cast %swap3A_15 : vector<1x2000x64xf32> to vector<2000x64xf32>
    %swap3A_17 = vector.shape_cast %slice3A_11 : vector<2000x64xf32> to vector<1x2000x64xf32>
    tpu.vector_store %arg3[%swap3A_12, %swap3A_13, %swap3A_14], %swap3A_17 {strides = array<i32>} : memref<2x2000x64xf32, #tpu.memory_space<vmem>>, vector<1x2000x64xf32>,
    return
  }
  func.func @transform_0(%arg0: i32) -> (i32, i32) {
    %c0_i32 = arith.constant 0 : i32
    %c0_i32_0 = arith.constant 0 : i32
    return %arg0, %c0_i32 : i32, i32
  }
  func.func @transform_1(%arg0: i32) -> (i32, i32) {
    %c0_i32 = arith.constant 0 : i32
    %c0_i32_0 = arith.constant 0 : i32
    %c0_i32_1 = arith.constant 0 : i32
    return %c0_i32, %c0_i32_0 : i32, i32
  }
  func.func @transform_2(%arg0: i32) -> (i32, i32, i32) {
    %c0_i32 = arith.constant 0 : i32
    %c0_i32_0 = arith.constant 0 : i32
    %c0_i32_1 = arith.constant 0 : i32
    return %c0_i32, %arg0, %c0_i32_0 : i32, i32, i32
  }
}

module attributes {stable_mosaic.version = 14 : i64} {
  func.func @body(%arg0: i32, %arg1: memref<2x2000x64xf32, #tpu.memory_space<vmem>>, %arg2: memref<2x2000x64xf32, #tpu.memory_space<vmem>>, %arg3: memref<1x128xf32, #tpu.memory_space<vmem>>, %arg4: memref<128x64xf32, #tpu.memory_space<vmem>>, %arg5: memref<2x2000x32xf32, #tpu.memory_space<vmem>>) attributes {dimension_semantics = [#tpu.dimension_semantics<arbitrary>], iteration_bounds = array<i64: 5>, scalar_prefetch = 0 : i64, scratch_operands = 0 : i64, tpu.core_type = #tpu.core_type<tc>, window_params = [{transform_indices = @transform_0, window_bounds = array<i64: 2, 2000, 64>}, {transform_indices = @transform_1, window_bounds = array<i64: 2, 2000, 64>}, {pipeline_mode = #tpu.pipeline_mode<synchronous>, transform_indices = @transform_2, window_bounds = array<i64: 1, 128>}, {pipeline_mode = #tpu.pipeline_mode<synchronous>, transform_indices = @transform_3, window_bounds = array<i64: 128, 64>}, {transform_indices = @transform_4, window_bounds = array<i64: 2, 2000, 32>}]} {
    %get3A = arith.constant 0 : index
    %get3A_0 = arith.constant 0 : index
    %get3A_1 = arith.constant 0 : index
    %get3A_2 = vector.load %arg1[%get3A, %get3A_0, %get3A_1] : memref<2x2000x64xf32, #tpu.memory_space<vmem>>, vector<1x2000x64xf32>
    %get3A_3 = vector.shape_cast %get3A_2 : vector<1x2000x64xf32> to vector<2000x64xf32>
    %get3A_4 = arith.constant 0 : index
    %get3A_5 = arith.constant 0 : index
    %get3A_6 = arith.constant 0 : index
    %get3A_7 = vector.load %arg2[%get3A_4, %get3A_5, %get3A_6] : memref<2x2000x64xf32, #tpu.memory_space<vmem>>, vector<1x2000x64xf32>
    %get3A_8 = vector.shape_cast %get3A_7 : vector<1x2000x64xf32> to vector<2000x64xf32>
    %add3A = arith.addf %get3A_3, %get3A_8 : vector<2000x64xf32>
    %get3A_9 = arith.constant 1 : index
    %get3A_10 = arith.constant 0 : index
    %get3A_11 = arith.constant 0 : index
    %get3A_12 = vector.load %arg1[%get3A_9, %get3A_10, %get3A_11] : memref<2x2000x64xf32, #tpu.memory_space<vmem>>, vector<1x2000x64xf32>
    %get3A_13 = vector.shape_cast %get3A_12 : vector<1x2000x64xf32> to vector<2000x64xf32>
    %get3A_14 = arith.constant 1 : index
    %get3A_15 = arith.constant 0 : index
    %get3A_16 = arith.constant 0 : index
    %get3A_17 = vector.load %arg2[%get3A_14, %get3A_15, %get3A_16] : memref<2x2000x64xf32, #tpu.memory_space<vmem>>, vector<1x2000x64xf32>
    %get3A_18 = vector.shape_cast %get3A_17 : vector<1x2000x64xf32> to vector<2000x64xf32>
    %add3A_19 = arith.addf %get3A_13, %get3A_18 : vector<2000x64xf32>
    %concatenate3A = tpu.concatenate %add3A, %add3A_19 in 1 : vector<2000x64xf32>, vector<2000x64xf32> -> vector<2000x128xf32>
    %get3A_20 = arith.constant 0 : index
    %get3A_21 = arith.constant 0 : index
    %get3A_22 = vector.load %arg3[%get3A_20, %get3A_21] : memref<1x128xf32, #tpu.memory_space<vmem>>, vector<1x128xf32>
    %add3A_23 = vector.broadcast %get3A_22 : vector<1x128xf32> to vector<2000x128xf32>
    %add3A_24 = arith.addf %concatenate3A, %add3A_23 : vector<2000x128xf32>
    %max3A = arith.constant 0.000000e+00 : f32
    %max3A_25 = vector.broadcast %max3A : f32 to vector<2000x128xf32>
    %max3A_26 = arith.maximumf %add3A_24, %max3A_25 : vector<2000x128xf32>
    %get3A_27 = arith.constant 0 : index
    %get3A_28 = arith.constant 0 : index
    %get3A_29 = vector.load %arg4[%get3A_27, %get3A_28] : memref<128x64xf32, #tpu.memory_space<vmem>>, vector<128x64xf32>
    %dot_general3A = arith.constant dense<0.000000e+00> : vector<2000x64xf32>
    %dot_general3A_30 = tpu.matmul %max3A_26, %get3A_29, %dot_general3A {dimension_numbers = #tpu.dot_dimension_numbers<[1], [0], [0], [1], [0, 0, 1, 1], [], []>, transpose_lhs_hint = false} : vector<2000x128xf32>, vector<128x64xf32>, vector<2000x64xf32> -> vector<2000x64xf32>
    %slice3A = vector.extract_strided_slice %dot_general3A_30 {offsets = [0, 0], sizes = [2000, 32], strides = [1, 1]} : vector<2000x64xf32> to vector<2000x32xf32>
    %swap3A = arith.constant 0 : index
    %swap3A_31 = arith.constant 0 : index
    %swap3A_32 = arith.constant 0 : index
    %swap3A_33 = vector.load %arg5[%swap3A, %swap3A_31, %swap3A_32] : memref<2x2000x32xf32, #tpu.memory_space<vmem>>, vector<1x2000x32xf32>
    %swap3A_34 = vector.shape_cast %swap3A_33 : vector<1x2000x32xf32> to vector<2000x32xf32>
    %swap3A_35 = vector.shape_cast %slice3A : vector<2000x32xf32> to vector<1x2000x32xf32>
    tpu.vector_store %arg5[%swap3A, %swap3A_31, %swap3A_32], %swap3A_35 {strides = array<i32>} : memref<2x2000x32xf32, #tpu.memory_space<vmem>>, vector<1x2000x32xf32>,
    %slice3A_36 = vector.extract_strided_slice %dot_general3A_30 {offsets = [0, 32], sizes = [2000, 32], strides = [1, 1]} : vector<2000x64xf32> to vector<2000x32xf32>
    %swap3A_37 = arith.constant 1 : index
    %swap3A_38 = arith.constant 0 : index
    %swap3A_39 = arith.constant 0 : index
    %swap3A_40 = vector.load %arg5[%swap3A_37, %swap3A_38, %swap3A_39] : memref<2x2000x32xf32, #tpu.memory_space<vmem>>, vector<1x2000x32xf32>
    %swap3A_41 = vector.shape_cast %swap3A_40 : vector<1x2000x32xf32> to vector<2000x32xf32>
    %swap3A_42 = vector.shape_cast %slice3A_36 : vector<2000x32xf32> to vector<1x2000x32xf32>
    tpu.vector_store %arg5[%swap3A_37, %swap3A_38, %swap3A_39], %swap3A_42 {strides = array<i32>} : memref<2x2000x32xf32, #tpu.memory_space<vmem>>, vector<1x2000x32xf32>,
    return
  }
  func.func @transform_0(%arg0: i32) -> (i32, i32, i32) {
    %c0_i32 = arith.constant 0 : i32
    %c0_i32_0 = arith.constant 0 : i32
    %c0_i32_1 = arith.constant 0 : i32
    return %c0_i32, %arg0, %c0_i32_0 : i32, i32, i32
  }
  func.func @transform_1(%arg0: i32) -> (i32, i32, i32) {
    %c0_i32 = arith.constant 0 : i32
    %c0_i32_0 = arith.constant 0 : i32
    %c0_i32_1 = arith.constant 0 : i32
    return %c0_i32, %arg0, %c0_i32_0 : i32, i32, i32
  }
  func.func @transform_2(%arg0: i32) -> (i32, i32) {
    %c0_i32 = arith.constant 0 : i32
    %c0_i32_0 = arith.constant 0 : i32
    %c0_i32_1 = arith.constant 0 : i32
    return %c0_i32, %c0_i32_0 : i32, i32
  }
  func.func @transform_3(%arg0: i32) -> (i32, i32) {
    %c0_i32 = arith.constant 0 : i32
    %c0_i32_0 = arith.constant 0 : i32
    %c0_i32_1 = arith.constant 0 : i32
    return %c0_i32, %c0_i32_0 : i32, i32
  }
  func.func @transform_4(%arg0: i32) -> (i32, i32, i32) {
    %c0_i32 = arith.constant 0 : i32
    %c0_i32_0 = arith.constant 0 : i32
    %c0_i32_1 = arith.constant 0 : i32
    return %c0_i32, %arg0, %c0_i32_0 : i32, i32, i32
  }
}

module attributes {stable_mosaic.version = 14 : i64} {
  func.func @body(%arg0: i32, %arg1: memref<2x2000x32xf32, #tpu.memory_space<vmem>>, %arg2: memref<2x2000x32xf32, #tpu.memory_space<vmem>>, %arg3: memref<1x64xf32, #tpu.memory_space<vmem>>, %arg4: memref<2000x1xi32, #tpu.memory_space<vmem>>, %arg5: memref<2000x1xf32, #tpu.memory_space<vmem>>, %arg6: memref<2000x64xf32, #tpu.memory_space<vmem>>, %arg7: memref<1x128xf32, #tpu.memory_space<vmem>>) attributes {dimension_semantics = [#tpu.dimension_semantics<arbitrary>], iteration_bounds = array<i64: 5>, scalar_prefetch = 0 : i64, scratch_operands = 0 : i64, tpu.core_type = #tpu.core_type<tc>, window_params = [{transform_indices = @transform_0, window_bounds = array<i64: 2, 2000, 32>}, {transform_indices = @transform_1, window_bounds = array<i64: 2, 2000, 32>}, {pipeline_mode = #tpu.pipeline_mode<synchronous>, transform_indices = @transform_2, window_bounds = array<i64: 1, 64>}, {transform_indices = @transform_3, window_bounds = array<i64: 2000, 1>}, {transform_indices = @transform_4, window_bounds = array<i64: 2000, 1>}, {transform_indices = @transform_5, window_bounds = array<i64: 2000, 64>}, {pipeline_mode = #tpu.pipeline_mode<synchronous>, transform_indices = @transform_6, window_bounds = array<i64: 1, 128>}]} {
    %get3A = arith.constant 0 : index
    %get3A_0 = arith.constant 0 : index
    %get3A_1 = arith.constant 0 : index
    %get3A_2 = vector.load %arg1[%get3A, %get3A_0, %get3A_1] : memref<2x2000x32xf32, #tpu.memory_space<vmem>>, vector<1x2000x32xf32>
    %get3A_3 = vector.shape_cast %get3A_2 : vector<1x2000x32xf32> to vector<2000x32xf32>
    %get3A_4 = arith.constant 0 : index
    %get3A_5 = arith.constant 0 : index
    %get3A_6 = arith.constant 0 : index
    %get3A_7 = vector.load %arg2[%get3A_4, %get3A_5, %get3A_6] : memref<2x2000x32xf32, #tpu.memory_space<vmem>>, vector<1x2000x32xf32>
    %get3A_8 = vector.shape_cast %get3A_7 : vector<1x2000x32xf32> to vector<2000x32xf32>
    %add3A = arith.addf %get3A_3, %get3A_8 : vector<2000x32xf32>
    %get3A_9 = arith.constant 1 : index
    %get3A_10 = arith.constant 0 : index
    %get3A_11 = arith.constant 0 : index
    %get3A_12 = vector.load %arg1[%get3A_9, %get3A_10, %get3A_11] : memref<2x2000x32xf32, #tpu.memory_space<vmem>>, vector<1x2000x32xf32>
    %get3A_13 = vector.shape_cast %get3A_12 : vector<1x2000x32xf32> to vector<2000x32xf32>
    %get3A_14 = arith.constant 1 : index
    %get3A_15 = arith.constant 0 : index
    %get3A_16 = arith.constant 0 : index
    %get3A_17 = vector.load %arg2[%get3A_14, %get3A_15, %get3A_16] : memref<2x2000x32xf32, #tpu.memory_space<vmem>>, vector<1x2000x32xf32>
    %get3A_18 = vector.shape_cast %get3A_17 : vector<1x2000x32xf32> to vector<2000x32xf32>
    %add3A_19 = arith.addf %get3A_13, %get3A_18 : vector<2000x32xf32>
    %concatenate3A = tpu.concatenate %add3A, %add3A_19 in 1 : vector<2000x32xf32>, vector<2000x32xf32> -> vector<2000x64xf32>
    %get3A_20 = arith.constant 0 : index
    %get3A_21 = arith.constant 0 : index
    %get3A_22 = vector.load %arg3[%get3A_20, %get3A_21] : memref<1x64xf32, #tpu.memory_space<vmem>>, vector<1x64xf32>
    %add3A_23 = vector.broadcast %get3A_22 : vector<1x64xf32> to vector<2000x64xf32>
    %add3A_24 = arith.addf %concatenate3A, %add3A_23 : vector<2000x64xf32>
    %iota3A = tpu.iota {dimensions = array<i32: 1>} : vector<1x64xi32>
    %lt3A = arith.constant 40 : i32
    %lt3A_25 = vector.broadcast %lt3A : i32 to vector<1x64xi32>
    %lt3A_26 = arith.cmpi slt, %iota3A, %lt3A_25 : vector<1x64xi32>
    %jit3A = arith.constant -1.000000e+30 : f32
    %broadcast_in_dim3A = vector.shape_cast %lt3A_26 : vector<1x64xi1> to vector<1x64xi1>
    %broadcast_in_dim3A_27 = vector.broadcast %broadcast_in_dim3A : vector<1x64xi1> to vector<2000x64xi1>
    %broadcast_in_dim3A_28 = vector.broadcast %jit3A : f32 to vector<2000x64xf32>
    %select_n3A = arith.select %broadcast_in_dim3A_27, %add3A_24, %broadcast_in_dim3A_28 : vector<2000x64xi1>, vector<2000x64xf32>
    %reduce_max3A = arith.constant dense<0xFF800000> : vector<2000xf32>
    %reduce_max3A_29 = vector.multi_reduction <maximumf>, %select_n3A, %reduce_max3A [1] : vector<2000x64xf32> to vector<2000xf32>
    %broadcast_in_dim3A_30 = vector.shape_cast %reduce_max3A_29 : vector<2000xf32> to vector<2000x1xf32>
    %sub3A = vector.broadcast %broadcast_in_dim3A_30 : vector<2000x1xf32> to vector<2000x64xf32>
    %sub3A_31 = arith.subf %add3A_24, %sub3A : vector<2000x64xf32>
    %exp3A = math.exp %sub3A_31 : vector<2000x64xf32>
    %jit3A_32 = arith.constant 0.000000e+00 : f32
    %broadcast_in_dim3A_33 = vector.shape_cast %lt3A_26 : vector<1x64xi1> to vector<1x64xi1>
    %broadcast_in_dim3A_34 = vector.broadcast %broadcast_in_dim3A_33 : vector<1x64xi1> to vector<2000x64xi1>
    %broadcast_in_dim3A_35 = vector.broadcast %jit3A_32 : f32 to vector<2000x64xf32>
    %select_n3A_36 = arith.select %broadcast_in_dim3A_34, %exp3A, %broadcast_in_dim3A_35 : vector<2000x64xi1>, vector<2000x64xf32>
    %reduce_sum3A = arith.constant dense<0.000000e+00> : vector<2000xf32>
    %reduce_sum3A_37 = vector.multi_reduction <add>, %select_n3A_36, %reduce_sum3A [1] : vector<2000x64xf32> to vector<2000xf32>
    %broadcast_in_dim3A_38 = vector.shape_cast %reduce_sum3A_37 : vector<2000xf32> to vector<2000x1xf32>
    %log3A = math.log %broadcast_in_dim3A_38 : vector<2000x1xf32>
    %add3A_39 = arith.addf %log3A, %broadcast_in_dim3A_30 : vector<2000x1xf32>
    %sub3A_40 = vector.broadcast %add3A_39 : vector<2000x1xf32> to vector<2000x64xf32>
    %sub3A_41 = arith.subf %add3A_24, %sub3A_40 : vector<2000x64xf32>
    %swap3A = arith.constant 0 : index
    %swap3A_42 = arith.constant 0 : index
    %swap3A_43 = vector.load %arg6[%swap3A, %swap3A_42] : memref<2000x64xf32, #tpu.memory_space<vmem>>, vector<2000x64xf32>
    tpu.vector_store %arg6[%swap3A, %swap3A_42], %sub3A_41 {strides = array<i32>} : memref<2000x64xf32, #tpu.memory_space<vmem>>, vector<2000x64xf32>,
    %iota3A_44 = tpu.iota {dimensions = array<i32: 1>} : vector<2000x64xi32>
    %get3A_45 = arith.constant 0 : index
    %get3A_46 = arith.constant 0 : index
    %get3A_47 = vector.load %arg4[%get3A_45, %get3A_46] : memref<2000x1xi32, #tpu.memory_space<vmem>>, vector<2000x1xi32>
    %eq3A = vector.broadcast %get3A_47 : vector<2000x1xi32> to vector<2000x64xi32>
    %eq3A_48 = arith.cmpi eq, %iota3A_44, %eq3A : vector<2000x64xi32>
    %jit3A_49 = arith.constant 0.000000e+00 : f32
    %broadcast_in_dim3A_50 = vector.broadcast %jit3A_49 : f32 to vector<2000x64xf32>
    %select_n3A_51 = arith.select %eq3A_48, %sub3A_41, %broadcast_in_dim3A_50 : vector<2000x64xi1>, vector<2000x64xf32>
    %reduce_sum3A_52 = arith.constant dense<0.000000e+00> : vector<2000xf32>
    %reduce_sum3A_53 = vector.multi_reduction <add>, %select_n3A_51, %reduce_sum3A_52 [1] : vector<2000x64xf32> to vector<2000xf32>
    %broadcast_in_dim3A_54 = vector.shape_cast %reduce_sum3A_53 : vector<2000xf32> to vector<2000x1xf32>
    %get3A_55 = arith.constant 0 : index
    %get3A_56 = arith.constant 0 : index
    %get3A_57 = vector.load %arg5[%get3A_55, %get3A_56] : memref<2000x1xf32, #tpu.memory_space<vmem>>, vector<2000x1xf32>
    %mul3A = arith.mulf %broadcast_in_dim3A_54, %get3A_57 : vector<2000x1xf32>
    %reduce_sum3A_58 = vector.shape_cast %mul3A : vector<2000x1xf32> to vector<1x2000x1xf32>
    %reduce_sum3A_59 = arith.constant dense<0.000000e+00> : vector<1xf32>
    %reduce_sum3A_60 = vector.multi_reduction <add>, %reduce_sum3A_58, %reduce_sum3A_59 [1, 2] : vector<1x2000x1xf32> to vector<1xf32>
    %reduce_sum3A_61 = vector.shape_cast %reduce_sum3A_60 : vector<1xf32> to vector<1x1x1xf32>
    %reduce_sum3A_62 = vector.extract %reduce_sum3A_61[0, 0, 0] : f32 from vector<1x1x1xf32>
    %neg3A = arith.constant 0.000000e+00 : f32
    %neg3A_63 = arith.subf %neg3A, %reduce_sum3A_62 : f32
    %reduce_sum3A_64 = vector.shape_cast %get3A_57 : vector<2000x1xf32> to vector<1x2000x1xf32>
    %reduce_sum3A_65 = arith.constant dense<0.000000e+00> : vector<1xf32>
    %reduce_sum3A_66 = vector.multi_reduction <add>, %reduce_sum3A_64, %reduce_sum3A_65 [1, 2] : vector<1x2000x1xf32> to vector<1xf32>
    %reduce_sum3A_67 = vector.shape_cast %reduce_sum3A_66 : vector<1xf32> to vector<1x1x1xf32>
    %reduce_sum3A_68 = vector.extract %reduce_sum3A_67[0, 0, 0] : f32 from vector<1x1x1xf32>
    %iota3A_69 = tpu.iota {dimensions = array<i32: 1>} : vector<1x128xi32>
    %eq3A_70 = arith.constant 0 : i32
    %eq3A_71 = arith.cmpi eq, %arg0, %eq3A_70 : i32
    %convert_element_type3A = arith.extui %eq3A_71 : i1 to i32
    %cond3A = arith.constant 0 : i32
    %cond3A_72 = arith.cmpi ne, %convert_element_type3A, %cond3A : i32
    scf.if %cond3A_72 {
      %broadcast_in_dim3A_100 = arith.constant 0.000000e+00 : f32
      %broadcast_in_dim3A_101 = vector.broadcast %broadcast_in_dim3A_100 : f32 to vector<1x128xf32>
      %swap3A_102 = arith.constant 0 : index
      %swap3A_103 = arith.constant 0 : index
      %swap3A_104 = vector.load %arg7[%swap3A_102, %swap3A_103] : memref<1x128xf32, #tpu.memory_space<vmem>>, vector<1x128xf32>
      tpu.vector_store %arg7[%swap3A_102, %swap3A_103], %broadcast_in_dim3A_101 {strides = array<i32>} : memref<1x128xf32, #tpu.memory_space<vmem>>, vector<1x128xf32>,
    } else {
    }
    %get3A_73 = arith.constant 0 : index
    %get3A_74 = arith.constant 0 : index
    %get3A_75 = vector.load %arg7[%get3A_73, %get3A_74] : memref<1x128xf32, #tpu.memory_space<vmem>>, vector<1x128xf32>
    %eq3A_76 = arith.constant 0 : i32
    %eq3A_77 = vector.broadcast %eq3A_76 : i32 to vector<1x128xi32>
    %eq3A_78 = arith.cmpi eq, %iota3A_69, %eq3A_77 : vector<1x128xi32>
    %jit3A_79 = arith.constant 0.000000e+00 : f32
    %broadcast_in_dim3A_80 = vector.broadcast %neg3A_63 : f32 to vector<1x128xf32>
    %broadcast_in_dim3A_81 = vector.broadcast %jit3A_79 : f32 to vector<1x128xf32>
    %select_n3A_82 = arith.select %eq3A_78, %broadcast_in_dim3A_80, %broadcast_in_dim3A_81 : vector<1x128xi1>, vector<1x128xf32>
    %eq3A_83 = arith.constant 1 : i32
    %eq3A_84 = vector.broadcast %eq3A_83 : i32 to vector<1x128xi32>
    %eq3A_85 = arith.cmpi eq, %iota3A_69, %eq3A_84 : vector<1x128xi32>
    %jit3A_86 = arith.constant 0.000000e+00 : f32
    %broadcast_in_dim3A_87 = vector.broadcast %reduce_sum3A_68 : f32 to vector<1x128xf32>
    %broadcast_in_dim3A_88 = vector.broadcast %jit3A_86 : f32 to vector<1x128xf32>
    %select_n3A_89 = arith.select %eq3A_85, %broadcast_in_dim3A_87, %broadcast_in_dim3A_88 : vector<1x128xi1>, vector<1x128xf32>
    %add3A_90 = arith.addf %select_n3A_82, %select_n3A_89 : vector<1x128xf32>
    %add3A_91 = arith.addf %get3A_75, %add3A_90 : vector<1x128xf32>
    %swap3A_92 = arith.constant 0 : index
    %swap3A_93 = arith.constant 0 : index
    %swap3A_94 = vector.load %arg7[%swap3A_92, %swap3A_93] : memref<1x128xf32, #tpu.memory_space<vmem>>, vector<1x128xf32>
    tpu.vector_store %arg7[%swap3A_92, %swap3A_93], %add3A_91 {strides = array<i32>} : memref<1x128xf32, #tpu.memory_space<vmem>>, vector<1x128xf32>,
    %eq3A_95 = arith.constant 4 : i32
    %eq3A_96 = arith.cmpi eq, %arg0, %eq3A_95 : i32
    %convert_element_type3A_97 = arith.extui %eq3A_96 : i1 to i32
    %cond3A_98 = arith.constant 0 : i32
    %cond3A_99 = arith.cmpi ne, %convert_element_type3A_97, %cond3A_98 : i32
    scf.if %cond3A_99 {
      %get3A_100 = arith.constant 0 : index
      %get3A_101 = arith.constant 0 : index
      %get3A_102 = vector.load %arg7[%get3A_100, %get3A_101] : memref<1x128xf32, #tpu.memory_space<vmem>>, vector<1x128xf32>
      %eq3A_103 = arith.constant 0 : i32
      %eq3A_104 = vector.broadcast %eq3A_103 : i32 to vector<1x128xi32>
      %eq3A_105 = arith.cmpi eq, %iota3A_69, %eq3A_104 : vector<1x128xi32>
      %jit3A_106 = arith.constant 0.000000e+00 : f32
      %broadcast_in_dim3A_107 = vector.broadcast %jit3A_106 : f32 to vector<1x128xf32>
      %select_n3A_108 = arith.select %eq3A_105, %get3A_102, %broadcast_in_dim3A_107 : vector<1x128xi1>, vector<1x128xf32>
      %reduce_sum3A_109 = vector.shape_cast %select_n3A_108 : vector<1x128xf32> to vector<1x1x128xf32>
      %reduce_sum3A_110 = arith.constant dense<0.000000e+00> : vector<1xf32>
      %reduce_sum3A_111 = vector.multi_reduction <add>, %reduce_sum3A_109, %reduce_sum3A_110 [1, 2] : vector<1x1x128xf32> to vector<1xf32>
      %reduce_sum3A_112 = vector.shape_cast %reduce_sum3A_111 : vector<1xf32> to vector<1x1x1xf32>
      %reduce_sum3A_113 = vector.extract %reduce_sum3A_112[0, 0, 0] : f32 from vector<1x1x1xf32>
      %eq3A_114 = arith.constant 1 : i32
      %eq3A_115 = vector.broadcast %eq3A_114 : i32 to vector<1x128xi32>
      %eq3A_116 = arith.cmpi eq, %iota3A_69, %eq3A_115 : vector<1x128xi32>
      %jit3A_117 = arith.constant 0.000000e+00 : f32
      %broadcast_in_dim3A_118 = vector.broadcast %jit3A_117 : f32 to vector<1x128xf32>
      %select_n3A_119 = arith.select %eq3A_116, %get3A_102, %broadcast_in_dim3A_118 : vector<1x128xi1>, vector<1x128xf32>
      %reduce_sum3A_120 = vector.shape_cast %select_n3A_119 : vector<1x128xf32> to vector<1x1x128xf32>
      %reduce_sum3A_121 = arith.constant dense<0.000000e+00> : vector<1xf32>
      %reduce_sum3A_122 = vector.multi_reduction <add>, %reduce_sum3A_120, %reduce_sum3A_121 [1, 2] : vector<1x1x128xf32> to vector<1xf32>
      %reduce_sum3A_123 = vector.shape_cast %reduce_sum3A_122 : vector<1xf32> to vector<1x1x1xf32>
      %reduce_sum3A_124 = vector.extract %reduce_sum3A_123[0, 0, 0] : f32 from vector<1x1x1xf32>
      %max3A = arith.constant 1.000000e+00 : f32
      %max3A_125 = arith.maximumf %reduce_sum3A_124, %max3A : f32
      %div3A = arith.divf %reduce_sum3A_113, %max3A_125 : f32
      %eq3A_126 = arith.constant 2 : i32
      %eq3A_127 = vector.broadcast %eq3A_126 : i32 to vector<1x128xi32>
      %eq3A_128 = arith.cmpi eq, %iota3A_69, %eq3A_127 : vector<1x128xi32>
      %jit3A_129 = arith.constant 0.000000e+00 : f32
      %broadcast_in_dim3A_130 = vector.broadcast %div3A : f32 to vector<1x128xf32>
      %broadcast_in_dim3A_131 = vector.broadcast %jit3A_129 : f32 to vector<1x128xf32>
      %select_n3A_132 = arith.select %eq3A_128, %broadcast_in_dim3A_130, %broadcast_in_dim3A_131 : vector<1x128xi1>, vector<1x128xf32>
      %add3A_133 = arith.addf %get3A_102, %select_n3A_132 : vector<1x128xf32>
      %swap3A_134 = arith.constant 0 : index
      %swap3A_135 = arith.constant 0 : index
      %swap3A_136 = vector.load %arg7[%swap3A_134, %swap3A_135] : memref<1x128xf32, #tpu.memory_space<vmem>>, vector<1x128xf32>
      tpu.vector_store %arg7[%swap3A_134, %swap3A_135], %add3A_133 {strides = array<i32>} : memref<1x128xf32, #tpu.memory_space<vmem>>, vector<1x128xf32>,
    } else {
    }
    return
  }
  func.func @transform_0(%arg0: i32) -> (i32, i32, i32) {
    %c0_i32 = arith.constant 0 : i32
    %c0_i32_0 = arith.constant 0 : i32
    %c0_i32_1 = arith.constant 0 : i32
    return %c0_i32, %arg0, %c0_i32_0 : i32, i32, i32
  }
  func.func @transform_1(%arg0: i32) -> (i32, i32, i32) {
    %c0_i32 = arith.constant 0 : i32
    %c0_i32_0 = arith.constant 0 : i32
    %c0_i32_1 = arith.constant 0 : i32
    return %c0_i32, %arg0, %c0_i32_0 : i32, i32, i32
  }
  func.func @transform_2(%arg0: i32) -> (i32, i32) {
    %c0_i32 = arith.constant 0 : i32
    %c0_i32_0 = arith.constant 0 : i32
    %c0_i32_1 = arith.constant 0 : i32
    return %c0_i32, %c0_i32_0 : i32, i32
  }
  func.func @transform_3(%arg0: i32) -> (i32, i32) {
    %c0_i32 = arith.constant 0 : i32
    %c0_i32_0 = arith.constant 0 : i32
    return %arg0, %c0_i32 : i32, i32
  }
  func.func @transform_4(%arg0: i32) -> (i32, i32) {
    %c0_i32 = arith.constant 0 : i32
    %c0_i32_0 = arith.constant 0 : i32
    return %arg0, %c0_i32 : i32, i32
  }
  func.func @transform_5(%arg0: i32) -> (i32, i32) {
    %c0_i32 = arith.constant 0 : i32
    %c0_i32_0 = arith.constant 0 : i32
    return %arg0, %c0_i32 : i32, i32
  }
  func.func @transform_6(%arg0: i32) -> (i32, i32) {
    %c0_i32 = arith.constant 0 : i32
    %c0_i32_0 = arith.constant 0 : i32
    %c0_i32_1 = arith.constant 0 : i32
    return %c0_i32, %c0_i32_0 : i32, i32
  }
}

</mosaic_0001>

<sc_bundles>
// kernel: kernel.10.cloned.1.call-start
scs
__scs_entry_jumppad:
0x0: {  	(pc) =	sbr.rel $0x88, $3  }
0x1: {  	(tag) =	ssettag $0x0;
	lr =	simm.s32 $0x1  }
0x2: {  	[smem:$0x3F99] =	sst lr;
	_ =	strace $0xD0000000  }
0x3: {  	_ = 	snop  }
0x4: {  	_ = 	snop  }
0x5: {  	_ = 	snop  }
0x6: {  	_ = 	snop  }
0x7: {  	_ = 	snop  }
__scs_overlays_trampoline_lowered:
0x8: {  	[smem:$0x3FA8] =	sst s0  }
0x9: {  	[smem:$0x3FA9] =	sst s1  }
0xa: {  	[smem:$0x3FAA] =	sst s2  }
0xb: {  	[smem:$0x3FAB] =	sst s3  }
0xc: {  	[smem:$0x3FAC] =	sst s4  }
0xd: {  	[smem:$0x3FAD] =	sst s5  }
0xe: {  	[smem:$0x3FAE] =	sst s6  }
0xf: {  	[smem:$0x3FAF] =	sst s7  }
0x10: {  	[smem:$0x3FB0] =	sst s8  }
0x11: {  	[smem:$0x3FB1] =	sst s9;
	s0 =	simm.s32 @!p0 $0x0  }
0x12: {  	s1 =	sld [smem:$0x3F97];
	s0 =	simm.s32 @p0 $0x1  }
0x13: {  	[smem:$0x3FB2] =	sst s0;
	s0 =	simm.s32 @!p1 $0x0  }
0x14: {  	s2 =	sld [smem:$0x3F96];
	s0 =	simm.s32 @p1 $0x1  }
0x15: {  	[smem:$0x3FB3] =	sst s0;
	s0 =	simm.s32 @!p2 $0x0  }
0x16: {  	s3 =	sld [smem:$0x3FDB];
	s0 =	simm.s32 @p2 $0x1  }
0x17: {  	s4 =	simm.s32 $0x1BF5;
	[smem:$0x3FB5] =	sst s0  }
0x18: {  	s0 =	sld [smem:$0x3F98];
	_ =	swait.ge [sflag:s4], $0x0  }
0x19: {  	s7 =	sld [smem:$0x3F99]  }
0x1a: {  	s8 =	sadd.s32 $0xFFFFE003, lr  }
0x1b: {  	s9 =	sadd.s32 $0xFFFFFEF7, lr;
	s5 =	simm.s32 $0xFFFFFFFF;
	p2 =	slt.u32 s8, $0xFFFFF086  }
0x1c: {  	p1 =	slt.u32 s9, $0xF7A;
	s5 =	simm.s32 @!p2 $0x0  }
0x1d: {  	s5 =	simm.s32 @p1 $0x1;
	p0 =	seq.s32 s7, s2  }
0x1e: {  	s7 =	smul.u32 @!p0 $0xF7A, s2;
	p2 =	seq.s32 @!p0 s5, $0x0  }
0x1f: {  	s9 =	smul.u32 $0xF7A, s1;
	s8 =	simm.s32 @!p0 $0x1BF5;
	p2 =	por !p2, p0  }
0x20: {  	[sflag:s8] =	ssyncset.s32 @!p0 $0xFFFFF086;
	s6 =	sadd.s32 @!p0 s3, s7;
	s7 =	simm.s32 @!p0 $0x108  }
0x21: {  	s3 =	sadd.s32 s3, s9;
	s6 =	sadd.s32 @!p0 $0x88, s6;
	s7 =	simm.s32 @p2 $0x1082  }
0x22: {  	[simem:s7], [sflag:s8] =	dma.local @!p0 [hbm:s6], $0xF7A  }
0x23: {  	s9 =	sor.u32 $0xD0000000, s2;
	s6 =	simm.s32 $0x108;
	_ =	swait.ge @!p0 [sflag:s8], $0x0  }
0x24: {  	s3 =	sadd.s32 $0x88, s3;
	s6 =	simm.s32 @!p1 $0x1082;
	[sflag:s4] =	ssyncset.s32 $0xFFFFF086  }
0x25: {  	[simem:s6], [sflag:s4] =	dma.local [hbm:s3], $0xF7A  }
0x26: {  	[smem:$0x3F99] =	sst s1;
	(tag) =	ssettag s2;
	_ =	strace s9  }
0x27: {  	s1 =	sld [smem:$0x3FA9]  }
0x28: {  	s2 =	sld [smem:$0x3FAA]  }
0x29: {  	s4 =	sld [smem:$0x3FAC]  }
0x2a: {  	p0 =	seq.s32 s5, $0x0;
	s5 =	sld [smem:$0x3FAD]  }
0x2b: {  	s6 =	sld [smem:$0x3FAE]  }
0x2c: {  	s7 =	sld [smem:$0x3FAF]  }
0x2d: {  	s3 =	simm.s32 $0x108;
	s8 =	sld [smem:$0x3FB0]  }
0x2e: {  	s3 =	simm.s32 @!p0 $0x1082;
	s9 =	sld [smem:$0x3FB1]  }
0x2f: {  	lr =	sadd.s32 s0, s3;
	s0 =	sld [smem:$0x3FA8]  }
0x30: {  	s3 =	sld [smem:$0x3FAB]  }
0x31: {  	[smem:$0x3FB4] =	sst s10  }
0x32: {  	s10 =	sld [smem:$0x3FB2];
	_ =	sdelay $0x3  }
0x33: {  	p0 =	seq.s32 s10, $0x1;
	s10 =	sld [smem:$0x3FB4];
	_ =	sdelay $0x3  }
0x34: {  	[smem:$0x3FB4] =	sst s10  }
0x35: {  	s10 =	sld [smem:$0x3FB3];
	_ =	sdelay $0x3  }
0x36: {  	p1 =	seq.s32 s10, $0x1;
	s10 =	sld [smem:$0x3FB4];
	_ =	sdelay $0x3  }
0x37: {  	[smem:$0x3FB4] =	sst s10  }
0x38: {  	s10 =	sld [smem:$0x3FB5]  }
0x39: {  	_ = 	snop;
	(pc) =	sbr.ind lr, $3  }
0x3a: {  	_ = 	snop  }
0x3b: {  	_ = 	snop  }
0x3c: {  	p2 =	seq.s32 s10, $0x1;
	s10 =	sld [smem:$0x3FB4]  }
0x3d: {  	_ =	shalt  }
0x3e: {  	_ =	shalt  }
0x3f: {  	_ =	shalt  }
0x40: {  	_ =	shalt  }
0x41: {  	_ =	shalt  }
0x42: {  	_ =	shalt  }
0x43: {  	_ =	shalt  }
0x44: {  	_ =	shalt  }
0x45: {  	_ =	shalt  }
0x46: {  	_ =	shalt  }
0x47: {  	_ =	shalt  }
0x48: {  	_ =	shalt  }
0x49: {  	_ =	shalt  }
0x4a: {  	_ =	shalt  }
0x4b: {  	_ =	shalt  }
0x4c: {  	_ =	shalt  }
0x4d: {  	_ =	shalt  }
0x4e: {  	_ =	shalt  }
0x4f: {  	_ =	shalt  }
0x50: {  	_ =	shalt  }
0x51: {  	_ =	shalt  }
0x52: {  	_ =	shalt  }
0x53: {  	_ =	shalt  }
0x54: {  	_ =	shalt  }
0x55: {  	_ =	shalt  }
0x56: {  	_ =	shalt  }
0x57: {  	_ =	shalt  }
0x58: {  	_ =	shalt  }
0x59: {  	_ =	shalt  }
0x5a: {  	_ =	shalt  }
0x5b: {  	_ =	shalt  }
0x5c: {  	_ =	shalt  }
0x5d: {  	_ =	shalt  }
0x5e: {  	_ =	shalt  }
0x5f: {  	_ =	shalt  }
0x60: {  	_ =	shalt  }
0x61: {  	_ =	shalt  }
0x62: {  	_ =	shalt  }
0x63: {  	_ =	shalt  }
0x64: {  	_ =	shalt  }
0x65: {  	_ =	shalt  }
0x66: {  	_ =	shalt  }
0x67: {  	_ =	shalt  }
0x68: {  	_ =	shalt  }
0x69: {  	_ =	shalt  }
0x6a: {  	_ =	shalt  }
0x6b: {  	_ =	shalt  }
0x6c: {  	_ =	shalt  }
0x6d: {  	_ =	shalt  }
0x6e: {  	_ =	shalt  }
0x6f: {  	_ =	shalt  }
0x70: {  	_ =	shalt  }
0x71: {  	_ =	shalt  }
0x72: {  	_ =	shalt  }
0x73: {  	_ =	shalt  }
0x74: {  	_ =	shalt  }
0x75: {  	_ =	shalt  }
0x76: {  	_ =	shalt  }
0x77: {  	_ =	shalt  }
0x78: {  	_ =	shalt  }
0x79: {  	_ =	shalt  }
0x7a: {  	_ =	shalt  }
0x7b: {  	_ =	shalt  }
0x7c: {  	_ =	shalt  }
0x7d: {  	_ =	shalt  }
0x7e: {  	_ =	shalt  }
0x7f: {  	_ =	shalt  }
0x80: {  	_ =	shalt  }
0x81: {  	_ =	shalt  }
0x82: {  	_ =	shalt  }
0x83: {  	_ =	shalt  }
0x84: {  	_ =	shalt  }
0x85: {  	_ =	shalt  }
0x86: {  	_ =	shalt  }
0x87: {  	_ =	shalt  }
.Lfunc_end0:
.L_simem_size_0:
called_computation.1_lowered:
.L_overlay_start_0:
0x88: {  	s2 =	sld [smem:$0x3FD9]  }
0x89: {  	s3 =	sld [smem:$0x3FFE];
	_ =	sdelay $0x1  }
0x8a: {  	s1 =	srdreg.scid  }
0x8b: {  	s0 =	sand.u32 $0x1, s1  }
0x8c: {  	s14 =	sshll.u32 s0, $0xA;
	s2 =	sadd.s32 s3, s2  }
0x8d: {  	s2 =	sadd.s32 s2, s14  }
0x8e: {  	[smem:$0x3FC0] =	sst s2  }
0x8f: {  	_ = 	snop  }
0x90: {  	s2 =	sld [smem:$0x3FD0];
	_ =	sdelay $0x2  }
0x91: {  	s15 =	simm.s32 $0xA;
	s4 =	simm.s32 $0x10  }
0x92: {  	[smem:s4], [sflag:s15] =	dma.local [hbm:s2], $0x1  }
0x93: {  	_ =	swait.eq [sflag:s15], $0x1  }
0x94: {  	[sflag:s15] =	ssyncset.done $0x0  }
0x95: {  	[sflag:s15] =	ssyncadd.s32 $0xFFFFFFFF  }
0x96: {  	s16 =	sld [smem:$0x10];
	(tm) =	ssettm $0x1  }
0x97: {  	s17 =	sld [smem:$0x3FFB];
	_ =	sdelay $0x3  }
0x98: {  	_ =	strace s17  }
0x99: {  	s3 =	sld [smem:$0x3FFC];
	_ =	sdelay $0x3  }
0x9a: {  	_ =	strace s3  }
0x9b: {  	s3 =	sld [smem:$0x3FFD];
	_ =	sdelay $0x3  }
0x9c: {  	_ =	strace s3  }
0x9d: {  	_ =	strace $0x8FFFFFFF  }
0x9e: {  	s18 =	sld [smem:$0x3FDB];
	_ =	sdelay $0x1  }
0x9f: {  	s19 =	simm.s32 $_scs_section_size  }
0xa0: {  	s5 =	simm.s32 $_size__tile_overlayer_lowered;
	s6 =	simm.s32 $_tile_overlayer_lowered  }
0xa1: {  	s22 =	simm.s32 $0x1BFF;
	s21 =	sshll.u32 s6, $0x1;
	s3 =	sadd.s32 s19, s18  }
0xa2: {  	s7 =	simm.s32 $0x0;
	s20 =	sshll.u32 s5, $0x1;
	s5 =	sadd.s32 s21, s3  }
0xa3: {  	[timem:s7], [sflag:s22] =	dma.local [hbm:s5], s20  }
0xa4: {  	_ =	swait.ge [sflag:s22], s20  }
0xa5: {  	s4 =	ssub.s32 $0x0, s20;
	[sflag:s22] =	ssyncset.done $0x0  }
0xa6: {  	[sflag:s22] =	ssyncadd.s32 s4;
	_ =	sdelay $0x1  }
0xa7: {  	s23 =	simm.s32 $0x1B8B  }
0xa8: {  	_ =	swait.ge [sflag:s23], $0x1  }
0xa9: {  	[sflag:s23] =	ssyncset.done $0x0  }
0xaa: {  	s25 =	simm.s32 $0x1B8E;
	s24 =	sld [smem:$0x3FFE];
	[sflag:s23] =	ssyncadd.s32 $0xFFFFFFFF  }
0xab: {  	s26 =	simm.s32 $execute0_lowered;
	[smem:$0x3FD2] =	sst s25  }
0xac: {  	s5 =	sshll.u32 s26, $0x1;
	_ =	strace $0x80000049;
	[dreg:$0x1] =	wrdreg $0xFFFFFFFF  }
0xad: {  	s28 =	simm.s32 $_size_execute0_lowered;
	s3 =	sadd.s32 s3, s5;
	[dreg:$0x0] =	wrdreg $0x0  }
0xae: {  	s5 =	sshll.u32 s28, $0x1;
	[dreg:$0x2] =	wrdreg s3  }
0xaf: {  	[dreg:$0x3] =	wrdreg s5  }
0xb0: {  	[dreg:$0x4] =	wrdreg $0xC0  }
0xb1: {  	_ =	task [dreg:s7], $0x5FFFF  }
0xb2: {  	[dreg:$0x1] =	wrdreg $0xFFFFFFFF  }
0xb3: {  	[dreg:$0x0] =	wrdreg $0x60  }
0xb4: {  	[dreg:$0x2] =	wrdreg s24  }
0xb5: {  	[dreg:$0x3] =	wrdreg s16  }
0xb6: {  	[dreg:$0x4] =	wrdreg $0x89800  }
0xb7: {  	[dreg:$0x5] =	wrdreg $0x9  }
0xb8: {  	_ =	task.clear_ibuf [dreg:s7], $0x6FFFF;
	_ =	strace $0x90000049  }
0xb9: {  	s29 =	simm.s32 $0x9;
	_ =	strace $0x8000004B  }
0xba: {  	_ =	swait.ge [sflag:s29], $0x1  }
0xbb: {  	[sflag:s29] =	ssyncadd.s32 $0xFFFFFFFF  }
0xbc: {  	_ =	strace $0x9000004B  }
0xbd: {  	_ =	sfence  }
0xbe: {  	s30 =	sld [smem:$0x0];
	_ =	sdelay $0x2  }
0xbf: {  	s31 =	sshll.u32 s1, $0xD;
	s1 =	sshrl.u32 s1, $0x2  }
0xc0: {  	s3 =	sand.u32 $0x4000, s31;
	s1 =	sadd.s32 s1, s30  }
0xc1: {  	s0 =	sor.u32 s3, s0;
	s1 =	sshll.u32 s1, $0x11  }
0xc2: {  	s0 =	sor.u32 s1, s0  }
0xc3: {  	s0 =	sadd.s32 $0x8F2B, s0  }
0xc4: {  	[sflag:s0] =	ssyncadd.remote.s32 $0x1  }
0xc5: {  	_ =	sfence.sel $0xFFFF  }
0xc6: {  	[dreg:$0x0] =	wrdreg $0xFFFFFFFF;
	(pc) =	sbr.abs _section_cstart, $3  }
0xc7: {  	[dreg:$0x1] =	wrdreg $0xFFFFFFFF  }
0xc8: {  	_ =	task.clear_ibuf [dreg:s7], $0x2FFFF;
	_ =	strace $0x9FFFFFFF  }
0xc9: {  	(tm) =	ssettm $0x7FFFFFFF  }
tec
execute0_lowered:
.L_overlay_start_1:
0x0: {  	(tag) =	ssettag $0x1  }
0x1: {  	s17 =	stileid.u32  }
0x2: {  	s3 =	srdreg.scid;
	s9 =	smul.u32 $0x6400, s17  }
0x3: {  	s3 =	sand.u32 $0x1, s3;
	s28 =	smul.u32 $0x320, s17  }
0x4: {  	s10 =	sor.u32 $0x10, s17;
	s6 =	smul.u32 $0x9C40, s3  }
0x5: {  	s13 =	sor.u32 $0x20, s17;
	s12 =	smul.u32 $0x6400, s10  }
0x6: {  	s0 =	rddreg [dreg:$0x0];
	s15 =	sor.u32 $0x30, s17;
	s24 =	smul.u32 $0x6400, s13  }
0x7: {  	s2 =	rddreg [dreg:$0x1];
	s16 =	smul.u32 $0x6400, s15  }
0x8: {  	s1 =	rddreg [dreg:$0x2];
	s5 =	simm.s32 $0x0;
	s31 =	smul.u32 $0x320, s10  }
0x9: {  	s30 =	simm.s32 $0x3;
	[smem:$0x7FF] =	sst s5;
	s13 =	smul.u32 $0x320, s13  }
0xa: {  	s21 =	sadd.s32 $0x2000, s0;
	s4 =	sshll.u32 s3, $0x4;
	s19 =	smul.u32 $0x320, s15  }
0xb: {  	_ =	strace $0x8000004A;
	s8 =	ssub.s32 $0x2, s3;
	s3 =	smul.u32 $0x4E200, s3  }
0xc: {  	p0 =	sgt.u32 s15, $0x31;
	s15 =	simm.s32 $0x2080;
	s23 =	sor.u32 s17, s4  }
0xd: {  	s4 =	sadd.s32 $0x63C00, s0;
	s11 =	sshrl.u32 s8, $0x1;
	s7 =	smul.u32 $0x4E20, s23  }
0xe: {  	s9 =	sshrl.u32 s9, $0x2;
	s0 =	sadd.s32 s6, s0;
	s6 =	smul.u32 $0x4E20, s17  }
0xf: {  	s8 =	ssub.s32 s8, s11;
	s12 =	sshrl.u32 s12, $0x2;
	s20 =	sshrl.u32 s24, $0x2  }
0x10: {  	s22 =	sshrl.u32 s16, $0x2;
	s23 =	smul.u32 $0x9C4, s17;
	s17 =	simm.s32 $0x2A80  }
0x11: {  	s0 =	sadd.s32 $0x77600, s0;
	s29 =	smax.u32 s8, $0x1;
	s18 =	sadd.s32 s12, s1  }
0x12: {  	s16 =	sadd.s32 s20, s1;
	s11 =	sadd.s32 s22, s1;
	[dreg:$0x6] =	wrdreg s29  }
0x13: {  	s12 =	simm.s32 $0x4;
	s20 =	simm.s32 $0x3480;
	[dreg:$0x8] =	wrdreg s18  }
0x14: {  	s7 =	sshrl.u32 s7, $0x3;
	s14 =	sshrl.u32 s6, $0x3;
	[dreg:$0x9] =	wrdreg s16  }
0x15: {  	s24 =	sadd.s32 s0, s28;
	s28 =	sadd.s32 s23, s2;
	[dreg:$0xa] =	wrdreg s11  }
0x16: {  	s29 =	sadd.s32 s6, s3;
	s25 =	sadd.s32 s21, s7;
	[dreg:$0xb] =	wrdreg s24  }
0x17: {  	s23 =	simm.s32 $0x50;
	s26 =	sadd.s32 s2, s14;
	[dreg:$0x4] =	wrdreg s25  }
0x18: {  	s3 =	simm.s32 $0x1;
	s14 =	sadd.s32 s9, s1;
	[dreg:$0x5] =	wrdreg s26  }
0x19: {  	s6 =	simm.s32 $0x2;
	s25 =	sadd.s32 s0, s31;
	[dreg:$0x7] =	wrdreg s14  }
0x1a: {  	s2 =	simm.s32 $0x0;
	s26 =	sadd.s32 s0, s13;
	[dreg:$0xc] =	wrdreg s25  }
0x1b: {  	s0 =	sadd.s32 s0, s19;
	s31 =	sadd.s32 $0x320, s29;
	[dreg:$0xd] =	wrdreg s26  }
0x1c: {  	s13 =	simm.s32 $0x1680;
	s19 =	simm.s32 $0x4880;
	[dreg:$0xe] =	wrdreg s0  }
0x1d: {  	s0 =	sadd.s32 $0x64, s28;
	[dreg:$0x10] =	wrdreg s31;
	s25 =	simm.s32 $0xC80  }
0x1e: {  	v0 =	vimm.f32 $0.0e+00;
	s26 =	simm.s32 $0x5280;
	[dreg:$0xf] =	wrdreg s0;
	s0 =	simm.s32 $0x3E80  }
.LBB2_1:
0x1f: {  	s5 =	simm.s32 $0x0;
	s7 =	rddreg [dreg:$0x4]  }
0x20: {  	[tilespmem:s5], [sflag:$0x3] =	stream.linear.gather [hbm4b:s7+s5], $0x320, $0x38;
	[tilespmem:$0xD7A0] =	vst v63  }
0x21: {  	s31 =	rddreg [dreg:$0x5];
	s8 =	simm.s32 $0x640  }
0x22: {  	[tilespmem:s8], [sflag:$0x3] =	stream.linear.gather [hbm4b:s31+s5], $0x320, $0x38;
	[tilespmem:$0xD7A0] =	vst v63  }
0x23: {  	[dreg:$0x11] =	wrdreg s2;
	s9 =	simm.s32 $0x0;
	s8 =	simm.s32 $0x80  }
.LBB2_2:
0x24: {  	p1 =	sne.s32 s8, $0x6380;
	[tilespmem:s9+$0x7080] =	vst v0;
	s10 =	smov.u32 s8;
	s8 =	sadd.s32 $0x80, s8  }
.Ltmp0:
0x25: {  	[tilespmem:s9+$0x7090] =	vst v0;
	(pc) =	sbr.rel @p1 .LBB2_2-.Ltmp0, $2  }
0x26: {  	_ =	sdelay $0x2  }
0x27: {  	s9 =	sshra.s32 s10, $0x2  }
0x28: {  	[tilespmem:s9+$0x7080] =	vst v0  }
0x29: {  	[tilespmem:s9+$0x7090] =	vst v0;
	s5 =	simm.s32 $0x7080  }
0x2a: {  	[spmem:s14] =	stream.linear.scatter [tilespmem:s5], [sflag:$0x4], $0x1900, $0x38;
	[tilespmem:$0xD7A0] =	vst v63  }
0x2b: {  	_ =	swait.ge [sflag:s12], $0x1900  }
0x2c: {  	[sflag:s12] =	ssyncset.done $0x0  }
0x2d: {  	[sflag:s12] =	ssyncadd.s32 $0xFFFFE700  }
0x2e: {  	[spmem:s18] =	stream.linear.scatter [tilespmem:s5], [sflag:$0x4], $0x1900, $0x38;
	[tilespmem:$0xD7A0] =	vst v63  }
0x2f: {  	_ =	swait.ge [sflag:s12], $0x1900  }
0x30: {  	[sflag:s12] =	ssyncset.done $0x0  }
0x31: {  	[sflag:s12] =	ssyncadd.s32 $0xFFFFE700  }
0x32: {  	[spmem:s16] =	stream.linear.scatter [tilespmem:s5], [sflag:$0x4], $0x1900, $0x38;
	[tilespmem:$0xD7A0] =	vst v63  }
0x33: {  	_ =	swait.ge [sflag:s12], $0x1900  }
0x34: {  	[sflag:s12] =	ssyncset.done $0x0  }
0x35: {  	s8 =	simm.s32 @!p0 $0x7080;
	[sflag:s12] =	ssyncadd.s32 $0xFFFFE700  }
0x36: {  	[spmem:s11] =	stream.linear.scatter @!p0 [tilespmem:s8], [sflag:$0x4], $0x1900, $0x38;
	[tilespmem:$0xD7A0] =	vst v63  }
0x37: {  	s8 =	simm.s32 @!p0 $0x4  }
0x38: {  	_ =	swait.ge @!p0 [sflag:s8], $0x1900  }
0x39: {  	[sflag:s8] =	ssyncset.done @!p0 $0x0  }
0x3a: {  	[sflag:s8] =	ssyncadd.s32 @!p0 $0xFFFFE700  }
0x3b: {  	[bflag:$0x0] =	sbarrier.arrive $0xFFFF  }
0x3c: {  	_ =	swait.ge [sflag:s30], $0x320  }
0x3d: {  	[sflag:s30] =	ssyncset.done $0x0  }
0x3e: {  	s5 =	simm.s32 $0x0;
	[sflag:s30] =	ssyncadd.s32 $0xFFFFFCE0  }
0x3f: {  	s8 =	sand.u32 $0x1, s5;
	_ =	swait.ge [sflag:s30], $0x320  }
0x40: {  	s9 =	smul.u32 $0x320, s8;
	[sflag:s30] =	ssyncset.done $0x0  }
0x41: {  	[sflag:s30] =	ssyncadd.s32 $0xFFFFFCE0  }
0x42: {  	[tilespmem:s25], [sflag:$0x1] =	stream.indirect.gather [hbm4b:s4+s23], $0x20, s9, s23, $0xb8;
	[tilespmem:$0xD7A0] =	vst v63  }
0x43: {  	s10 =	sadd.s32 $0x50, s9  }
0x44: {  	[tilespmem:s13], [sflag:$0x1] =	stream.indirect.gather [hbm4b:s4+s23], $0x20, s10, s23, $0xb8;
	[tilespmem:$0xD7A0] =	vst v63  }
0x45: {  	s11 =	sadd.s32 $0xA0, s9  }
0x46: {  	[tilespmem:s15], [sflag:$0x1] =	stream.indirect.gather [hbm4b:s4+s23], $0x20, s11, s23, $0xb8;
	[tilespmem:$0xD7A0] =	vst v63  }
0x47: {  	s12 =	sadd.s32 $0xF0, s9  }
0x48: {  	[tilespmem:s17], [sflag:$0x1] =	stream.indirect.gather [hbm4b:s4+s23], $0x20, s12, s23, $0xb8;
	[tilespmem:$0xD7A0] =	vst v63  }
0x49: {  	s13 =	sadd.s32 $0x140, s9  }
0x4a: {  	[tilespmem:s20], [sflag:$0x1] =	stream.indirect.gather [hbm4b:s4+s23], $0x20, s13, s23, $0xb8;
	[tilespmem:$0xD7A0] =	vst v63  }
0x4b: {  	s15 =	sadd.s32 $0x190, s9  }
0x4c: {  	[tilespmem:s0], [sflag:$0x1] =	stream.indirect.gather [hbm4b:s4+s23], $0x20, s15, s23, $0xb8;
	[tilespmem:$0xD7A0] =	vst v63  }
0x4d: {  	p1 =	por $0x0, $0x0;
	s16 =	sadd.s32 $0x1E0, s9  }
0x4e: {  	[tilespmem:s19], [sflag:$0x1] =	stream.indirect.gather [hbm4b:s4+s23], $0x20, s16, s23, $0xb8;
	[tilespmem:$0xD7A0] =	vst v63  }
0x4f: {  	s2 =	simm.s32 $0x5C80;
	s7 =	simm.s32 $0x6680;
	s17 =	sadd.s32 $0x230, s9  }
0x50: {  	[tilespmem:s26], [sflag:$0x1] =	stream.indirect.gather [hbm4b:s4+s23], $0x20, s17, s23, $0xb8;
	[tilespmem:$0xD7A0] =	vst v63  }
0x51: {  	s8 =	sxor.u32 @!p1 $0x1, s8;
	s24 =	rddreg [dreg:$0x10];
	s20 =	sadd.s32 $0x280, s9  }
0x52: {  	[tilespmem:s2], [sflag:$0x1] =	stream.indirect.gather [hbm4b:s4+s23], $0x20, s20, s23, $0xb8;
	[tilespmem:$0xD7A0] =	vst v63  }
0x53: {  	s8 =	smul.u32 @!p1 $0x320, s8;
	s14 =	sadd.s32 $0x2D0, s9;
	s18 =	sshrl.u32 @!p1 s24, $0x3  }
0x54: {  	[tilespmem:s7], [sflag:$0x1] =	stream.indirect.gather [hbm4b:s4+s23], $0x20, s14, s23, $0xb8;
	[tilespmem:$0xD7A0] =	vst v63  }
0x55: {  	s18 =	sadd.s32 @!p1 s21, s18;
	s7 =	simm.s32 @!p1 $0x0  }
0x56: {  	[tilespmem:s8], [sflag:$0x3] =	stream.linear.gather @!p1 [hbm4b:s18+s7], $0x320, $0x38;
	[tilespmem:$0xD7A0] =	vst v63  }
0x57: {  	s5 =	rddreg [dreg:$0xf];
	s8 =	sadd.s32 @!p1 $0x640, s8  }
0x58: {  	[tilespmem:s8], [sflag:$0x3] =	stream.linear.gather @!p1 [hbm4b:s5+s7], $0x320, $0x38;
	[tilespmem:$0xD7A0] =	vst v63  }
0x59: {  	_ =	swait.ge [sflag:s3], $0xA00  }
0x5a: {  	[sflag:s3] =	ssyncset.done $0x0  }
0x5b: {  	s8 =	sadd.s32 $0x640, s9;
	[sflag:s3] =	ssyncadd.s32 $0xFFFFF600  }
0x5c: {  	[spmem:s1] =	stream.indirect.scatter.add.f32 [tilespmem:s25], [sflag:$0x2], $0x20, s8, s23, $0xb8;
	[tilespmem:$0xD7A0] =	vst v63  }
0x5d: {  	_ =	swait.ge [sflag:s3], $0xA00  }
0x5e: {  	[sflag:s3] =	ssyncset.done $0x0  }
0x5f: {  	s28 =	simm.s32 $0x1680;
	s10 =	sadd.s32 $0x640, s10;
	[sflag:s3] =	ssyncadd.s32 $0xFFFFF600  }
0x60: {  	[spmem:s1] =	stream.indirect.scatter.add.f32 [tilespmem:s28], [sflag:$0x2], $0x20, s10, s23, $0xb8;
	[tilespmem:$0xD7A0] =	vst v63  }
0x61: {  	_ =	swait.ge [sflag:s3], $0xA00  }
0x62: {  	[sflag:s3] =	ssyncset.done $0x0  }
0x63: {  	s31 =	simm.s32 $0x2080;
	s11 =	sadd.s32 $0x640, s11;
	[sflag:s3] =	ssyncadd.s32 $0xFFFFF600  }
0x64: {  	[spmem:s1] =	stream.indirect.scatter.add.f32 [tilespmem:s31], [sflag:$0x2], $0x20, s11, s23, $0xb8;
	[tilespmem:$0xD7A0] =	vst v63  }
0x65: {  	_ =	swait.ge [sflag:s3], $0xA00  }
0x66: {  	[sflag:s3] =	ssyncset.done $0x0  }
0x67: {  	s12 =	sadd.s32 $0x640, s12;
	s19 =	simm.s32 $0x2A80;
	[sflag:s3] =	ssyncadd.s32 $0xFFFFF600  }
0x68: {  	[spmem:s1] =	stream.indirect.scatter.add.f32 [tilespmem:s19], [sflag:$0x2], $0x20, s12, s23, $0xb8;
	[tilespmem:$0xD7A0] =	vst v63  }
0x69: {  	_ =	swait.ge [sflag:s3], $0xA00  }
0x6a: {  	[sflag:s3] =	ssyncset.done $0x0  }
0x6b: {  	s29 =	simm.s32 $0x3480;
	s13 =	sadd.s32 $0x640, s13;
	[sflag:s3] =	ssyncadd.s32 $0xFFFFF600  }
0x6c: {  	[spmem:s1] =	stream.indirect.scatter.add.f32 [tilespmem:s29], [sflag:$0x2], $0x20, s13, s23, $0xb8;
	[tilespmem:$0xD7A0] =	vst v63  }
0x6d: {  	_ =	swait.ge [sflag:s3], $0xA00  }
0x6e: {  	[sflag:s3] =	ssyncset.done $0x0  }
0x6f: {  	s0 =	simm.s32 $0x3E80;
	s18 =	sadd.s32 $0x640, s15;
	[sflag:s3] =	ssyncadd.s32 $0xFFFFF600  }
0x70: {  	[spmem:s1] =	stream.indirect.scatter.add.f32 [tilespmem:s0], [sflag:$0x2], $0x20, s18, s23, $0xb8;
	[tilespmem:$0xD7A0] =	vst v63  }
0x71: {  	_ =	swait.ge [sflag:s3], $0xA00  }
0x72: {  	[sflag:s3] =	ssyncset.done $0x0  }
0x73: {  	s22 =	simm.s32 $0x4880;
	s19 =	sadd.s32 $0x640, s16;
	[sflag:s3] =	ssyncadd.s32 $0xFFFFF600  }
0x74: {  	[spmem:s1] =	stream.indirect.scatter.add.f32 [tilespmem:s22], [sflag:$0x2], $0x20, s19, s23, $0xb8;
	[tilespmem:$0xD7A0] =	vst v63  }
0x75: {  	_ =	swait.ge [sflag:s3], $0xA00  }
0x76: {  	[sflag:s3] =	ssyncset.done $0x0  }
0x77: {  	s22 =	sadd.s32 $0x640, s17;
	[sflag:s3] =	ssyncadd.s32 $0xFFFFF600  }
0x78: {  	[spmem:s1] =	stream.indirect.scatter.add.f32 [tilespmem:s26], [sflag:$0x2], $0x20, s22, s23, $0xb8;
	[tilespmem:$0xD7A0] =	vst v63  }
0x79: {  	_ =	swait.ge [sflag:s3], $0xA00  }
0x7a: {  	[sflag:s3] =	ssyncset.done $0x0  }
0x7b: {  	s9 =	simm.s32 $0x5C80;
	s28 =	sadd.s32 $0x640, s20;
	[sflag:s3] =	ssyncadd.s32 $0xFFFFF600  }
0x7c: {  	[spmem:s1] =	stream.indirect.scatter.add.f32 [tilespmem:s9], [sflag:$0x2], $0x20, s28, s23, $0xb8;
	[tilespmem:$0xD7A0] =	vst v63  }
0x7d: {  	_ =	swait.ge [sflag:s3], $0xA00  }
0x7e: {  	[sflag:s3] =	ssyncset.done $0x0  }
0x7f: {  	s31 =	sadd.s32 $0x640, s14;
	s29 =	simm.s32 $0x6680;
	[sflag:s3] =	ssyncadd.s32 $0xFFFFF600  }
0x80: {  	[spmem:s1] =	stream.indirect.scatter.add.f32 [tilespmem:s29], [sflag:$0x2], $0x20, s31, s23, $0xb8;
	[tilespmem:$0xD7A0] =	vst v63  }
0x81: {  	_ =	swait.ge [sflag:s6], $0xA00  }
0x82: {  	[sflag:s6] =	ssyncset.done $0x0  }
0x83: {  	[sflag:s6] =	ssyncadd.s32 $0xFFFFF600  }
0x84: {  	_ =	swait.ge [sflag:s6], $0xA00  }
0x85: {  	[sflag:s6] =	ssyncset.done $0x0  }
0x86: {  	[sflag:s6] =	ssyncadd.s32 $0xFFFFF600  }
0x87: {  	_ =	swait.ge [sflag:s6], $0xA00  }
0x88: {  	[sflag:s6] =	ssyncset.done $0x0  }
0x89: {  	[sflag:s6] =	ssyncadd.s32 $0xFFFFF600  }
0x8a: {  	_ =	swait.ge [sflag:s6], $0xA00  }
0x8b: {  	[sflag:s6] =	ssyncset.done $0x0  }
0x8c: {  	[sflag:s6] =	ssyncadd.s32 $0xFFFFF600  }
0x8d: {  	_ =	swait.ge [sflag:s6], $0xA00  }
0x8e: {  	[sflag:s6] =	ssyncset.done $0x0  }
0x8f: {  	[sflag:s6] =	ssyncadd.s32 $0xFFFFF600  }
0x90: {  	_ =	swait.ge [sflag:s6], $0xA00  }
0x91: {  	[sflag:s6] =	ssyncset.done $0x0  }
0x92: {  	[sflag:s6] =	ssyncadd.s32 $0xFFFFF600  }
0x93: {  	_ =	swait.ge [sflag:s6], $0xA00  }
0x94: {  	[sflag:s6] =	ssyncset.done $0x0  }
0x95: {  	[sflag:s6] =	ssyncadd.s32 $0xFFFFF600  }
0x96: {  	_ =	swait.ge [sflag:s6], $0xA00  }
0x97: {  	[sflag:s6] =	ssyncset.done $0x0  }
0x98: {  	[sflag:s6] =	ssyncadd.s32 $0xFFFFF600  }
0x99: {  	_ =	swait.ge [sflag:s6], $0xA00  }
0x9a: {  	[sflag:s6] =	ssyncset.done $0x0  }
0x9b: {  	[sflag:s6] =	ssyncadd.s32 $0xFFFFF600  }
0x9c: {  	s8 =	simm.s32 $0x1;
	_ =	swait.ge [sflag:s6], $0xA00  }
0x9d: {  	s13 =	sadd.s32 $0x320, s24;
	s17 =	smov.u32 s5;
	[sflag:s6] =	ssyncset.done $0x0  }
.LBB2_4:
0x9e: {  	[sflag:s6] =	ssyncadd.s32 $0xFFFFF600  }
0x9f: {  	s17 =	sadd.s32 $0x64, s17;
	s7 =	smov.u32 s8;
	s8 =	sadd.s32 $0x1, s8  }
0xa0: {  	_ =	swait.ge [sflag:s30], $0x320;
	p1 =	sne.s32 s8, $0x19  }
0xa1: {  	s28 =	simm.s32 $0x6680;
	s2 =	simm.s32 $0x5C80;
	[sflag:s30] =	ssyncset.done $0x0  }
0xa2: {  	s15 =	simm.s32 $0x5280;
	s31 =	simm.s32 $0x1680;
	[sflag:s30] =	ssyncadd.s32 $0xFFFFFCE0  }
0xa3: {  	s9 =	sand.u32 $0x1, s7;
	p2 =	seq.s32 s7, $0x18;
	_ =	swait.ge [sflag:s30], $0x320  }
0xa4: {  	s7 =	smul.u32 $0x320, s9;
	s9 =	sxor.u32 @!p2 $0x1, s9;
	[sflag:s30] =	ssyncset.done $0x0  }
0xa5: {  	s14 =	smul.u32 @!p2 $0x320, s9;
	s9 =	sshrl.u32 @!p2 s13, $0x3;
	[sflag:s30] =	ssyncadd.s32 $0xFFFFFCE0  }
0xa6: {  	[tilespmem:s25], [sflag:$0x1] =	stream.indirect.gather [hbm4b:s4+s23], $0x20, s7, s23, $0xb8;
	[tilespmem:$0xD7A0] =	vst v63  }
0xa7: {  	s18 =	sadd.s32 $0x50, s7;
	s26 =	sadd.s32 @!p2 s21, s9;
	s5 =	sadd.s32 @!p2 $0x640, s14  }
0xa8: {  	[tilespmem:s31], [sflag:$0x1] =	stream.indirect.gather [hbm4b:s4+s23], $0x20, s18, s23, $0xb8;
	[tilespmem:$0xD7A0] =	vst v63  }
0xa9: {  	s0 =	simm.s32 $0x2080;
	s24 =	sadd.s32 $0xA0, s7  }
0xaa: {  	[tilespmem:s0], [sflag:$0x1] =	stream.indirect.gather [hbm4b:s4+s23], $0x20, s24, s23, $0xb8;
	[tilespmem:$0xD7A0] =	vst v63  }
0xab: {  	s19 =	simm.s32 $0x2A80;
	s12 =	sadd.s32 $0xF0, s7  }
0xac: {  	[tilespmem:s19], [sflag:$0x1] =	stream.indirect.gather [hbm4b:s4+s23], $0x20, s12, s23, $0xb8;
	[tilespmem:$0xD7A0] =	vst v63  }
0xad: {  	s29 =	simm.s32 $0x3480;
	s11 =	sadd.s32 $0x140, s7  }
0xae: {  	[tilespmem:s29], [sflag:$0x1] =	stream.indirect.gather [hbm4b:s4+s23], $0x20, s11, s23, $0xb8;
	[tilespmem:$0xD7A0] =	vst v63  }
0xaf: {  	s10 =	sadd.s32 $0x190, s7;
	s30 =	simm.s32 $0x3E80  }
0xb0: {  	[tilespmem:s30], [sflag:$0x1] =	stream.indirect.gather [hbm4b:s4+s23], $0x20, s10, s23, $0xb8;
	[tilespmem:$0xD7A0] =	vst v63  }
0xb1: {  	s22 =	simm.s32 $0x4880;
	s9 =	sadd.s32 $0x1E0, s7  }
0xb2: {  	[tilespmem:s22], [sflag:$0x1] =	stream.indirect.gather [hbm4b:s4+s23], $0x20, s9, s23, $0xb8;
	[tilespmem:$0xD7A0] =	vst v63  }
0xb3: {  	s20 =	sadd.s32 $0x230, s7  }
0xb4: {  	[tilespmem:s15], [sflag:$0x1] =	stream.indirect.gather [hbm4b:s4+s23], $0x20, s20, s23, $0xb8;
	[tilespmem:$0xD7A0] =	vst v63  }
0xb5: {  	s16 =	sadd.s32 $0x280, s7  }
0xb6: {  	[tilespmem:s2], [sflag:$0x1] =	stream.indirect.gather [hbm4b:s4+s23], $0x20, s16, s23, $0xb8;
	[tilespmem:$0xD7A0] =	vst v63  }
0xb7: {  	s15 =	sadd.s32 $0x2D0, s7  }
0xb8: {  	[tilespmem:s28], [sflag:$0x1] =	stream.indirect.gather [hbm4b:s4+s23], $0x20, s15, s23, $0xb8;
	[tilespmem:$0xD7A0] =	vst v63  }
0xb9: {  	s25 =	simm.s32 @!p2 $0x0  }
0xba: {  	[tilespmem:s14], [sflag:$0x3] =	stream.linear.gather @!p2 [hbm4b:s26+s25], $0x320, $0x38;
	[tilespmem:$0xD7A0] =	vst v63  }
0xbb: {  	s26 =	simm.s32 $0x5280;
	_ =	sdelay $0x1  }
0xbc: {  	[tilespmem:s5], [sflag:$0x3] =	stream.linear.gather @!p2 [hbm4b:s17+s25], $0x320, $0x38;
	[tilespmem:$0xD7A0] =	vst v63  }
0xbd: {  	s25 =	simm.s32 $0xC80  }
0xbe: {  	_ =	swait.ge [sflag:s3], $0xA00  }
0xbf: {  	[sflag:s3] =	ssyncset.done $0x0  }
0xc0: {  	s5 =	sadd.s32 $0x640, s7;
	[sflag:s3] =	ssyncadd.s32 $0xFFFFF600  }
0xc1: {  	[spmem:s1] =	stream.indirect.scatter.add.f32 [tilespmem:s25], [sflag:$0x2], $0x20, s5, s23, $0xb8;
	[tilespmem:$0xD7A0] =	vst v63  }
0xc2: {  	_ =	swait.ge [sflag:s3], $0xA00  }
0xc3: {  	[sflag:s3] =	ssyncset.done $0x0  }
0xc4: {  	s5 =	sadd.s32 $0x640, s18;
	[sflag:s3] =	ssyncadd.s32 $0xFFFFF600  }
0xc5: {  	[spmem:s1] =	stream.indirect.scatter.add.f32 [tilespmem:s31], [sflag:$0x2], $0x20, s5, s23, $0xb8;
	[tilespmem:$0xD7A0] =	vst v63  }
0xc6: {  	_ =	swait.ge [sflag:s3], $0xA00  }
0xc7: {  	[sflag:s3] =	ssyncset.done $0x0  }
0xc8: {  	s5 =	sadd.s32 $0x640, s24;
	[sflag:s3] =	ssyncadd.s32 $0xFFFFF600  }
0xc9: {  	[spmem:s1] =	stream.indirect.scatter.add.f32 [tilespmem:s0], [sflag:$0x2], $0x20, s5, s23, $0xb8;
	[tilespmem:$0xD7A0] =	vst v63  }
0xca: {  	_ =	swait.ge [sflag:s3], $0xA00  }
0xcb: {  	[sflag:s3] =	ssyncset.done $0x0  }
0xcc: {  	s5 =	sadd.s32 $0x640, s12;
	[sflag:s3] =	ssyncadd.s32 $0xFFFFF600  }
0xcd: {  	[spmem:s1] =	stream.indirect.scatter.add.f32 [tilespmem:s19], [sflag:$0x2], $0x20, s5, s23, $0xb8;
	[tilespmem:$0xD7A0] =	vst v63  }
0xce: {  	_ =	swait.ge [sflag:s3], $0xA00  }
0xcf: {  	[sflag:s3] =	ssyncset.done $0x0  }
0xd0: {  	s5 =	sadd.s32 $0x640, s11;
	[sflag:s3] =	ssyncadd.s32 $0xFFFFF600  }
0xd1: {  	[spmem:s1] =	stream.indirect.scatter.add.f32 [tilespmem:s29], [sflag:$0x2], $0x20, s5, s23, $0xb8;
	[tilespmem:$0xD7A0] =	vst v63  }
0xd2: {  	_ =	swait.ge [sflag:s3], $0xA00  }
0xd3: {  	[sflag:s3] =	ssyncset.done $0x0  }
0xd4: {  	s5 =	sadd.s32 $0x640, s10;
	[sflag:s3] =	ssyncadd.s32 $0xFFFFF600  }
0xd5: {  	[spmem:s1] =	stream.indirect.scatter.add.f32 [tilespmem:s30], [sflag:$0x2], $0x20, s5, s23, $0xb8;
	[tilespmem:$0xD7A0] =	vst v63  }
0xd6: {  	s30 =	simm.s32 $0x3  }
0xd7: {  	_ =	swait.ge [sflag:s3], $0xA00  }
0xd8: {  	[sflag:s3] =	ssyncset.done $0x0  }
0xd9: {  	s2 =	simm.s32 $0x5C80;
	s5 =	sadd.s32 $0x640, s9;
	[sflag:s3] =	ssyncadd.s32 $0xFFFFF600  }
0xda: {  	[spmem:s1] =	stream.indirect.scatter.add.f32 [tilespmem:s22], [sflag:$0x2], $0x20, s5, s23, $0xb8;
	[tilespmem:$0xD7A0] =	vst v63  }
0xdb: {  	_ =	swait.ge [sflag:s3], $0xA00  }
0xdc: {  	[sflag:s3] =	ssyncset.done $0x0  }
0xdd: {  	s5 =	sadd.s32 $0x640, s20;
	[sflag:s3] =	ssyncadd.s32 $0xFFFFF600  }
0xde: {  	[spmem:s1] =	stream.indirect.scatter.add.f32 [tilespmem:s26], [sflag:$0x2], $0x20, s5, s23, $0xb8;
	[tilespmem:$0xD7A0] =	vst v63  }
0xdf: {  	_ =	swait.ge [sflag:s3], $0xA00  }
0xe0: {  	[sflag:s3] =	ssyncset.done $0x0  }
0xe1: {  	s5 =	sadd.s32 $0x640, s16;
	[sflag:s3] =	ssyncadd.s32 $0xFFFFF600  }
0xe2: {  	[spmem:s1] =	stream.indirect.scatter.add.f32 [tilespmem:s2], [sflag:$0x2], $0x20, s5, s23, $0xb8;
	[tilespmem:$0xD7A0] =	vst v63  }
0xe3: {  	s2 =	simm.s32 $0x6680  }
0xe4: {  	_ =	swait.ge [sflag:s3], $0xA00  }
0xe5: {  	[sflag:s3] =	ssyncset.done $0x0  }
0xe6: {  	s5 =	sadd.s32 $0x640, s15;
	[sflag:s3] =	ssyncadd.s32 $0xFFFFF600  }
0xe7: {  	[spmem:s1] =	stream.indirect.scatter.add.f32 [tilespmem:s2], [sflag:$0x2], $0x20, s5, s23, $0xb8;
	[tilespmem:$0xD7A0] =	vst v63  }
0xe8: {  	_ =	swait.ge [sflag:s6], $0xA00  }
0xe9: {  	[sflag:s6] =	ssyncset.done $0x0  }
0xea: {  	[sflag:s6] =	ssyncadd.s32 $0xFFFFF600  }
0xeb: {  	_ =	swait.ge [sflag:s6], $0xA00  }
0xec: {  	[sflag:s6] =	ssyncset.done $0x0  }
0xed: {  	[sflag:s6] =	ssyncadd.s32 $0xFFFFF600  }
0xee: {  	_ =	swait.ge [sflag:s6], $0xA00  }
0xef: {  	[sflag:s6] =	ssyncset.done $0x0  }
0xf0: {  	[sflag:s6] =	ssyncadd.s32 $0xFFFFF600  }
0xf1: {  	_ =	swait.ge [sflag:s6], $0xA00  }
0xf2: {  	[sflag:s6] =	ssyncset.done $0x0  }
0xf3: {  	[sflag:s6] =	ssyncadd.s32 $0xFFFFF600  }
0xf4: {  	_ =	swait.ge [sflag:s6], $0xA00  }
0xf5: {  	[sflag:s6] =	ssyncset.done $0x0  }
0xf6: {  	[sflag:s6] =	ssyncadd.s32 $0xFFFFF600  }
0xf7: {  	_ =	swait.ge [sflag:s6], $0xA00  }
0xf8: {  	[sflag:s6] =	ssyncset.done $0x0  }
0xf9: {  	[sflag:s6] =	ssyncadd.s32 $0xFFFFF600  }
0xfa: {  	_ =	swait.ge [sflag:s6], $0xA00  }
0xfb: {  	[sflag:s6] =	ssyncset.done $0x0  }
0xfc: {  	[sflag:s6] =	ssyncadd.s32 $0xFFFFF600  }
0xfd: {  	_ =	swait.ge [sflag:s6], $0xA00  }
0xfe: {  	[sflag:s6] =	ssyncset.done $0x0  }
0xff: {  	[sflag:s6] =	ssyncadd.s32 $0xFFFFF600  }
.Ltmp1:
0x100: {  	_ =	swait.ge [sflag:s6], $0xA00;
	(pc) =	sbr.rel @p1 .LBB2_4-.Ltmp1, $4  }
0x101: {  	[sflag:s6] =	ssyncset.done $0x0  }
0x102: {  	[sflag:s6] =	ssyncadd.s32 $0xFFFFF600  }
0x103: {  	_ =	swait.ge [sflag:s6], $0xA00  }
0x104: {  	s13 =	sadd.s32 $0x320, s13;
	[sflag:s6] =	ssyncset.done $0x0  }
0x105: {  	[sflag:s6] =	ssyncadd.s32 $0xFFFFF600  }
0x106: {  	s5 =	stileid.u32;
	[bflag:$0x0] =	sbarrier.arrive $0xFFFF  }
0x107: {  	s12 =	simm.s32 $0x4;
	s5 =	sshll.u32 s5, $0x6;
	s14 =	rddreg [dreg:$0x7]  }
0x108: {  	s5 =	sor.u32 $0x1C04, s5;
	s8 =	rddreg [dreg:$0xb];
	s7 =	sshrl.u32 s14, $0x3  }
0x109: {  	[hbm:s8], [sflag:s5] =	dma.local [spmem:s7], $0x320  }
0x10a: {  	_ =	swait.ge [sflag:s12], $0x320  }
0x10b: {  	[sflag:s12] =	ssyncset.done $0x0;
	s18 =	rddreg [dreg:$0x8]  }
0x10c: {  	s24 =	rddreg [dreg:$0xc];
	[sflag:s12] =	ssyncadd.s32 $0xFFFFFCE0;
	s22 =	sshrl.u32 s18, $0x3  }
0x10d: {  	[hbm:s24], [sflag:s5] =	dma.local [spmem:s22], $0x320  }
0x10e: {  	_ =	swait.ge [sflag:s12], $0x320  }
0x10f: {  	[sflag:s12] =	ssyncset.done $0x0;
	s16 =	rddreg [dreg:$0x9]  }
0x110: {  	s29 =	rddreg [dreg:$0xd];
	[sflag:s12] =	ssyncadd.s32 $0xFFFFFCE0;
	s28 =	sshrl.u32 s16, $0x3  }
0x111: {  	[hbm:s29], [sflag:s5] =	dma.local [spmem:s28], $0x320  }
0x112: {  	_ =	swait.ge [sflag:s12], $0x320  }
0x113: {  	[sflag:s12] =	ssyncset.done $0x0;
	s11 =	rddreg [dreg:$0xa]  }
0x114: {  	s8 =	rddreg [dreg:$0xe];
	[sflag:s12] =	ssyncadd.s32 $0xFFFFFCE0;
	s7 =	sshrl.u32 @!p0 s11, $0x3  }
0x115: {  	[hbm:s8], [sflag:s5] =	dma.local @!p0 [spmem:s7], $0x320  }
0x116: {  	s5 =	simm.s32 @!p0 $0x4  }
0x117: {  	_ =	swait.ge @!p0 [sflag:s5], $0x320  }
0x118: {  	s2 =	rddreg [dreg:$0x11]  }
0x119: {  	s31 =	rddreg [dreg:$0x6];
	s2 =	sadd.s32 $0x1, s2  }
0x11a: {  	p1 =	sne.s32 s2, s31  }
.Ltmp2:
0x11b: {  	_ = 	snop;
	(pc) =	sbr.rel @p1 .LBB2_1-.Ltmp2, $4  }
0x11c: {  	_ = 	snop  }
0x11d: {  	s13 =	simm.s32 $0x1680;
	s15 =	simm.s32 $0x2080  }
0x11e: {  	s17 =	simm.s32 $0x2A80;
	s20 =	simm.s32 $0x3480;
	[sflag:s5] =	ssyncset.done @!p0 $0x0  }
0x11f: {  	s0 =	simm.s32 $0x3E80;
	s19 =	simm.s32 $0x4880;
	[sflag:s5] =	ssyncadd.s32 @!p0 $0xFFFFFCE0  }
0x120: {  	_ =	sfence.sel $0x180000  }
0x121: {  	[bflag:$0x0] =	sbarrier.arrive $0xFFFF  }
0x122: {  	_ =	strace $0x9000004A  }
0x123: {  	s0 =	stileid.u32;
	[bflag:$0x2] =	sbarrier.arrive $0xFFFF  }
0x124: {  	p0 =	sne.s32 s0, $0x0;
	s0 =	rddreg [dreg:$0x3]  }
0x125: {  	s0 =	sadd.s32 @!p0 $0x100000, s0  }
0x126: {  	[sflag:s0] =	ssyncadd.tile.s32 @!p0 $0x1;
	_ =	shalt  }
.Lfunc_end2:
_tile_overlayer_lowered:
.L_overlay_start_2:
0x127: {  	(tag) =	ssettag $0x2  }
0x128: {  	s0 =	rddreg [dreg:$0x0];
	s2 =	stileid.u32  }
0x129: {  	s1 =	rddreg [dreg:$0x1];
	p0 =	sne.s32 s2, $0x0  }
0x12a: {  	s3 =	rddreg [dreg:$0x2];
	[bflag:$0x3] =	sbarrier.arrive $0xFFFF;
	s2 =	simm.s32 @!p0 $0x1C04  }
0x12b: {  	[timem:s3], [sflag:s2] =	dma.local @!p0 [hbm:s0], s1  }
0x12c: {  	s0 =	simm.s32 @!p0 $0x4  }
0x12d: {  	_ =	swait.ge @!p0 [sflag:s0], s1  }
0x12e: {  	s1 =	ssub.s32 @!p0 $0x0, s1;
	[sflag:s0] =	ssyncset.done @!p0 $0x0  }
0x12f: {  	[sflag:s0] =	ssyncadd.s32 @!p0 s1  }
0x130: {  	[bflag:$0x3] =	sbarrier.arrive $0xFFFF  }
0x131: {  	_ =	shalt  }

// kernel: kernel.7.cloned.1.call-start
scs
__scs_entry_jumppad:
0x0: {  	(pc) =	sbr.rel $0x88, $3  }
0x1: {  	(tag) =	ssettag $0x0;
	lr =	simm.s32 $0x1  }
0x2: {  	[smem:$0x3F99] =	sst lr;
	_ =	strace $0xD0000000  }
0x3: {  	_ = 	snop  }
0x4: {  	_ = 	snop  }
0x5: {  	_ = 	snop  }
0x6: {  	_ = 	snop  }
0x7: {  	_ = 	snop  }
__scs_overlays_trampoline_lowered:
0x8: {  	[smem:$0x3FA8] =	sst s0  }
0x9: {  	[smem:$0x3FA9] =	sst s1  }
0xa: {  	[smem:$0x3FAA] =	sst s2  }
0xb: {  	[smem:$0x3FAB] =	sst s3  }
0xc: {  	[smem:$0x3FAC] =	sst s4  }
0xd: {  	[smem:$0x3FAD] =	sst s5  }
0xe: {  	[smem:$0x3FAE] =	sst s6  }
0xf: {  	[smem:$0x3FAF] =	sst s7  }
0x10: {  	[smem:$0x3FB0] =	sst s8  }
0x11: {  	[smem:$0x3FB1] =	sst s9;
	s0 =	simm.s32 @!p0 $0x0  }
0x12: {  	s1 =	sld [smem:$0x3F97];
	s0 =	simm.s32 @p0 $0x1  }
0x13: {  	[smem:$0x3FB2] =	sst s0;
	s0 =	simm.s32 @!p1 $0x0  }
0x14: {  	s2 =	sld [smem:$0x3F96];
	s0 =	simm.s32 @p1 $0x1  }
0x15: {  	[smem:$0x3FB3] =	sst s0;
	s0 =	simm.s32 @!p2 $0x0  }
0x16: {  	s3 =	sld [smem:$0x3FDB];
	s0 =	simm.s32 @p2 $0x1  }
0x17: {  	s4 =	simm.s32 $0x1BF5;
	[smem:$0x3FB5] =	sst s0  }
0x18: {  	s0 =	sld [smem:$0x3F98];
	_ =	swait.ge [sflag:s4], $0x0  }
0x19: {  	s7 =	sld [smem:$0x3F99]  }
0x1a: {  	s8 =	sadd.s32 $0xFFFFE003, lr  }
0x1b: {  	s9 =	sadd.s32 $0xFFFFFEF7, lr;
	s5 =	simm.s32 $0xFFFFFFFF;
	p2 =	slt.u32 s8, $0xFFFFF086  }
0x1c: {  	p1 =	slt.u32 s9, $0xF7A;
	s5 =	simm.s32 @!p2 $0x0  }
0x1d: {  	s5 =	simm.s32 @p1 $0x1;
	p0 =	seq.s32 s7, s2  }
0x1e: {  	s7 =	smul.u32 @!p0 $0xF7A, s2;
	p2 =	seq.s32 @!p0 s5, $0x0  }
0x1f: {  	s9 =	smul.u32 $0xF7A, s1;
	s8 =	simm.s32 @!p0 $0x1BF5;
	p2 =	por !p2, p0  }
0x20: {  	[sflag:s8] =	ssyncset.s32 @!p0 $0xFFFFF086;
	s6 =	sadd.s32 @!p0 s3, s7;
	s7 =	simm.s32 @!p0 $0x108  }
0x21: {  	s3 =	sadd.s32 s3, s9;
	s6 =	sadd.s32 @!p0 $0x88, s6;
	s7 =	simm.s32 @p2 $0x1082  }
0x22: {  	[simem:s7], [sflag:s8] =	dma.local @!p0 [hbm:s6], $0xF7A  }
0x23: {  	s9 =	sor.u32 $0xD0000000, s2;
	s6 =	simm.s32 $0x108;
	_ =	swait.ge @!p0 [sflag:s8], $0x0  }
0x24: {  	s3 =	sadd.s32 $0x88, s3;
	s6 =	simm.s32 @!p1 $0x1082;
	[sflag:s4] =	ssyncset.s32 $0xFFFFF086  }
0x25: {  	[simem:s6], [sflag:s4] =	dma.local [hbm:s3], $0xF7A  }
0x26: {  	[smem:$0x3F99] =	sst s1;
	(tag) =	ssettag s2;
	_ =	strace s9  }
0x27: {  	s1 =	sld [smem:$0x3FA9]  }
0x28: {  	s2 =	sld [smem:$0x3FAA]  }
0x29: {  	s4 =	sld [smem:$0x3FAC]  }
0x2a: {  	p0 =	seq.s32 s5, $0x0;
	s5 =	sld [smem:$0x3FAD]  }
0x2b: {  	s6 =	sld [smem:$0x3FAE]  }
0x2c: {  	s7 =	sld [smem:$0x3FAF]  }
0x2d: {  	s3 =	simm.s32 $0x108;
	s8 =	sld [smem:$0x3FB0]  }
0x2e: {  	s3 =	simm.s32 @!p0 $0x1082;
	s9 =	sld [smem:$0x3FB1]  }
0x2f: {  	lr =	sadd.s32 s0, s3;
	s0 =	sld [smem:$0x3FA8]  }
0x30: {  	s3 =	sld [smem:$0x3FAB]  }
0x31: {  	[smem:$0x3FB4] =	sst s10  }
0x32: {  	s10 =	sld [smem:$0x3FB2];
	_ =	sdelay $0x3  }
0x33: {  	p0 =	seq.s32 s10, $0x1;
	s10 =	sld [smem:$0x3FB4];
	_ =	sdelay $0x3  }
0x34: {  	[smem:$0x3FB4] =	sst s10  }
0x35: {  	s10 =	sld [smem:$0x3FB3];
	_ =	sdelay $0x3  }
0x36: {  	p1 =	seq.s32 s10, $0x1;
	s10 =	sld [smem:$0x3FB4];
	_ =	sdelay $0x3  }
0x37: {  	[smem:$0x3FB4] =	sst s10  }
0x38: {  	s10 =	sld [smem:$0x3FB5]  }
0x39: {  	_ = 	snop;
	(pc) =	sbr.ind lr, $3  }
0x3a: {  	_ = 	snop  }
0x3b: {  	_ = 	snop  }
0x3c: {  	p2 =	seq.s32 s10, $0x1;
	s10 =	sld [smem:$0x3FB4]  }
0x3d: {  	_ =	shalt  }
0x3e: {  	_ =	shalt  }
0x3f: {  	_ =	shalt  }
0x40: {  	_ =	shalt  }
0x41: {  	_ =	shalt  }
0x42: {  	_ =	shalt  }
0x43: {  	_ =	shalt  }
0x44: {  	_ =	shalt  }
0x45: {  	_ =	shalt  }
0x46: {  	_ =	shalt  }
0x47: {  	_ =	shalt  }
0x48: {  	_ =	shalt  }
0x49: {  	_ =	shalt  }
0x4a: {  	_ =	shalt  }
0x4b: {  	_ =	shalt  }
0x4c: {  	_ =	shalt  }
0x4d: {  	_ =	shalt  }
0x4e: {  	_ =	shalt  }
0x4f: {  	_ =	shalt  }
0x50: {  	_ =	shalt  }
0x51: {  	_ =	shalt  }
0x52: {  	_ =	shalt  }
0x53: {  	_ =	shalt  }
0x54: {  	_ =	shalt  }
0x55: {  	_ =	shalt  }
0x56: {  	_ =	shalt  }
0x57: {  	_ =	shalt  }
0x58: {  	_ =	shalt  }
0x59: {  	_ =	shalt  }
0x5a: {  	_ =	shalt  }
0x5b: {  	_ =	shalt  }
0x5c: {  	_ =	shalt  }
0x5d: {  	_ =	shalt  }
0x5e: {  	_ =	shalt  }
0x5f: {  	_ =	shalt  }
0x60: {  	_ =	shalt  }
0x61: {  	_ =	shalt  }
0x62: {  	_ =	shalt  }
0x63: {  	_ =	shalt  }
0x64: {  	_ =	shalt  }
0x65: {  	_ =	shalt  }
0x66: {  	_ =	shalt  }
0x67: {  	_ =	shalt  }
0x68: {  	_ =	shalt  }
0x69: {  	_ =	shalt  }
0x6a: {  	_ =	shalt  }
0x6b: {  	_ =	shalt  }
0x6c: {  	_ =	shalt  }
0x6d: {  	_ =	shalt  }
0x6e: {  	_ =	shalt  }
0x6f: {  	_ =	shalt  }
0x70: {  	_ =	shalt  }
0x71: {  	_ =	shalt  }
0x72: {  	_ =	shalt  }
0x73: {  	_ =	shalt  }
0x74: {  	_ =	shalt  }
0x75: {  	_ =	shalt  }
0x76: {  	_ =	shalt  }
0x77: {  	_ =	shalt  }
0x78: {  	_ =	shalt  }
0x79: {  	_ =	shalt  }
0x7a: {  	_ =	shalt  }
0x7b: {  	_ =	shalt  }
0x7c: {  	_ =	shalt  }
0x7d: {  	_ =	shalt  }
0x7e: {  	_ =	shalt  }
0x7f: {  	_ =	shalt  }
0x80: {  	_ =	shalt  }
0x81: {  	_ =	shalt  }
0x82: {  	_ =	shalt  }
0x83: {  	_ =	shalt  }
0x84: {  	_ =	shalt  }
0x85: {  	_ =	shalt  }
0x86: {  	_ =	shalt  }
0x87: {  	_ =	shalt  }
.Lfunc_end0:
.L_simem_size_0:
called_computation_lowered:
.L_overlay_start_0:
0x88: {  	s2 =	sld [smem:$0x3FD9]  }
0x89: {  	s3 =	sld [smem:$0x3FFE];
	_ =	sdelay $0x1  }
0x8a: {  	s1 =	srdreg.scid  }
0x8b: {  	s0 =	sand.u32 $0x1, s1  }
0x8c: {  	s14 =	sshll.u32 s0, $0xA;
	s2 =	sadd.s32 s3, s2  }
0x8d: {  	s2 =	sadd.s32 s2, s14  }
0x8e: {  	[smem:$0x3FC0] =	sst s2  }
0x8f: {  	_ = 	snop  }
0x90: {  	s2 =	sld [smem:$0x3FD0];
	_ =	sdelay $0x2  }
0x91: {  	s15 =	simm.s32 $0xA;
	s4 =	simm.s32 $0x10  }
0x92: {  	[smem:s4], [sflag:s15] =	dma.local [hbm:s2], $0x1  }
0x93: {  	_ =	swait.eq [sflag:s15], $0x1  }
0x94: {  	[sflag:s15] =	ssyncset.done $0x0  }
0x95: {  	[sflag:s15] =	ssyncadd.s32 $0xFFFFFFFF  }
0x96: {  	s16 =	sld [smem:$0x10];
	(tm) =	ssettm $0x1  }
0x97: {  	s17 =	sld [smem:$0x3FFB];
	_ =	sdelay $0x3  }
0x98: {  	_ =	strace s17  }
0x99: {  	s3 =	sld [smem:$0x3FFC];
	_ =	sdelay $0x3  }
0x9a: {  	_ =	strace s3  }
0x9b: {  	s3 =	sld [smem:$0x3FFD];
	_ =	sdelay $0x3  }
0x9c: {  	_ =	strace s3  }
0x9d: {  	_ =	strace $0x8FFFFFFF  }
0x9e: {  	s18 =	sld [smem:$0x3FDB];
	_ =	sdelay $0x1  }
0x9f: {  	s19 =	simm.s32 $_scs_section_size  }
0xa0: {  	s5 =	simm.s32 $_size__tile_overlayer_lowered;
	s6 =	simm.s32 $_tile_overlayer_lowered  }
0xa1: {  	s22 =	simm.s32 $0x1BFF;
	s21 =	sshll.u32 s6, $0x1;
	s3 =	sadd.s32 s19, s18  }
0xa2: {  	s7 =	simm.s32 $0x0;
	s20 =	sshll.u32 s5, $0x1;
	s5 =	sadd.s32 s21, s3  }
0xa3: {  	[timem:s7], [sflag:s22] =	dma.local [hbm:s5], s20  }
0xa4: {  	_ =	swait.ge [sflag:s22], s20  }
0xa5: {  	s4 =	ssub.s32 $0x0, s20;
	[sflag:s22] =	ssyncset.done $0x0  }
0xa6: {  	[sflag:s22] =	ssyncadd.s32 s4;
	_ =	sdelay $0x1  }
0xa7: {  	s23 =	simm.s32 $0x1B8B  }
0xa8: {  	_ =	swait.ge [sflag:s23], $0x1  }
0xa9: {  	[sflag:s23] =	ssyncset.done $0x0  }
0xaa: {  	s25 =	simm.s32 $0x1B8E;
	s24 =	sld [smem:$0x3FFE];
	[sflag:s23] =	ssyncadd.s32 $0xFFFFFFFF  }
0xab: {  	s26 =	simm.s32 $execute0_lowered;
	[smem:$0x3FD2] =	sst s25  }
0xac: {  	s5 =	sshll.u32 s26, $0x1;
	_ =	strace $0x80000046;
	[dreg:$0x1] =	wrdreg $0xFFFFFFFF  }
0xad: {  	s28 =	simm.s32 $_size_execute0_lowered;
	s3 =	sadd.s32 s3, s5;
	[dreg:$0x0] =	wrdreg $0x0  }
0xae: {  	s5 =	sshll.u32 s28, $0x1;
	[dreg:$0x2] =	wrdreg s3  }
0xaf: {  	[dreg:$0x3] =	wrdreg s5  }
0xb0: {  	[dreg:$0x4] =	wrdreg $0xC0  }
0xb1: {  	_ =	task [dreg:s7], $0x5FFFF  }
0xb2: {  	[dreg:$0x1] =	wrdreg $0xFFFFFFFF  }
0xb3: {  	[dreg:$0x0] =	wrdreg $0x60  }
0xb4: {  	[dreg:$0x2] =	wrdreg s24  }
0xb5: {  	[dreg:$0x3] =	wrdreg s16  }
0xb6: {  	[dreg:$0x4] =	wrdreg $0x106800  }
0xb7: {  	[dreg:$0x5] =	wrdreg $0x9  }
0xb8: {  	_ =	task.clear_ibuf [dreg:s7], $0x6FFFF;
	_ =	strace $0x90000046  }
0xb9: {  	s29 =	simm.s32 $0x9;
	_ =	strace $0x80000048  }
0xba: {  	_ =	swait.ge [sflag:s29], $0x1  }
0xbb: {  	[sflag:s29] =	ssyncadd.s32 $0xFFFFFFFF  }
0xbc: {  	_ =	strace $0x90000048  }
0xbd: {  	_ =	sfence  }
0xbe: {  	s30 =	sld [smem:$0x0];
	_ =	sdelay $0x2  }
0xbf: {  	s31 =	sshll.u32 s1, $0xD;
	s1 =	sshrl.u32 s1, $0x2  }
0xc0: {  	s3 =	sand.u32 $0x4000, s31;
	s1 =	sadd.s32 s1, s30  }
0xc1: {  	s0 =	sor.u32 s3, s0;
	s1 =	sshll.u32 s1, $0x11  }
0xc2: {  	s0 =	sor.u32 s1, s0  }
0xc3: {  	s0 =	sadd.s32 $0x8F2B, s0  }
0xc4: {  	[sflag:s0] =	ssyncadd.remote.s32 $0x1  }
0xc5: {  	_ =	sfence.sel $0xFFFF  }
0xc6: {  	[dreg:$0x0] =	wrdreg $0xFFFFFFFF;
	(pc) =	sbr.abs _section_cstart, $3  }
0xc7: {  	[dreg:$0x1] =	wrdreg $0xFFFFFFFF  }
0xc8: {  	_ =	task.clear_ibuf [dreg:s7], $0x2FFFF;
	_ =	strace $0x9FFFFFFF  }
0xc9: {  	(tm) =	ssettm $0x7FFFFFFF  }
tec
execute0_lowered:
.L_overlay_start_1:
0x0: {  	(tag) =	ssettag $0x1  }
0x1: {  	s17 =	stileid.u32  }
0x2: {  	s3 =	srdreg.scid;
	s9 =	smul.u32 $0xC800, s17  }
0x3: {  	s3 =	sand.u32 $0x1, s3;
	s28 =	smul.u32 $0x640, s17  }
0x4: {  	s10 =	sor.u32 $0x10, s17;
	s6 =	smul.u32 $0x13880, s3  }
0x5: {  	s13 =	sor.u32 $0x20, s17;
	s12 =	smul.u32 $0xC800, s10  }
0x6: {  	s0 =	rddreg [dreg:$0x0];
	s15 =	sor.u32 $0x30, s17;
	s24 =	smul.u32 $0xC800, s13  }
0x7: {  	s2 =	rddreg [dreg:$0x1];
	s16 =	smul.u32 $0xC800, s15  }
0x8: {  	s1 =	rddreg [dreg:$0x2];
	s5 =	simm.s32 $0x0;
	s31 =	smul.u32 $0x640, s10  }
0x9: {  	s30 =	simm.s32 $0x3;
	[smem:$0x7FF] =	sst s5;
	s13 =	smul.u32 $0x640, s13  }
0xa: {  	s21 =	sadd.s32 $0x2000, s0;
	s4 =	sshll.u32 s3, $0x4;
	s19 =	smul.u32 $0x640, s15  }
0xb: {  	_ =	strace $0x80000047;
	s8 =	ssub.s32 $0x2, s3;
	s3 =	smul.u32 $0x4E200, s3  }
0xc: {  	p0 =	sgt.u32 s15, $0x31;
	s15 =	simm.s32 $0x3480;
	s23 =	sor.u32 s17, s4  }
0xd: {  	s4 =	sadd.s32 $0x63C00, s0;
	s11 =	sshrl.u32 s8, $0x1;
	s7 =	smul.u32 $0x4E20, s23  }
0xe: {  	s9 =	sshrl.u32 s9, $0x2;
	s0 =	sadd.s32 s6, s0;
	s6 =	smul.u32 $0x4E20, s17  }
0xf: {  	s8 =	ssub.s32 s8, s11;
	s12 =	sshrl.u32 s12, $0x2;
	s20 =	sshrl.u32 s24, $0x2  }
0x10: {  	s22 =	sshrl.u32 s16, $0x2;
	s23 =	smul.u32 $0x9C4, s17;
	s17 =	simm.s32 $0x4880  }
0x11: {  	s0 =	sadd.s32 $0x8AE00, s0;
	s29 =	smax.u32 s8, $0x1;
	s18 =	sadd.s32 s12, s1  }
0x12: {  	s16 =	sadd.s32 s20, s1;
	s11 =	sadd.s32 s22, s1;
	[dreg:$0x6] =	wrdreg s29  }
0x13: {  	s12 =	simm.s32 $0x4;
	s20 =	simm.s32 $0x5C80;
	[dreg:$0x8] =	wrdreg s18  }
0x14: {  	s7 =	sshrl.u32 s7, $0x3;
	s14 =	sshrl.u32 s6, $0x3;
	[dreg:$0x9] =	wrdreg s16  }
0x15: {  	s24 =	sadd.s32 s0, s28;
	s28 =	sadd.s32 s23, s2;
	[dreg:$0xa] =	wrdreg s11  }
0x16: {  	s29 =	sadd.s32 s6, s3;
	s25 =	sadd.s32 s21, s7;
	[dreg:$0xb] =	wrdreg s24  }
0x17: {  	s23 =	simm.s32 $0x50;
	s26 =	sadd.s32 s2, s14;
	[dreg:$0x4] =	wrdreg s25  }
0x18: {  	s3 =	simm.s32 $0x1;
	s14 =	sadd.s32 s9, s1;
	[dreg:$0x5] =	wrdreg s26  }
0x19: {  	s6 =	simm.s32 $0x2;
	s25 =	sadd.s32 s0, s31;
	[dreg:$0x7] =	wrdreg s14  }
0x1a: {  	s2 =	simm.s32 $0x0;
	s26 =	sadd.s32 s0, s13;
	[dreg:$0xc] =	wrdreg s25  }
0x1b: {  	s0 =	sadd.s32 s0, s19;
	s31 =	sadd.s32 $0x320, s29;
	[dreg:$0xd] =	wrdreg s26  }
0x1c: {  	s13 =	simm.s32 $0x2080;
	s19 =	simm.s32 $0x8480;
	[dreg:$0xe] =	wrdreg s0  }
0x1d: {  	s0 =	sadd.s32 $0x64, s28;
	[dreg:$0x10] =	wrdreg s31;
	s25 =	simm.s32 $0xC80  }
0x1e: {  	v0 =	vimm.f32 $0.0e+00;
	s26 =	simm.s32 $0x9880;
	[dreg:$0xf] =	wrdreg s0;
	s0 =	simm.s32 $0x7080  }
.LBB2_1:
0x1f: {  	s5 =	simm.s32 $0x0;
	s7 =	rddreg [dreg:$0x4]  }
0x20: {  	[tilespmem:s5], [sflag:$0x3] =	stream.linear.gather [hbm4b:s7+s5], $0x320, $0x38;
	[tilespmem:$0x1A2C0] =	vst v63  }
0x21: {  	s31 =	rddreg [dreg:$0x5];
	s8 =	simm.s32 $0x640  }
0x22: {  	[tilespmem:s8], [sflag:$0x3] =	stream.linear.gather [hbm4b:s31+s5], $0x320, $0x38;
	[tilespmem:$0x1A2C0] =	vst v63  }
0x23: {  	[dreg:$0x11] =	wrdreg s2;
	s9 =	simm.s32 $0x100;
	s8 =	simm.s32 $0x0  }
.LBB2_2:
0x24: {  	p1 =	sne.s32 s9, $0xC700;
	[tilespmem:s8+$0xD4B0] =	vst v0;
	s10 =	smov.u32 s9;
	s9 =	sadd.s32 $0x100, s9  }
.Ltmp0:
0x25: {  	[tilespmem:s8+$0xD4A0] =	vst v0;
	(pc) =	sbr.rel @p1 .LBB2_2-.Ltmp0, $3  }
0x26: {  	[tilespmem:s8+$0xD480] =	vst v0  }
0x27: {  	[tilespmem:s8+$0xD490] =	vst v0;
	_ =	sdelay $0x1  }
0x28: {  	s8 =	sshra.s32 s10, $0x2  }
0x29: {  	[tilespmem:s8+$0xD4B0] =	vst v0  }
0x2a: {  	[tilespmem:s8+$0xD4A0] =	vst v0  }
0x2b: {  	[tilespmem:s8+$0xD480] =	vst v0  }
0x2c: {  	[tilespmem:s8+$0xD490] =	vst v0;
	s5 =	simm.s32 $0xD480  }
0x2d: {  	[spmem:s14] =	stream.linear.scatter [tilespmem:s5], [sflag:$0x4], $0x3200, $0x38;
	[tilespmem:$0x1A2C0] =	vst v63  }
0x2e: {  	_ =	swait.ge [sflag:s12], $0x3200  }
0x2f: {  	[sflag:s12] =	ssyncset.done $0x0  }
0x30: {  	[sflag:s12] =	ssyncadd.s32 $0xFFFFCE00  }
0x31: {  	[spmem:s18] =	stream.linear.scatter [tilespmem:s5], [sflag:$0x4], $0x3200, $0x38;
	[tilespmem:$0x1A2C0] =	vst v63  }
0x32: {  	_ =	swait.ge [sflag:s12], $0x3200  }
0x33: {  	[sflag:s12] =	ssyncset.done $0x0  }
0x34: {  	[sflag:s12] =	ssyncadd.s32 $0xFFFFCE00  }
0x35: {  	[spmem:s16] =	stream.linear.scatter [tilespmem:s5], [sflag:$0x4], $0x3200, $0x38;
	[tilespmem:$0x1A2C0] =	vst v63  }
0x36: {  	_ =	swait.ge [sflag:s12], $0x3200  }
0x37: {  	[sflag:s12] =	ssyncset.done $0x0  }
0x38: {  	s8 =	simm.s32 @!p0 $0xD480;
	[sflag:s12] =	ssyncadd.s32 $0xFFFFCE00  }
0x39: {  	[spmem:s11] =	stream.linear.scatter @!p0 [tilespmem:s8], [sflag:$0x4], $0x3200, $0x38;
	[tilespmem:$0x1A2C0] =	vst v63  }
0x3a: {  	s8 =	simm.s32 @!p0 $0x4  }
0x3b: {  	_ =	swait.ge @!p0 [sflag:s8], $0x3200  }
0x3c: {  	[sflag:s8] =	ssyncset.done @!p0 $0x0  }
0x3d: {  	[sflag:s8] =	ssyncadd.s32 @!p0 $0xFFFFCE00  }
0x3e: {  	[bflag:$0x0] =	sbarrier.arrive $0xFFFF  }
0x3f: {  	_ =	swait.ge [sflag:s30], $0x320  }
0x40: {  	[sflag:s30] =	ssyncset.done $0x0  }
0x41: {  	s5 =	simm.s32 $0x0;
	[sflag:s30] =	ssyncadd.s32 $0xFFFFFCE0  }
0x42: {  	s8 =	sand.u32 $0x1, s5;
	_ =	swait.ge [sflag:s30], $0x320  }
0x43: {  	s9 =	smul.u32 $0x320, s8;
	[sflag:s30] =	ssyncset.done $0x0  }
0x44: {  	[sflag:s30] =	ssyncadd.s32 $0xFFFFFCE0  }
0x45: {  	[tilespmem:s25], [sflag:$0x1] =	stream.indirect.gather [hbm4b:s4+s23], $0x40, s9, s23, $0xb8;
	[tilespmem:$0x1A2C0] =	vst v63  }
0x46: {  	s10 =	sadd.s32 $0x50, s9  }
0x47: {  	[tilespmem:s13], [sflag:$0x1] =	stream.indirect.gather [hbm4b:s4+s23], $0x40, s10, s23, $0xb8;
	[tilespmem:$0x1A2C0] =	vst v63  }
0x48: {  	s11 =	sadd.s32 $0xA0, s9  }
0x49: {  	[tilespmem:s15], [sflag:$0x1] =	stream.indirect.gather [hbm4b:s4+s23], $0x40, s11, s23, $0xb8;
	[tilespmem:$0x1A2C0] =	vst v63  }
0x4a: {  	s12 =	sadd.s32 $0xF0, s9  }
0x4b: {  	[tilespmem:s17], [sflag:$0x1] =	stream.indirect.gather [hbm4b:s4+s23], $0x40, s12, s23, $0xb8;
	[tilespmem:$0x1A2C0] =	vst v63  }
0x4c: {  	s13 =	sadd.s32 $0x140, s9  }
0x4d: {  	[tilespmem:s20], [sflag:$0x1] =	stream.indirect.gather [hbm4b:s4+s23], $0x40, s13, s23, $0xb8;
	[tilespmem:$0x1A2C0] =	vst v63  }
0x4e: {  	s15 =	sadd.s32 $0x190, s9  }
0x4f: {  	[tilespmem:s0], [sflag:$0x1] =	stream.indirect.gather [hbm4b:s4+s23], $0x40, s15, s23, $0xb8;
	[tilespmem:$0x1A2C0] =	vst v63  }
0x50: {  	p1 =	por $0x0, $0x0;
	s16 =	sadd.s32 $0x1E0, s9  }
0x51: {  	[tilespmem:s19], [sflag:$0x1] =	stream.indirect.gather [hbm4b:s4+s23], $0x40, s16, s23, $0xb8;
	[tilespmem:$0x1A2C0] =	vst v63  }
0x52: {  	s2 =	simm.s32 $0xAC80;
	s7 =	simm.s32 $0xC080;
	s17 =	sadd.s32 $0x230, s9  }
0x53: {  	[tilespmem:s26], [sflag:$0x1] =	stream.indirect.gather [hbm4b:s4+s23], $0x40, s17, s23, $0xb8;
	[tilespmem:$0x1A2C0] =	vst v63  }
0x54: {  	s8 =	sxor.u32 @!p1 $0x1, s8;
	s24 =	rddreg [dreg:$0x10];
	s20 =	sadd.s32 $0x280, s9  }
0x55: {  	[tilespmem:s2], [sflag:$0x1] =	stream.indirect.gather [hbm4b:s4+s23], $0x40, s20, s23, $0xb8;
	[tilespmem:$0x1A2C0] =	vst v63  }
0x56: {  	s8 =	smul.u32 @!p1 $0x320, s8;
	s14 =	sadd.s32 $0x2D0, s9;
	s18 =	sshrl.u32 @!p1 s24, $0x3  }
0x57: {  	[tilespmem:s7], [sflag:$0x1] =	stream.indirect.gather [hbm4b:s4+s23], $0x40, s14, s23, $0xb8;
	[tilespmem:$0x1A2C0] =	vst v63  }
0x58: {  	s18 =	sadd.s32 @!p1 s21, s18;
	s7 =	simm.s32 @!p1 $0x0  }
0x59: {  	[tilespmem:s8], [sflag:$0x3] =	stream.linear.gather @!p1 [hbm4b:s18+s7], $0x320, $0x38;
	[tilespmem:$0x1A2C0] =	vst v63  }
0x5a: {  	s5 =	rddreg [dreg:$0xf];
	s8 =	sadd.s32 @!p1 $0x640, s8  }
0x5b: {  	[tilespmem:s8], [sflag:$0x3] =	stream.linear.gather @!p1 [hbm4b:s5+s7], $0x320, $0x38;
	[tilespmem:$0x1A2C0] =	vst v63  }
0x5c: {  	_ =	swait.ge [sflag:s3], $0x1400  }
0x5d: {  	[sflag:s3] =	ssyncset.done $0x0  }
0x5e: {  	s8 =	sadd.s32 $0x640, s9;
	[sflag:s3] =	ssyncadd.s32 $0xFFFFEC00  }
0x5f: {  	[spmem:s1] =	stream.indirect.scatter.add.f32 [tilespmem:s25], [sflag:$0x2], $0x40, s8, s23, $0xb8;
	[tilespmem:$0x1A2C0] =	vst v63  }
0x60: {  	_ =	swait.ge [sflag:s3], $0x1400  }
0x61: {  	[sflag:s3] =	ssyncset.done $0x0  }
0x62: {  	s28 =	simm.s32 $0x2080;
	s10 =	sadd.s32 $0x640, s10;
	[sflag:s3] =	ssyncadd.s32 $0xFFFFEC00  }
0x63: {  	[spmem:s1] =	stream.indirect.scatter.add.f32 [tilespmem:s28], [sflag:$0x2], $0x40, s10, s23, $0xb8;
	[tilespmem:$0x1A2C0] =	vst v63  }
0x64: {  	_ =	swait.ge [sflag:s3], $0x1400  }
0x65: {  	[sflag:s3] =	ssyncset.done $0x0  }
0x66: {  	s31 =	simm.s32 $0x3480;
	s11 =	sadd.s32 $0x640, s11;
	[sflag:s3] =	ssyncadd.s32 $0xFFFFEC00  }
0x67: {  	[spmem:s1] =	stream.indirect.scatter.add.f32 [tilespmem:s31], [sflag:$0x2], $0x40, s11, s23, $0xb8;
	[tilespmem:$0x1A2C0] =	vst v63  }
0x68: {  	_ =	swait.ge [sflag:s3], $0x1400  }
0x69: {  	[sflag:s3] =	ssyncset.done $0x0  }
0x6a: {  	s12 =	sadd.s32 $0x640, s12;
	s19 =	simm.s32 $0x4880;
	[sflag:s3] =	ssyncadd.s32 $0xFFFFEC00  }
0x6b: {  	[spmem:s1] =	stream.indirect.scatter.add.f32 [tilespmem:s19], [sflag:$0x2], $0x40, s12, s23, $0xb8;
	[tilespmem:$0x1A2C0] =	vst v63  }
0x6c: {  	_ =	swait.ge [sflag:s3], $0x1400  }
0x6d: {  	[sflag:s3] =	ssyncset.done $0x0  }
0x6e: {  	s29 =	simm.s32 $0x5C80;
	s13 =	sadd.s32 $0x640, s13;
	[sflag:s3] =	ssyncadd.s32 $0xFFFFEC00  }
0x6f: {  	[spmem:s1] =	stream.indirect.scatter.add.f32 [tilespmem:s29], [sflag:$0x2], $0x40, s13, s23, $0xb8;
	[tilespmem:$0x1A2C0] =	vst v63  }
0x70: {  	_ =	swait.ge [sflag:s3], $0x1400  }
0x71: {  	[sflag:s3] =	ssyncset.done $0x0  }
0x72: {  	s0 =	simm.s32 $0x7080;
	s18 =	sadd.s32 $0x640, s15;
	[sflag:s3] =	ssyncadd.s32 $0xFFFFEC00  }
0x73: {  	[spmem:s1] =	stream.indirect.scatter.add.f32 [tilespmem:s0], [sflag:$0x2], $0x40, s18, s23, $0xb8;
	[tilespmem:$0x1A2C0] =	vst v63  }
0x74: {  	_ =	swait.ge [sflag:s3], $0x1400  }
0x75: {  	[sflag:s3] =	ssyncset.done $0x0  }
0x76: {  	s22 =	simm.s32 $0x8480;
	s19 =	sadd.s32 $0x640, s16;
	[sflag:s3] =	ssyncadd.s32 $0xFFFFEC00  }
0x77: {  	[spmem:s1] =	stream.indirect.scatter.add.f32 [tilespmem:s22], [sflag:$0x2], $0x40, s19, s23, $0xb8;
	[tilespmem:$0x1A2C0] =	vst v63  }
0x78: {  	_ =	swait.ge [sflag:s3], $0x1400  }
0x79: {  	[sflag:s3] =	ssyncset.done $0x0  }
0x7a: {  	s22 =	sadd.s32 $0x640, s17;
	[sflag:s3] =	ssyncadd.s32 $0xFFFFEC00  }
0x7b: {  	[spmem:s1] =	stream.indirect.scatter.add.f32 [tilespmem:s26], [sflag:$0x2], $0x40, s22, s23, $0xb8;
	[tilespmem:$0x1A2C0] =	vst v63  }
0x7c: {  	_ =	swait.ge [sflag:s3], $0x1400  }
0x7d: {  	[sflag:s3] =	ssyncset.done $0x0  }
0x7e: {  	s9 =	simm.s32 $0xAC80;
	s28 =	sadd.s32 $0x640, s20;
	[sflag:s3] =	ssyncadd.s32 $0xFFFFEC00  }
0x7f: {  	[spmem:s1] =	stream.indirect.scatter.add.f32 [tilespmem:s9], [sflag:$0x2], $0x40, s28, s23, $0xb8;
	[tilespmem:$0x1A2C0] =	vst v63  }
0x80: {  	_ =	swait.ge [sflag:s3], $0x1400  }
0x81: {  	[sflag:s3] =	ssyncset.done $0x0  }
0x82: {  	s31 =	sadd.s32 $0x640, s14;
	s29 =	simm.s32 $0xC080;
	[sflag:s3] =	ssyncadd.s32 $0xFFFFEC00  }
0x83: {  	[spmem:s1] =	stream.indirect.scatter.add.f32 [tilespmem:s29], [sflag:$0x2], $0x40, s31, s23, $0xb8;
	[tilespmem:$0x1A2C0] =	vst v63  }
0x84: {  	_ =	swait.ge [sflag:s6], $0x1400  }
0x85: {  	[sflag:s6] =	ssyncset.done $0x0  }
0x86: {  	[sflag:s6] =	ssyncadd.s32 $0xFFFFEC00  }
0x87: {  	_ =	swait.ge [sflag:s6], $0x1400  }
0x88: {  	[sflag:s6] =	ssyncset.done $0x0  }
0x89: {  	[sflag:s6] =	ssyncadd.s32 $0xFFFFEC00  }
0x8a: {  	_ =	swait.ge [sflag:s6], $0x1400  }
0x8b: {  	[sflag:s6] =	ssyncset.done $0x0  }
0x8c: {  	[sflag:s6] =	ssyncadd.s32 $0xFFFFEC00  }
0x8d: {  	_ =	swait.ge [sflag:s6], $0x1400  }
0x8e: {  	[sflag:s6] =	ssyncset.done $0x0  }
0x8f: {  	[sflag:s6] =	ssyncadd.s32 $0xFFFFEC00  }
0x90: {  	_ =	swait.ge [sflag:s6], $0x1400  }
0x91: {  	[sflag:s6] =	ssyncset.done $0x0  }
0x92: {  	[sflag:s6] =	ssyncadd.s32 $0xFFFFEC00  }
0x93: {  	_ =	swait.ge [sflag:s6], $0x1400  }
0x94: {  	[sflag:s6] =	ssyncset.done $0x0  }
0x95: {  	[sflag:s6] =	ssyncadd.s32 $0xFFFFEC00  }
0x96: {  	_ =	swait.ge [sflag:s6], $0x1400  }
0x97: {  	[sflag:s6] =	ssyncset.done $0x0  }
0x98: {  	[sflag:s6] =	ssyncadd.s32 $0xFFFFEC00  }
0x99: {  	_ =	swait.ge [sflag:s6], $0x1400  }
0x9a: {  	[sflag:s6] =	ssyncset.done $0x0  }
0x9b: {  	[sflag:s6] =	ssyncadd.s32 $0xFFFFEC00  }
0x9c: {  	_ =	swait.ge [sflag:s6], $0x1400  }
0x9d: {  	[sflag:s6] =	ssyncset.done $0x0  }
0x9e: {  	[sflag:s6] =	ssyncadd.s32 $0xFFFFEC00  }
0x9f: {  	s8 =	simm.s32 $0x1;
	_ =	swait.ge [sflag:s6], $0x1400  }
0xa0: {  	s13 =	sadd.s32 $0x320, s24;
	s17 =	smov.u32 s5;
	[sflag:s6] =	ssyncset.done $0x0  }
.LBB2_4:
0xa1: {  	[sflag:s6] =	ssyncadd.s32 $0xFFFFEC00  }
0xa2: {  	s17 =	sadd.s32 $0x64, s17;
	s7 =	smov.u32 s8;
	s8 =	sadd.s32 $0x1, s8  }
0xa3: {  	_ =	swait.ge [sflag:s30], $0x320;
	p1 =	sne.s32 s8, $0x19  }
0xa4: {  	s28 =	simm.s32 $0xC080;
	s2 =	simm.s32 $0xAC80;
	[sflag:s30] =	ssyncset.done $0x0  }
0xa5: {  	s15 =	simm.s32 $0x9880;
	s31 =	simm.s32 $0x2080;
	[sflag:s30] =	ssyncadd.s32 $0xFFFFFCE0  }
0xa6: {  	s9 =	sand.u32 $0x1, s7;
	p2 =	seq.s32 s7, $0x18;
	_ =	swait.ge [sflag:s30], $0x320  }
0xa7: {  	s7 =	smul.u32 $0x320, s9;
	s9 =	sxor.u32 @!p2 $0x1, s9;
	[sflag:s30] =	ssyncset.done $0x0  }
0xa8: {  	s14 =	smul.u32 @!p2 $0x320, s9;
	s9 =	sshrl.u32 @!p2 s13, $0x3;
	[sflag:s30] =	ssyncadd.s32 $0xFFFFFCE0  }
0xa9: {  	[tilespmem:s25], [sflag:$0x1] =	stream.indirect.gather [hbm4b:s4+s23], $0x40, s7, s23, $0xb8;
	[tilespmem:$0x1A2C0] =	vst v63  }
0xaa: {  	s18 =	sadd.s32 $0x50, s7;
	s26 =	sadd.s32 @!p2 s21, s9;
	s5 =	sadd.s32 @!p2 $0x640, s14  }
0xab: {  	[tilespmem:s31], [sflag:$0x1] =	stream.indirect.gather [hbm4b:s4+s23], $0x40, s18, s23, $0xb8;
	[tilespmem:$0x1A2C0] =	vst v63  }
0xac: {  	s0 =	simm.s32 $0x3480;
	s24 =	sadd.s32 $0xA0, s7  }
0xad: {  	[tilespmem:s0], [sflag:$0x1] =	stream.indirect.gather [hbm4b:s4+s23], $0x40, s24, s23, $0xb8;
	[tilespmem:$0x1A2C0] =	vst v63  }
0xae: {  	s19 =	simm.s32 $0x4880;
	s12 =	sadd.s32 $0xF0, s7  }
0xaf: {  	[tilespmem:s19], [sflag:$0x1] =	stream.indirect.gather [hbm4b:s4+s23], $0x40, s12, s23, $0xb8;
	[tilespmem:$0x1A2C0] =	vst v63  }
0xb0: {  	s29 =	simm.s32 $0x5C80;
	s11 =	sadd.s32 $0x140, s7  }
0xb1: {  	[tilespmem:s29], [sflag:$0x1] =	stream.indirect.gather [hbm4b:s4+s23], $0x40, s11, s23, $0xb8;
	[tilespmem:$0x1A2C0] =	vst v63  }
0xb2: {  	s10 =	sadd.s32 $0x190, s7;
	s30 =	simm.s32 $0x7080  }
0xb3: {  	[tilespmem:s30], [sflag:$0x1] =	stream.indirect.gather [hbm4b:s4+s23], $0x40, s10, s23, $0xb8;
	[tilespmem:$0x1A2C0] =	vst v63  }
0xb4: {  	s22 =	simm.s32 $0x8480;
	s9 =	sadd.s32 $0x1E0, s7  }
0xb5: {  	[tilespmem:s22], [sflag:$0x1] =	stream.indirect.gather [hbm4b:s4+s23], $0x40, s9, s23, $0xb8;
	[tilespmem:$0x1A2C0] =	vst v63  }
0xb6: {  	s20 =	sadd.s32 $0x230, s7  }
0xb7: {  	[tilespmem:s15], [sflag:$0x1] =	stream.indirect.gather [hbm4b:s4+s23], $0x40, s20, s23, $0xb8;
	[tilespmem:$0x1A2C0] =	vst v63  }
0xb8: {  	s16 =	sadd.s32 $0x280, s7  }
0xb9: {  	[tilespmem:s2], [sflag:$0x1] =	stream.indirect.gather [hbm4b:s4+s23], $0x40, s16, s23, $0xb8;
	[tilespmem:$0x1A2C0] =	vst v63  }
0xba: {  	s15 =	sadd.s32 $0x2D0, s7  }
0xbb: {  	[tilespmem:s28], [sflag:$0x1] =	stream.indirect.gather [hbm4b:s4+s23], $0x40, s15, s23, $0xb8;
	[tilespmem:$0x1A2C0] =	vst v63  }
0xbc: {  	s25 =	simm.s32 @!p2 $0x0  }
0xbd: {  	[tilespmem:s14], [sflag:$0x3] =	stream.linear.gather @!p2 [hbm4b:s26+s25], $0x320, $0x38;
	[tilespmem:$0x1A2C0] =	vst v63  }
0xbe: {  	s26 =	simm.s32 $0x9880;
	_ =	sdelay $0x1  }
0xbf: {  	[tilespmem:s5], [sflag:$0x3] =	stream.linear.gather @!p2 [hbm4b:s17+s25], $0x320, $0x38;
	[tilespmem:$0x1A2C0] =	vst v63  }
0xc0: {  	s25 =	simm.s32 $0xC80  }
0xc1: {  	_ =	swait.ge [sflag:s3], $0x1400  }
0xc2: {  	[sflag:s3] =	ssyncset.done $0x0  }
0xc3: {  	s5 =	sadd.s32 $0x640, s7;
	[sflag:s3] =	ssyncadd.s32 $0xFFFFEC00  }
0xc4: {  	[spmem:s1] =	stream.indirect.scatter.add.f32 [tilespmem:s25], [sflag:$0x2], $0x40, s5, s23, $0xb8;
	[tilespmem:$0x1A2C0] =	vst v63  }
0xc5: {  	_ =	swait.ge [sflag:s3], $0x1400  }
0xc6: {  	[sflag:s3] =	ssyncset.done $0x0  }
0xc7: {  	s5 =	sadd.s32 $0x640, s18;
	[sflag:s3] =	ssyncadd.s32 $0xFFFFEC00  }
0xc8: {  	[spmem:s1] =	stream.indirect.scatter.add.f32 [tilespmem:s31], [sflag:$0x2], $0x40, s5, s23, $0xb8;
	[tilespmem:$0x1A2C0] =	vst v63  }
0xc9: {  	_ =	swait.ge [sflag:s3], $0x1400  }
0xca: {  	[sflag:s3] =	ssyncset.done $0x0  }
0xcb: {  	s5 =	sadd.s32 $0x640, s24;
	[sflag:s3] =	ssyncadd.s32 $0xFFFFEC00  }
0xcc: {  	[spmem:s1] =	stream.indirect.scatter.add.f32 [tilespmem:s0], [sflag:$0x2], $0x40, s5, s23, $0xb8;
	[tilespmem:$0x1A2C0] =	vst v63  }
0xcd: {  	_ =	swait.ge [sflag:s3], $0x1400  }
0xce: {  	[sflag:s3] =	ssyncset.done $0x0  }
0xcf: {  	s5 =	sadd.s32 $0x640, s12;
	[sflag:s3] =	ssyncadd.s32 $0xFFFFEC00  }
0xd0: {  	[spmem:s1] =	stream.indirect.scatter.add.f32 [tilespmem:s19], [sflag:$0x2], $0x40, s5, s23, $0xb8;
	[tilespmem:$0x1A2C0] =	vst v63  }
0xd1: {  	_ =	swait.ge [sflag:s3], $0x1400  }
0xd2: {  	[sflag:s3] =	ssyncset.done $0x0  }
0xd3: {  	s5 =	sadd.s32 $0x640, s11;
	[sflag:s3] =	ssyncadd.s32 $0xFFFFEC00  }
0xd4: {  	[spmem:s1] =	stream.indirect.scatter.add.f32 [tilespmem:s29], [sflag:$0x2], $0x40, s5, s23, $0xb8;
	[tilespmem:$0x1A2C0] =	vst v63  }
0xd5: {  	_ =	swait.ge [sflag:s3], $0x1400  }
0xd6: {  	[sflag:s3] =	ssyncset.done $0x0  }
0xd7: {  	s5 =	sadd.s32 $0x640, s10;
	[sflag:s3] =	ssyncadd.s32 $0xFFFFEC00  }
0xd8: {  	[spmem:s1] =	stream.indirect.scatter.add.f32 [tilespmem:s30], [sflag:$0x2], $0x40, s5, s23, $0xb8;
	[tilespmem:$0x1A2C0] =	vst v63  }
0xd9: {  	s30 =	simm.s32 $0x3  }
0xda: {  	_ =	swait.ge [sflag:s3], $0x1400  }
0xdb: {  	[sflag:s3] =	ssyncset.done $0x0  }
0xdc: {  	s2 =	simm.s32 $0xAC80;
	s5 =	sadd.s32 $0x640, s9;
	[sflag:s3] =	ssyncadd.s32 $0xFFFFEC00  }
0xdd: {  	[spmem:s1] =	stream.indirect.scatter.add.f32 [tilespmem:s22], [sflag:$0x2], $0x40, s5, s23, $0xb8;
	[tilespmem:$0x1A2C0] =	vst v63  }
0xde: {  	_ =	swait.ge [sflag:s3], $0x1400  }
0xdf: {  	[sflag:s3] =	ssyncset.done $0x0  }
0xe0: {  	s5 =	sadd.s32 $0x640, s20;
	[sflag:s3] =	ssyncadd.s32 $0xFFFFEC00  }
0xe1: {  	[spmem:s1] =	stream.indirect.scatter.add.f32 [tilespmem:s26], [sflag:$0x2], $0x40, s5, s23, $0xb8;
	[tilespmem:$0x1A2C0] =	vst v63  }
0xe2: {  	_ =	swait.ge [sflag:s3], $0x1400  }
0xe3: {  	[sflag:s3] =	ssyncset.done $0x0  }
0xe4: {  	s5 =	sadd.s32 $0x640, s16;
	[sflag:s3] =	ssyncadd.s32 $0xFFFFEC00  }
0xe5: {  	[spmem:s1] =	stream.indirect.scatter.add.f32 [tilespmem:s2], [sflag:$0x2], $0x40, s5, s23, $0xb8;
	[tilespmem:$0x1A2C0] =	vst v63  }
0xe6: {  	s2 =	simm.s32 $0xC080  }
0xe7: {  	_ =	swait.ge [sflag:s3], $0x1400  }
0xe8: {  	[sflag:s3] =	ssyncset.done $0x0  }
0xe9: {  	s5 =	sadd.s32 $0x640, s15;
	[sflag:s3] =	ssyncadd.s32 $0xFFFFEC00  }
0xea: {  	[spmem:s1] =	stream.indirect.scatter.add.f32 [tilespmem:s2], [sflag:$0x2], $0x40, s5, s23, $0xb8;
	[tilespmem:$0x1A2C0] =	vst v63  }
0xeb: {  	_ =	swait.ge [sflag:s6], $0x1400  }
0xec: {  	[sflag:s6] =	ssyncset.done $0x0  }
0xed: {  	[sflag:s6] =	ssyncadd.s32 $0xFFFFEC00  }
0xee: {  	_ =	swait.ge [sflag:s6], $0x1400  }
0xef: {  	[sflag:s6] =	ssyncset.done $0x0  }
0xf0: {  	[sflag:s6] =	ssyncadd.s32 $0xFFFFEC00  }
0xf1: {  	_ =	swait.ge [sflag:s6], $0x1400  }
0xf2: {  	[sflag:s6] =	ssyncset.done $0x0  }
0xf3: {  	[sflag:s6] =	ssyncadd.s32 $0xFFFFEC00  }
0xf4: {  	_ =	swait.ge [sflag:s6], $0x1400  }
0xf5: {  	[sflag:s6] =	ssyncset.done $0x0  }
0xf6: {  	[sflag:s6] =	ssyncadd.s32 $0xFFFFEC00  }
0xf7: {  	_ =	swait.ge [sflag:s6], $0x1400  }
0xf8: {  	[sflag:s6] =	ssyncset.done $0x0  }
0xf9: {  	[sflag:s6] =	ssyncadd.s32 $0xFFFFEC00  }
0xfa: {  	_ =	swait.ge [sflag:s6], $0x1400  }
0xfb: {  	[sflag:s6] =	ssyncset.done $0x0  }
0xfc: {  	[sflag:s6] =	ssyncadd.s32 $0xFFFFEC00  }
0xfd: {  	_ =	swait.ge [sflag:s6], $0x1400  }
0xfe: {  	[sflag:s6] =	ssyncset.done $0x0  }
0xff: {  	[sflag:s6] =	ssyncadd.s32 $0xFFFFEC00  }
0x100: {  	_ =	swait.ge [sflag:s6], $0x1400  }
0x101: {  	[sflag:s6] =	ssyncset.done $0x0  }
0x102: {  	[sflag:s6] =	ssyncadd.s32 $0xFFFFEC00  }
.Ltmp1:
0x103: {  	_ =	swait.ge [sflag:s6], $0x1400;
	(pc) =	sbr.rel @p1 .LBB2_4-.Ltmp1, $4  }
0x104: {  	[sflag:s6] =	ssyncset.done $0x0  }
0x105: {  	[sflag:s6] =	ssyncadd.s32 $0xFFFFEC00  }
0x106: {  	_ =	swait.ge [sflag:s6], $0x1400  }
0x107: {  	s13 =	sadd.s32 $0x320, s13;
	[sflag:s6] =	ssyncset.done $0x0  }
0x108: {  	[sflag:s6] =	ssyncadd.s32 $0xFFFFEC00  }
0x109: {  	s5 =	stileid.u32;
	[bflag:$0x0] =	sbarrier.arrive $0xFFFF  }
0x10a: {  	s12 =	simm.s32 $0x4;
	s5 =	sshll.u32 s5, $0x6;
	s14 =	rddreg [dreg:$0x7]  }
0x10b: {  	s5 =	sor.u32 $0x1C04, s5;
	s8 =	rddreg [dreg:$0xb];
	s7 =	sshrl.u32 s14, $0x3  }
0x10c: {  	[hbm:s8], [sflag:s5] =	dma.local [spmem:s7], $0x640  }
0x10d: {  	_ =	swait.ge [sflag:s12], $0x640  }
0x10e: {  	[sflag:s12] =	ssyncset.done $0x0;
	s18 =	rddreg [dreg:$0x8]  }
0x10f: {  	s24 =	rddreg [dreg:$0xc];
	[sflag:s12] =	ssyncadd.s32 $0xFFFFF9C0;
	s22 =	sshrl.u32 s18, $0x3  }
0x110: {  	[hbm:s24], [sflag:s5] =	dma.local [spmem:s22], $0x640  }
0x111: {  	_ =	swait.ge [sflag:s12], $0x640  }
0x112: {  	[sflag:s12] =	ssyncset.done $0x0;
	s16 =	rddreg [dreg:$0x9]  }
0x113: {  	s29 =	rddreg [dreg:$0xd];
	[sflag:s12] =	ssyncadd.s32 $0xFFFFF9C0;
	s28 =	sshrl.u32 s16, $0x3  }
0x114: {  	[hbm:s29], [sflag:s5] =	dma.local [spmem:s28], $0x640  }
0x115: {  	_ =	swait.ge [sflag:s12], $0x640  }
0x116: {  	[sflag:s12] =	ssyncset.done $0x0;
	s11 =	rddreg [dreg:$0xa]  }
0x117: {  	s8 =	rddreg [dreg:$0xe];
	[sflag:s12] =	ssyncadd.s32 $0xFFFFF9C0;
	s7 =	sshrl.u32 @!p0 s11, $0x3  }
0x118: {  	[hbm:s8], [sflag:s5] =	dma.local @!p0 [spmem:s7], $0x640  }
0x119: {  	s5 =	simm.s32 @!p0 $0x4  }
0x11a: {  	_ =	swait.ge @!p0 [sflag:s5], $0x640  }
0x11b: {  	s2 =	rddreg [dreg:$0x11]  }
0x11c: {  	s31 =	rddreg [dreg:$0x6];
	s2 =	sadd.s32 $0x1, s2  }
0x11d: {  	p1 =	sne.s32 s2, s31  }
.Ltmp2:
0x11e: {  	_ = 	snop;
	(pc) =	sbr.rel @p1 .LBB2_1-.Ltmp2, $4  }
0x11f: {  	_ = 	snop  }
0x120: {  	s13 =	simm.s32 $0x2080;
	s15 =	simm.s32 $0x3480  }
0x121: {  	s17 =	simm.s32 $0x4880;
	s20 =	simm.s32 $0x5C80;
	[sflag:s5] =	ssyncset.done @!p0 $0x0  }
0x122: {  	s0 =	simm.s32 $0x7080;
	s19 =	simm.s32 $0x8480;
	[sflag:s5] =	ssyncadd.s32 @!p0 $0xFFFFF9C0  }
0x123: {  	_ =	sfence.sel $0x180000  }
0x124: {  	[bflag:$0x0] =	sbarrier.arrive $0xFFFF  }
0x125: {  	_ =	strace $0x90000047  }
0x126: {  	s0 =	stileid.u32;
	[bflag:$0x2] =	sbarrier.arrive $0xFFFF  }
0x127: {  	p0 =	sne.s32 s0, $0x0;
	s0 =	rddreg [dreg:$0x3]  }
0x128: {  	s0 =	sadd.s32 @!p0 $0x100000, s0  }
0x129: {  	[sflag:s0] =	ssyncadd.tile.s32 @!p0 $0x1;
	_ =	shalt  }
.Lfunc_end2:
_tile_overlayer_lowered:
.L_overlay_start_2:
0x12a: {  	(tag) =	ssettag $0x2  }
0x12b: {  	s0 =	rddreg [dreg:$0x0];
	s2 =	stileid.u32  }
0x12c: {  	s1 =	rddreg [dreg:$0x1];
	p0 =	sne.s32 s2, $0x0  }
0x12d: {  	s3 =	rddreg [dreg:$0x2];
	[bflag:$0x3] =	sbarrier.arrive $0xFFFF;
	s2 =	simm.s32 @!p0 $0x1C04  }
0x12e: {  	[timem:s3], [sflag:s2] =	dma.local @!p0 [hbm:s0], s1  }
0x12f: {  	s0 =	simm.s32 @!p0 $0x4  }
0x130: {  	_ =	swait.ge @!p0 [sflag:s0], s1  }
0x131: {  	s1 =	ssub.s32 @!p0 $0x0, s1;
	[sflag:s0] =	ssyncset.done @!p0 $0x0  }
0x132: {  	[sflag:s0] =	ssyncadd.s32 @!p0 s1  }
0x133: {  	[bflag:$0x3] =	sbarrier.arrive $0xFFFF  }
0x134: {  	_ =	shalt  }

</sc_bundles>
